<compile_context>
chip_gen: v7x
topology: tpu7x:2x2x1
jax: 0.10.2.dev20260603
libtpu: 0.0.44.dev20260713+nightly
codegen_flags: <defaults>
</compile_context>

<pallas_src>
import functools

import jax
import jax.numpy as jnp
from jax import lax
from jax.experimental import pallas as pl
from jax.experimental.pallas import tpu as pltpu
from jax.experimental.pallas import tpu_sc as plsc

N = 10000
NPAD = 10240
D = 128
E = 320000
NS = 16
EPT = E // NS
ECH = 4000
NCH = EPT // ECH
ECH4 = ECH * 4
NPS = NPAD // NS
SLW = NPS * 4
NPAD4 = NPAD * 4
NPAD2 = NPAD * 2
XCH = 80
NXC = NPS // XCH

_f32 = jnp.float32
_i32 = jnp.int32


def _rsqrt_newton(d):
    d = jnp.maximum(d, 0.25)
    i = lax.bitcast_convert_type(d, _i32)
    i = 0x5F3759DF - lax.shift_right_logical(i, 1)
    y = lax.bitcast_convert_type(i, _f32)
    for _ in range(3):
        y = y * (1.5 - 0.5 * d * y * y)
    return y


def _bf16r(x):
    i = lax.bitcast_convert_type(x, _i32)
    r = i + 0x7FFF + jnp.bitwise_and(lax.shift_right_logical(i, 16), 1)
    r = jnp.bitwise_and(r, -65536)
    return lax.bitcast_convert_type(r, _f32)


def _tanh16(v):
    vm = jnp.minimum(jnp.maximum(v, -15.0), 15.0)
    e = jnp.exp(2.0 * vm)
    return 1.0 - 2.0 / (e + 1.0)


_sc_mesh = plsc.VectorSubcoreMesh(
    core_axis_name="c", subcore_axis_name="s", num_cores=1
)


@functools.partial(
    pl.kernel,
    out_type=(
        jax.ShapeDtypeStruct((NPAD4,), _f32),
        jax.ShapeDtypeStruct((NPAD2,), _f32),
    ),
    mesh=_sc_mesh,
    compiler_params=pltpu.CompilerParams(
        needs_layout_passes=False, use_tc_tiling_on_sc=False
    ),
    scratch_types=[
        pltpu.VMEM_SHARED((NPAD,), _f32),
        pltpu.VMEM_SHARED((NPAD4,), _f32),
        pltpu.VMEM_SHARED((NPAD4,), _f32),
        pltpu.VMEM((ECH,), _i32),
        pltpu.VMEM((ECH,), _i32),
        pltpu.VMEM((ECH4,), _i32),
        pltpu.VMEM((ECH4,), _i32),
        pltpu.VMEM((ECH4,), _f32),
        pltpu.VMEM((NPAD,), _f32),
        pltpu.VMEM((SLW,), _f32),
        pltpu.VMEM((SLW,), _f32),
        pltpu.VMEM((NPAD2 // NS,), _f32),
        pltpu.VMEM((XCH, D), _f32),
        pltpu.VMEM((512 * 16,), _f32),
        pltpu.VMEM((D, 4), _f32),
        pltpu.VMEM((4, 4), _f32),
        pltpu.VMEM((4, 2), _f32),
        pltpu.VMEM((2, 4), _f32),
        pltpu.VMEM((4,), _f32),
        pltpu.VMEM((4,), _f32),
        pltpu.VMEM((2,), _f32),
        pltpu.VMEM((4,), _f32),
        pltpu.VMEM((16,), _f32),
    ],
)
def _sc_gcn(edge_hbm, x_hbm, w1_hbm, b1_hbm, w2_hbm, b2_hbm, w3_hbm, b3_hbm,
            wl_hbm, bl_hbm,
            out_hbm, h3_hbm,
            deg_sh, gs_sh, acc_sh, ea_v, eb_v, ia_v, ib_v, up_v, dinv_v,
            sl_v, pa_v, sh_v, xc_v, w1_v, w2d_v, wa_v, wb_v, wc_v,
            b1_v, b2_v, b3_v, bl_v, tb_v):
    sid = lax.axis_index("s")
    iota = lax.iota(_i32, 16)
    nodeoff = lax.shift_right_logical(iota, 2)
    feat = jnp.bitwise_and(iota, 3)
    blk = jnp.bitwise_and(iota, 12)
    ones16 = jnp.full((16,), 1.0, _f32)
    zeros16 = jnp.zeros((16,), _f32)
    fmask2 = jnp.where(feat < 2, 1.0, 0.0)
    feat01 = jnp.bitwise_and(feat, 1)
    nbase = sid * NPS

    pltpu.sync_copy(w1_hbm, w2d_v)
    pltpu.sync_copy(w2_hbm, wa_v)
    pltpu.sync_copy(w3_hbm, wb_v)
    pltpu.sync_copy(wl_hbm, wc_v)
    pltpu.sync_copy(b1_hbm, b1_v)
    pltpu.sync_copy(b2_hbm, b2_v)
    pltpu.sync_copy(b3_hbm, b3_v)
    pltpu.sync_copy(bl_hbm, bl_v)

    def wfill(kd, c):
        krow = jnp.broadcast_to(kd, (16,))
        for f in range(4):
            v = plsc.load_gather(w2d_v, [krow, jnp.broadcast_to(f, (16,))])
            w1_v[pl.ds(kd * 64 + f * 16, 16)] = _bf16r(v)
        return c

    lax.fori_loop(0, D, wfill, 0)

    def ofill(j, c):
        up_v[pl.ds(j * 16, 16)] = ones16
        return c

    lax.fori_loop(0, ECH // 16, ofill, 0)

    def zdfill(j, c):
        sl_v[pl.ds(j * 16, 16)] = zeros16
        return c

    lax.fori_loop(0, NPS // 16, zdfill, 0)
    pltpu.sync_copy(sl_v.at[pl.ds(0, NPS)], deg_sh.at[pl.ds(nbase, NPS)])
    plsc.subcore_barrier()

    def dbody(c, k):
        pltpu.sync_copy(edge_hbm.at[1, pl.ds(sid * EPT + c * ECH, ECH)], eb_v)
        pltpu.sync_copy(up_v.at[pl.ds(0, ECH)], deg_sh.at[eb_v], add=True)
        return k

    lax.fori_loop(0, NCH, dbody, 0)
    plsc.subcore_barrier()

    pltpu.sync_copy(deg_sh, dinv_v)

    def rbody(j, c):
        dinv_v[pl.ds(j * 16, 16)] = _rsqrt_newton(
            dinv_v[pl.ds(j * 16, 16)] + 1.0
        )
        return c

    lax.fori_loop(0, NPAD // 16, rbody, 0)

    def xchunk(cc, k):
        start = nbase + cc * XCH

        @pl.when(start < N)
        def _():
            pltpu.sync_copy(x_hbm.at[pl.ds(start, XCH), :], xc_v)
            ngr = XCH // 16

            def kbody(kd, accs):
                kcol = jnp.broadcast_to(kd, (16,))
                wb = jnp.broadcast_to(kd * 64, (16,)) + iota
                w0 = plsc.load_gather(w1_v, [wb])
                w1w = plsc.load_gather(w1_v, [wb + 16])
                w2w = plsc.load_gather(w1_v, [wb + 32])
                w3w = plsc.load_gather(w1_v, [wb + 48])
                out = []
                for g in range(ngr):
                    rows16 = g * 16 + iota
                    xv = _bf16r(plsc.load_gather(xc_v, [rows16, kcol]))
                    out.append(accs[g * 4 + 0] + xv * w0)
                    out.append(accs[g * 4 + 1] + xv * w1w)
                    out.append(accs[g * 4 + 2] + xv * w2w)
                    out.append(accs[g * 4 + 3] + xv * w3w)
                return tuple(out)

            accs = lax.fori_loop(0, D, kbody, (zeros16,) * (4 * ngr))
            for g in range(ngr):
                rows16 = g * 16 + iota
                dix = plsc.load_gather(dinv_v, [start + rows16])
                lidx = (cc * XCH + rows16) * 4
                plsc.store_scatter(sl_v, [lidx], accs[g * 4 + 0] * dix)
                plsc.store_scatter(sl_v, [lidx + 1], accs[g * 4 + 1] * dix)
                plsc.store_scatter(sl_v, [lidx + 2], accs[g * 4 + 2] * dix)
                plsc.store_scatter(sl_v, [lidx + 3], accs[g * 4 + 3] * dix)

        @pl.when(start >= N)
        def _():
            def zg2(j, kk):
                sl_v[pl.ds(cc * XCH * 4 + j * 16, 16)] = zeros16
                return kk

            lax.fori_loop(0, XCH * 4 // 16, zg2, 0)

        return k

    lax.fori_loop(0, NXC, xchunk, 0)
    pltpu.sync_copy(sl_v, gs_sh.at[pl.ds(nbase * 4, SLW)])
    pltpu.sync_copy(sl_v, acc_sh.at[pl.ds(nbase * 4, SLW)])
    plsc.subcore_barrier()

    def edge_phase():
        def body(c, k):
            base = sid * EPT + c * ECH
            pltpu.sync_copy(edge_hbm.at[0, pl.ds(base, ECH)], ea_v)
            pltpu.sync_copy(edge_hbm.at[1, pl.ds(base, ECH)], eb_v)

            def ifill(j, kk):
                s4 = ea_v[pl.ds(j * 16, 16)] * 4
                d4 = eb_v[pl.ds(j * 16, 16)] * 4
                ia_v[pl.ds(j * 16, 16)] = s4
                ia_v[pl.ds(ECH + j * 16, 16)] = s4 + 1
                ia_v[pl.ds(2 * ECH + j * 16, 16)] = s4 + 2
                ia_v[pl.ds(3 * ECH + j * 16, 16)] = s4 + 3
                ib_v[pl.ds(j * 16, 16)] = d4
                ib_v[pl.ds(ECH + j * 16, 16)] = d4 + 1
                ib_v[pl.ds(2 * ECH + j * 16, 16)] = d4 + 2
                ib_v[pl.ds(3 * ECH + j * 16, 16)] = d4 + 3
                return kk

            lax.fori_loop(0, ECH // 16, ifill, 0)
            pltpu.sync_copy(gs_sh.at[ia_v], up_v)
            pltpu.sync_copy(up_v, acc_sh.at[ib_v], add=True)
            return k

        lax.fori_loop(0, NCH, body, 0)
        plsc.subcore_barrier()

    def epilogue(layer):
        pltpu.sync_copy(acc_sh.at[pl.ds(nbase * 4, SLW)], pa_v)
        if layer == 0:
            bvec = plsc.load_gather(b1_v, [feat])
            w0 = plsc.load_gather(wa_v, [jnp.broadcast_to(0, (16,)), feat])
            w1r = plsc.load_gather(wa_v, [jnp.broadcast_to(1, (16,)), feat])
            w2r = plsc.load_gather(wa_v, [jnp.broadcast_to(2, (16,)), feat])
            w3r = plsc.load_gather(wa_v, [jnp.broadcast_to(3, (16,)), feat])
        else:
            bvec = plsc.load_gather(b2_v, [feat])
            w0 = plsc.load_gather(wb_v, [jnp.broadcast_to(0, (16,)), feat01])
            w1r = plsc.load_gather(wb_v, [jnp.broadcast_to(1, (16,)), feat01])
            w2r = plsc.load_gather(wb_v, [jnp.broadcast_to(2, (16,)), feat01])
            w3r = plsc.load_gather(wb_v, [jnp.broadcast_to(3, (16,)), feat01])
            w0 = w0 * fmask2
            w1r = w1r * fmask2
            w2r = w2r * fmask2
            w3r = w3r * fmask2
        w0 = _bf16r(w0)
        w1r = _bf16r(w1r)
        w2r = _bf16r(w2r)
        w3r = _bf16r(w3r)

        def ebody(j, c):
            v = pa_v[pl.ds(j * 16, 16)]
            dix = plsc.load_gather(dinv_v, [nbase + j * 4 + nodeoff])
            v = v * dix + bvec
            t = _tanh16(v)
            tb_v[...] = _bf16r(t)
            acc = plsc.load_gather(tb_v, [blk]) * w0
            acc = acc + plsc.load_gather(tb_v, [blk + 1]) * w1r
            acc = acc + plsc.load_gather(tb_v, [blk + 2]) * w2r
            acc = acc + plsc.load_gather(tb_v, [blk + 3]) * w3r
            sl_v[pl.ds(j * 16, 16)] = acc * dix
            return c

        lax.fori_loop(0, SLW // 16, ebody, 0)
        pltpu.sync_copy(sl_v, acc_sh.at[pl.ds(nbase * 4, SLW)])
        pltpu.sync_copy(sl_v, gs_sh.at[pl.ds(nbase * 4, SLW)])
        plsc.subcore_barrier()

    edge_phase()
    epilogue(0)
    edge_phase()
    epilogue(1)
    edge_phase()

    pltpu.sync_copy(acc_sh.at[pl.ds(nbase * 4, SLW)], pa_v)
    b3vec = plsc.load_gather(b3_v, [feat01]) * fmask2
    blvec = plsc.load_gather(bl_v, [feat])
    wl0 = _bf16r(plsc.load_gather(wc_v, [jnp.broadcast_to(0, (16,)), feat]))
    wl1 = _bf16r(plsc.load_gather(wc_v, [jnp.broadcast_to(1, (16,)), feat]))

    def fbody(j, c):
        v = pa_v[pl.ds(j * 16, 16)]
        dix = plsc.load_gather(dinv_v, [nbase + j * 4 + nodeoff])
        h3 = v * dix + b3vec
        tb_v[...] = _bf16r(h3)
        acc = plsc.load_gather(tb_v, [blk]) * wl0
        acc = acc + plsc.load_gather(tb_v, [blk + 1]) * wl1
        sl_v[pl.ds(j * 16, 16)] = acc + blvec
        plsc.store_scatter(
            sh_v, [(j * 4 + nodeoff) * 2 + feat01], h3,
            mask=feat < 2,
        )
        return c

    lax.fori_loop(0, SLW // 16, fbody, 0)
    pltpu.sync_copy(sl_v, out_hbm.at[pl.ds(nbase * 4, SLW)])
    pltpu.sync_copy(sh_v, h3_hbm.at[pl.ds(nbase * 2, NPAD2 // NS)])


def kernel(x, edge_index, W1, b1, W2, b2, W3, b3, Wl, bl):
    out_full, h3_full = _sc_gcn(
        edge_index.astype(_i32), x, W1, b1, W2, b2, W3, b3, Wl, bl
    )
    return (out_full.reshape(NPAD, 4)[:N],
            h3_full.reshape(NPAD, 2)[:N])

# --- scband reference (transcript-rebuilt; emitter-appended) ---
"""Pipeline reference for scband-gcn-16045997818345 (READ-ONLY COPY).

The authoritative reference and input builder live on the scoring server;
editing this copy changes nothing except your own understanding.
"""

import jax, jax.numpy as jnp
import numpy as np

N_NODES = 10000
N_EDGES = 320000
D_FEAT = 128
NUM_CLASSES = 4


def gcn_conv(x, edge_index, W, b):
    # PyG GCNConv: h = D^{-1/2} (A + I) D^{-1/2} (x @ W) + b
    n = x.shape[0]
    loop = jnp.arange(n, dtype=edge_index.dtype)
    src = jnp.concatenate([edge_index[0], loop])
    dst = jnp.concatenate([edge_index[1], loop])
    deg = jax.ops.segment_sum(jnp.ones_like(src, dtype=x.dtype), dst, num_segments=n)
    dinv = jnp.where(deg > 0, jax.lax.rsqrt(jnp.maximum(deg, 1e-12)), 0.0)
    norm = dinv[src] * dinv[dst]
    h = x @ W
    msg = h[src] * norm[:, None]
    out = jax.ops.segment_sum(msg, dst, num_segments=n)
    return out + b


def setup_inputs(seed: int = 0):
    key = jax.random.key(seed)
    ks = jax.random.split(key, 10)
    x = jax.random.normal(ks[0], (N_NODES, D_FEAT), dtype=jnp.float32)
    edge_index = jax.random.randint(ks[1], (2, N_EDGES), 0, N_NODES).astype(jnp.int32)
    W1 = jax.random.normal(ks[2], (D_FEAT, 4), dtype=jnp.float32) * (1.0 / np.sqrt(D_FEAT))
    b1 = jnp.zeros((4,), dtype=jnp.float32)
    W2 = jax.random.normal(ks[3], (4, 4), dtype=jnp.float32) * 0.5
    b2 = jnp.zeros((4,), dtype=jnp.float32)
    W3 = jax.random.normal(ks[4], (4, 2), dtype=jnp.float32) * 0.5
    b3 = jnp.zeros((2,), dtype=jnp.float32)
    Wl = jax.random.normal(ks[5], (2, NUM_CLASSES), dtype=jnp.float32) * 0.5
    bl = jnp.zeros((NUM_CLASSES,), dtype=jnp.float32)
    return {"x": x, "edge_index": edge_index, "W1": W1, "b1": b1, "W2": W2, "b2": b2, "W3": W3, "b3": b3, "Wl": Wl, "bl": bl}


def reference(x, edge_index, W1, b1, W2, b2, W3, b3, Wl, bl):
    h = jnp.tanh(gcn_conv(x, edge_index, W1, b1))
    h = jnp.tanh(gcn_conv(h, edge_index, W2, b2))
    h = gcn_conv(h, edge_index, W3, b3)
    out = h @ Wl + bl
    return (out, h)

if __name__ == "__main__":
    import jax
    _d = setup_inputs()
    print(jax.jit(kernel)(*tuple(_d.values())))

</pallas_src>

<mosaic_0001>
#map = affine_map<(d0, d1) -> (0, 0)>
#map1 = affine_map<(d0, d1) -> (0)>
module attributes {stable_mosaic.version = 14 : i64} {
  func.func @_sc_gcn(%arg0: i32, %arg1: i32, %arg2: memref<2x320000xi32, #tpu.memory_space<hbm>>, %arg3: memref<10000x128xf32, #tpu.memory_space<hbm>>, %arg4: memref<128x4xf32, #tpu.memory_space<hbm>>, %arg5: memref<4xf32, #tpu.memory_space<hbm>>, %arg6: memref<4x4xf32, #tpu.memory_space<hbm>>, %arg7: memref<4xf32, #tpu.memory_space<hbm>>, %arg8: memref<4x2xf32, #tpu.memory_space<hbm>>, %arg9: memref<2xf32, #tpu.memory_space<hbm>>, %arg10: memref<2x4xf32, #tpu.memory_space<hbm>>, %arg11: memref<4xf32, #tpu.memory_space<hbm>>, %arg12: memref<40960xf32, #tpu.memory_space<hbm>>, %arg13: memref<20480xf32, #tpu.memory_space<hbm>>, %arg14: memref<10240xf32, #tpu.memory_space<vmem_shared>>, %arg15: memref<40960xf32, #tpu.memory_space<vmem_shared>>, %arg16: memref<40960xf32, #tpu.memory_space<vmem_shared>>, %arg17: memref<4000xi32, #tpu.memory_space<vmem>>, %arg18: memref<4000xi32, #tpu.memory_space<vmem>>, %arg19: memref<16000xi32, #tpu.memory_space<vmem>>, %arg20: memref<16000xi32, #tpu.memory_space<vmem>>, %arg21: memref<16000xf32, #tpu.memory_space<vmem>>, %arg22: memref<10240xf32, #tpu.memory_space<vmem>>, %arg23: memref<2560xf32, #tpu.memory_space<vmem>>, %arg24: memref<2560xf32, #tpu.memory_space<vmem>>, %arg25: memref<1280xf32, #tpu.memory_space<vmem>>, %arg26: memref<80x128xf32, #tpu.memory_space<vmem>>, %arg27: memref<8192xf32, #tpu.memory_space<vmem>>, %arg28: memref<128x4xf32, #tpu.memory_space<vmem>>, %arg29: memref<4x4xf32, #tpu.memory_space<vmem>>, %arg30: memref<4x2xf32, #tpu.memory_space<vmem>>, %arg31: memref<2x4xf32, #tpu.memory_space<vmem>>, %arg32: memref<4xf32, #tpu.memory_space<vmem>>, %arg33: memref<4xf32, #tpu.memory_space<vmem>>, %arg34: memref<2xf32, #tpu.memory_space<vmem>>, %arg35: memref<4xf32, #tpu.memory_space<vmem>>, %arg36: memref<16xf32, #tpu.memory_space<vmem>>) attributes {dimension_semantics = [#tpu.dimension_semantics<core_parallel>, #tpu.dimension_semantics<subcore_parallel>], iteration_bounds = array<i64: 1, 16>, scalar_prefetch = 0 : i64, scratch_operands = 23 : i64, tpu.core_type = #tpu.core_type<sc_vector_subcore>, window_params = [{transform_indices = #map}, {transform_indices = #map}, {transform_indices = #map}, {transform_indices = #map1}, {transform_indices = #map}, {transform_indices = #map1}, {transform_indices = #map}, {transform_indices = #map1}, {transform_indices = #map}, {transform_indices = #map1}, {transform_indices = #map1}, {transform_indices = #map1}]} {
    %iota3A = tpu.iota {dimensions = array<i32: 0>} : vector<16xi32>
    %shift_right_logical3A = arith.constant 2 : i32
    %shift_right_logical3A_0 = vector.broadcast %shift_right_logical3A : i32 to vector<16xi32>
    %shift_right_logical3A_1 = arith.shrui %iota3A, %shift_right_logical3A_0 : vector<16xi32>
    %and3A = arith.constant 3 : i32
    %and3A_2 = vector.broadcast %and3A : i32 to vector<16xi32>
    %and3A_3 = arith.andi %iota3A, %and3A_2 : vector<16xi32>
    %and3A_4 = arith.constant 12 : i32
    %and3A_5 = vector.broadcast %and3A_4 : i32 to vector<16xi32>
    %and3A_6 = arith.andi %iota3A, %and3A_5 : vector<16xi32>
    %broadcast_in_dim3A = arith.constant 1.000000e+00 : f32
    %broadcast_in_dim3A_7 = vector.broadcast %broadcast_in_dim3A : f32 to vector<16xf32>
    %broadcast_in_dim3A_8 = arith.constant 0.000000e+00 : f32
    %broadcast_in_dim3A_9 = vector.broadcast %broadcast_in_dim3A_8 : f32 to vector<16xf32>
    %lt3A = arith.constant 2 : i32
    %lt3A_10 = vector.broadcast %lt3A : i32 to vector<16xi32>
    %lt3A_11 = arith.cmpi slt, %and3A_3, %lt3A_10 : vector<16xi32>
    %jit3A = arith.constant 1.000000e+00 : f32
    %jit3A_12 = arith.constant 0.000000e+00 : f32
    %broadcast_in_dim3A_13 = vector.broadcast %jit3A : f32 to vector<16xf32>
    %broadcast_in_dim3A_14 = vector.broadcast %jit3A_12 : f32 to vector<16xf32>
    %select_n3A = arith.select %lt3A_11, %broadcast_in_dim3A_13, %broadcast_in_dim3A_14 : vector<16xi1>, vector<16xf32>
    %and3A_15 = arith.constant 1 : i32
    %and3A_16 = vector.broadcast %and3A_15 : i32 to vector<16xi32>
    %and3A_17 = arith.andi %and3A_3, %and3A_16 : vector<16xi32>
    %mul3A = arith.constant 640 : i32
    %mul3A_18 = arith.muli %arg1, %mul3A : i32
    "tpu.region"() ({
      %run_scoped3A = tpu.sem_alloc : memref<!tpu.dma_semaphore, #tpu.memory_space<semaphore_mem>>
      tpu.enqueue_dma source(%arg4 : memref<128x4xf32, #tpu.memory_space<hbm>>) target(%arg28 : memref<128x4xf32, #tpu.memory_space<vmem>>) target_semaphore(%run_scoped3A : memref<!tpu.dma_semaphore, #tpu.memory_space<semaphore_mem>>)
      tpu.wait_dma2 semaphore(%run_scoped3A : memref<!tpu.dma_semaphore, #tpu.memory_space<semaphore_mem>>) src(%arg4 : memref<128x4xf32, #tpu.memory_space<hbm>>) dst(%arg28 : memref<128x4xf32, #tpu.memory_space<vmem>>)
      tpu.yield
    }) : () -> ()
    "tpu.region"() ({
      %run_scoped3A = tpu.sem_alloc : memref<!tpu.dma_semaphore, #tpu.memory_space<semaphore_mem>>
      tpu.enqueue_dma source(%arg6 : memref<4x4xf32, #tpu.memory_space<hbm>>) target(%arg29 : memref<4x4xf32, #tpu.memory_space<vmem>>) target_semaphore(%run_scoped3A : memref<!tpu.dma_semaphore, #tpu.memory_space<semaphore_mem>>)
      tpu.wait_dma2 semaphore(%run_scoped3A : memref<!tpu.dma_semaphore, #tpu.memory_space<semaphore_mem>>) src(%arg6 : memref<4x4xf32, #tpu.memory_space<hbm>>) dst(%arg29 : memref<4x4xf32, #tpu.memory_space<vmem>>)
      tpu.yield
    }) : () -> ()
    "tpu.region"() ({
      %run_scoped3A = tpu.sem_alloc : memref<!tpu.dma_semaphore, #tpu.memory_space<semaphore_mem>>
      tpu.enqueue_dma source(%arg8 : memref<4x2xf32, #tpu.memory_space<hbm>>) target(%arg30 : memref<4x2xf32, #tpu.memory_space<vmem>>) target_semaphore(%run_scoped3A : memref<!tpu.dma_semaphore, #tpu.memory_space<semaphore_mem>>)
      tpu.wait_dma2 semaphore(%run_scoped3A : memref<!tpu.dma_semaphore, #tpu.memory_space<semaphore_mem>>) src(%arg8 : memref<4x2xf32, #tpu.memory_space<hbm>>) dst(%arg30 : memref<4x2xf32, #tpu.memory_space<vmem>>)
      tpu.yield
    }) : () -> ()
    "tpu.region"() ({
      %run_scoped3A = tpu.sem_alloc : memref<!tpu.dma_semaphore, #tpu.memory_space<semaphore_mem>>
      tpu.enqueue_dma source(%arg10 : memref<2x4xf32, #tpu.memory_space<hbm>>) target(%arg31 : memref<2x4xf32, #tpu.memory_space<vmem>>) target_semaphore(%run_scoped3A : memref<!tpu.dma_semaphore, #tpu.memory_space<semaphore_mem>>)
      tpu.wait_dma2 semaphore(%run_scoped3A : memref<!tpu.dma_semaphore, #tpu.memory_space<semaphore_mem>>) src(%arg10 : memref<2x4xf32, #tpu.memory_space<hbm>>) dst(%arg31 : memref<2x4xf32, #tpu.memory_space<vmem>>)
      tpu.yield
    }) : () -> ()
    "tpu.region"() ({
      %run_scoped3A = tpu.sem_alloc : memref<!tpu.dma_semaphore, #tpu.memory_space<semaphore_mem>>
      tpu.enqueue_dma source(%arg5 : memref<4xf32, #tpu.memory_space<hbm>>) target(%arg32 : memref<4xf32, #tpu.memory_space<vmem>>) target_semaphore(%run_scoped3A : memref<!tpu.dma_semaphore, #tpu.memory_space<semaphore_mem>>)
      tpu.wait_dma2 semaphore(%run_scoped3A : memref<!tpu.dma_semaphore, #tpu.memory_space<semaphore_mem>>) src(%arg5 : memref<4xf32, #tpu.memory_space<hbm>>) dst(%arg32 : memref<4xf32, #tpu.memory_space<vmem>>)
      tpu.yield
    }) : () -> ()
    "tpu.region"() ({
      %run_scoped3A = tpu.sem_alloc : memref<!tpu.dma_semaphore, #tpu.memory_space<semaphore_mem>>
      tpu.enqueue_dma source(%arg7 : memref<4xf32, #tpu.memory_space<hbm>>) target(%arg33 : memref<4xf32, #tpu.memory_space<vmem>>) target_semaphore(%run_scoped3A : memref<!tpu.dma_semaphore, #tpu.memory_space<semaphore_mem>>)
      tpu.wait_dma2 semaphore(%run_scoped3A : memref<!tpu.dma_semaphore, #tpu.memory_space<semaphore_mem>>) src(%arg7 : memref<4xf32, #tpu.memory_space<hbm>>) dst(%arg33 : memref<4xf32, #tpu.memory_space<vmem>>)
      tpu.yield
    }) : () -> ()
    "tpu.region"() ({
      %run_scoped3A = tpu.sem_alloc : memref<!tpu.dma_semaphore, #tpu.memory_space<semaphore_mem>>
      tpu.enqueue_dma source(%arg9 : memref<2xf32, #tpu.memory_space<hbm>>) target(%arg34 : memref<2xf32, #tpu.memory_space<vmem>>) target_semaphore(%run_scoped3A : memref<!tpu.dma_semaphore, #tpu.memory_space<semaphore_mem>>)
      tpu.wait_dma2 semaphore(%run_scoped3A : memref<!tpu.dma_semaphore, #tpu.memory_space<semaphore_mem>>) src(%arg9 : memref<2xf32, #tpu.memory_space<hbm>>) dst(%arg34 : memref<2xf32, #tpu.memory_space<vmem>>)
      tpu.yield
    }) : () -> ()
    "tpu.region"() ({
      %run_scoped3A = tpu.sem_alloc : memref<!tpu.dma_semaphore, #tpu.memory_space<semaphore_mem>>
      tpu.enqueue_dma source(%arg11 : memref<4xf32, #tpu.memory_space<hbm>>) target(%arg35 : memref<4xf32, #tpu.memory_space<vmem>>) target_semaphore(%run_scoped3A : memref<!tpu.dma_semaphore, #tpu.memory_space<semaphore_mem>>)
      tpu.wait_dma2 semaphore(%run_scoped3A : memref<!tpu.dma_semaphore, #tpu.memory_space<semaphore_mem>>) src(%arg11 : memref<4xf32, #tpu.memory_space<hbm>>) dst(%arg35 : memref<4xf32, #tpu.memory_space<vmem>>)
      tpu.yield
    }) : () -> ()
    %scan3A = arith.constant 0 : i32
    %scan3A_19 = arith.constant 0 : i32
    %scan3A_20 = arith.constant 128 : i32
    %scan3A_21 = arith.addi %scan3A_19, %scan3A_20 : i32
    %scan3A_22 = arith.constant 1 : i32
    scf.for %scan3A_305 = %scan3A_19 to %scan3A_21 step %scan3A_22  : i32 {
      %broadcast_in_dim3A_306 = vector.broadcast %scan3A_305 : i32 to vector<16xi32>
      %broadcast_in_dim3A_307 = arith.constant 0 : i32
      %broadcast_in_dim3A_308 = vector.broadcast %broadcast_in_dim3A_307 : i32 to vector<16xi32>
      %gather3A_309 = tpu.vector_load_idx %arg28[%broadcast_in_dim3A_306, %broadcast_in_dim3A_308] : memref<128x4xf32, #tpu.memory_space<vmem>>[vector<16xi32>, vector<16xi32>], vector<16xf32>,
      %bitcast_convert_type3A_310 = tpu.bitcast %gather3A_309 : vector<16xf32> -> vector<16xi32>
      %add3A_311 = arith.constant 32767 : i32
      %add3A_312 = vector.broadcast %add3A_311 : i32 to vector<16xi32>
      %add3A_313 = arith.addi %bitcast_convert_type3A_310, %add3A_312 : vector<16xi32>
      %shift_right_logical3A_314 = arith.constant 16 : i32
      %shift_right_logical3A_315 = vector.broadcast %shift_right_logical3A_314 : i32 to vector<16xi32>
      %shift_right_logical3A_316 = arith.shrui %bitcast_convert_type3A_310, %shift_right_logical3A_315 : vector<16xi32>
      %and3A_317 = arith.constant 1 : i32
      %and3A_318 = vector.broadcast %and3A_317 : i32 to vector<16xi32>
      %and3A_319 = arith.andi %shift_right_logical3A_316, %and3A_318 : vector<16xi32>
      %add3A_320 = arith.addi %add3A_313, %and3A_319 : vector<16xi32>
      %and3A_321 = arith.constant -65536 : i32
      %and3A_322 = vector.broadcast %and3A_321 : i32 to vector<16xi32>
      %and3A_323 = arith.andi %add3A_320, %and3A_322 : vector<16xi32>
      %bitcast_convert_type3A_324 = tpu.bitcast %and3A_323 : vector<16xi32> -> vector<16xf32>
      %mul3A_325 = arith.constant 64 : i32
      %mul3A_326 = arith.muli %scan3A_305, %mul3A_325 : i32
      %add3A_327 = arith.constant 0 : i32
      %add3A_328 = arith.addi %mul3A_326, %add3A_327 : i32
      %swap3A = arith.index_cast %add3A_328 : i32 to index
      %swap3A_329 = tpu.vector_load %arg27[%swap3A] {strides = array<i32>} : memref<8192xf32, #tpu.memory_space<vmem>>, vector<16xf32>,
      tpu.vector_store %arg27[%swap3A], %bitcast_convert_type3A_324 {strides = array<i32>} : memref<8192xf32, #tpu.memory_space<vmem>>, vector<16xf32>,
      %broadcast_in_dim3A_330 = arith.constant 1 : i32
      %broadcast_in_dim3A_331 = vector.broadcast %broadcast_in_dim3A_330 : i32 to vector<16xi32>
      %gather3A_332 = tpu.vector_load_idx %arg28[%broadcast_in_dim3A_306, %broadcast_in_dim3A_331] : memref<128x4xf32, #tpu.memory_space<vmem>>[vector<16xi32>, vector<16xi32>], vector<16xf32>,
      %bitcast_convert_type3A_333 = tpu.bitcast %gather3A_332 : vector<16xf32> -> vector<16xi32>
      %add3A_334 = arith.constant 32767 : i32
      %add3A_335 = vector.broadcast %add3A_334 : i32 to vector<16xi32>
      %add3A_336 = arith.addi %bitcast_convert_type3A_333, %add3A_335 : vector<16xi32>
      %shift_right_logical3A_337 = arith.constant 16 : i32
      %shift_right_logical3A_338 = vector.broadcast %shift_right_logical3A_337 : i32 to vector<16xi32>
      %shift_right_logical3A_339 = arith.shrui %bitcast_convert_type3A_333, %shift_right_logical3A_338 : vector<16xi32>
      %and3A_340 = arith.constant 1 : i32
      %and3A_341 = vector.broadcast %and3A_340 : i32 to vector<16xi32>
      %and3A_342 = arith.andi %shift_right_logical3A_339, %and3A_341 : vector<16xi32>
      %add3A_343 = arith.addi %add3A_336, %and3A_342 : vector<16xi32>
      %and3A_344 = arith.constant -65536 : i32
      %and3A_345 = vector.broadcast %and3A_344 : i32 to vector<16xi32>
      %and3A_346 = arith.andi %add3A_343, %and3A_345 : vector<16xi32>
      %bitcast_convert_type3A_347 = tpu.bitcast %and3A_346 : vector<16xi32> -> vector<16xf32>
      %mul3A_348 = arith.constant 64 : i32
      %mul3A_349 = arith.muli %scan3A_305, %mul3A_348 : i32
      %add3A_350 = arith.constant 16 : i32
      %add3A_351 = arith.addi %mul3A_349, %add3A_350 : i32
      %swap3A_352 = arith.index_cast %add3A_351 : i32 to index
      %swap3A_353 = tpu.vector_load %arg27[%swap3A_352] {strides = array<i32>} : memref<8192xf32, #tpu.memory_space<vmem>>, vector<16xf32>,
      tpu.vector_store %arg27[%swap3A_352], %bitcast_convert_type3A_347 {strides = array<i32>} : memref<8192xf32, #tpu.memory_space<vmem>>, vector<16xf32>,
      %broadcast_in_dim3A_354 = arith.constant 2 : i32
      %broadcast_in_dim3A_355 = vector.broadcast %broadcast_in_dim3A_354 : i32 to vector<16xi32>
      %gather3A_356 = tpu.vector_load_idx %arg28[%broadcast_in_dim3A_306, %broadcast_in_dim3A_355] : memref<128x4xf32, #tpu.memory_space<vmem>>[vector<16xi32>, vector<16xi32>], vector<16xf32>,
      %bitcast_convert_type3A_357 = tpu.bitcast %gather3A_356 : vector<16xf32> -> vector<16xi32>
      %add3A_358 = arith.constant 32767 : i32
      %add3A_359 = vector.broadcast %add3A_358 : i32 to vector<16xi32>
      %add3A_360 = arith.addi %bitcast_convert_type3A_357, %add3A_359 : vector<16xi32>
      %shift_right_logical3A_361 = arith.constant 16 : i32
      %shift_right_logical3A_362 = vector.broadcast %shift_right_logical3A_361 : i32 to vector<16xi32>
      %shift_right_logical3A_363 = arith.shrui %bitcast_convert_type3A_357, %shift_right_logical3A_362 : vector<16xi32>
      %and3A_364 = arith.constant 1 : i32
      %and3A_365 = vector.broadcast %and3A_364 : i32 to vector<16xi32>
      %and3A_366 = arith.andi %shift_right_logical3A_363, %and3A_365 : vector<16xi32>
      %add3A_367 = arith.addi %add3A_360, %and3A_366 : vector<16xi32>
      %and3A_368 = arith.constant -65536 : i32
      %and3A_369 = vector.broadcast %and3A_368 : i32 to vector<16xi32>
      %and3A_370 = arith.andi %add3A_367, %and3A_369 : vector<16xi32>
      %bitcast_convert_type3A_371 = tpu.bitcast %and3A_370 : vector<16xi32> -> vector<16xf32>
      %mul3A_372 = arith.constant 64 : i32
      %mul3A_373 = arith.muli %scan3A_305, %mul3A_372 : i32
      %add3A_374 = arith.constant 32 : i32
      %add3A_375 = arith.addi %mul3A_373, %add3A_374 : i32
      %swap3A_376 = arith.index_cast %add3A_375 : i32 to index
      %swap3A_377 = tpu.vector_load %arg27[%swap3A_376] {strides = array<i32>} : memref<8192xf32, #tpu.memory_space<vmem>>, vector<16xf32>,
      tpu.vector_store %arg27[%swap3A_376], %bitcast_convert_type3A_371 {strides = array<i32>} : memref<8192xf32, #tpu.memory_space<vmem>>, vector<16xf32>,
      %broadcast_in_dim3A_378 = arith.constant 3 : i32
      %broadcast_in_dim3A_379 = vector.broadcast %broadcast_in_dim3A_378 : i32 to vector<16xi32>
      %gather3A_380 = tpu.vector_load_idx %arg28[%broadcast_in_dim3A_306, %broadcast_in_dim3A_379] : memref<128x4xf32, #tpu.memory_space<vmem>>[vector<16xi32>, vector<16xi32>], vector<16xf32>,
      %bitcast_convert_type3A_381 = tpu.bitcast %gather3A_380 : vector<16xf32> -> vector<16xi32>
      %add3A_382 = arith.constant 32767 : i32
      %add3A_383 = vector.broadcast %add3A_382 : i32 to vector<16xi32>
      %add3A_384 = arith.addi %bitcast_convert_type3A_381, %add3A_383 : vector<16xi32>
      %shift_right_logical3A_385 = arith.constant 16 : i32
      %shift_right_logical3A_386 = vector.broadcast %shift_right_logical3A_385 : i32 to vector<16xi32>
      %shift_right_logical3A_387 = arith.shrui %bitcast_convert_type3A_381, %shift_right_logical3A_386 : vector<16xi32>
      %and3A_388 = arith.constant 1 : i32
      %and3A_389 = vector.broadcast %and3A_388 : i32 to vector<16xi32>
      %and3A_390 = arith.andi %shift_right_logical3A_387, %and3A_389 : vector<16xi32>
      %add3A_391 = arith.addi %add3A_384, %and3A_390 : vector<16xi32>
      %and3A_392 = arith.constant -65536 : i32
      %and3A_393 = vector.broadcast %and3A_392 : i32 to vector<16xi32>
      %and3A_394 = arith.andi %add3A_391, %and3A_393 : vector<16xi32>
      %bitcast_convert_type3A_395 = tpu.bitcast %and3A_394 : vector<16xi32> -> vector<16xf32>
      %mul3A_396 = arith.constant 64 : i32
      %mul3A_397 = arith.muli %scan3A_305, %mul3A_396 : i32
      %add3A_398 = arith.constant 48 : i32
      %add3A_399 = arith.addi %mul3A_397, %add3A_398 : i32
      %swap3A_400 = arith.index_cast %add3A_399 : i32 to index
      %swap3A_401 = tpu.vector_load %arg27[%swap3A_400] {strides = array<i32>} : memref<8192xf32, #tpu.memory_space<vmem>>, vector<16xf32>,
      tpu.vector_store %arg27[%swap3A_400], %bitcast_convert_type3A_395 {strides = array<i32>} : memref<8192xf32, #tpu.memory_space<vmem>>, vector<16xf32>,
    }
    %scan3A_23 = arith.constant 128 : i32
    %scan3A_24 = arith.constant 0 : i32
    %scan3A_25 = arith.constant 0 : i32
    %scan3A_26 = arith.constant 250 : i32
    %scan3A_27 = arith.addi %scan3A_25, %scan3A_26 : i32
    %scan3A_28 = arith.constant 1 : i32
    scf.for %scan3A_305 = %scan3A_25 to %scan3A_27 step %scan3A_28  : i32 {
      %mul3A_306 = arith.constant 16 : i32
      %mul3A_307 = arith.muli %scan3A_305, %mul3A_306 : i32
      %swap3A = arith.index_cast %mul3A_307 : i32 to index
      %swap3A_308 = tpu.vector_load %arg21[%swap3A] {strides = array<i32>} : memref<16000xf32, #tpu.memory_space<vmem>>, vector<16xf32>,
      tpu.vector_store %arg21[%swap3A], %broadcast_in_dim3A_7 {strides = array<i32>} : memref<16000xf32, #tpu.memory_space<vmem>>, vector<16xf32>,
    }
    %scan3A_29 = arith.constant 250 : i32
    %scan3A_30 = arith.constant 0 : i32
    %scan3A_31 = arith.constant 0 : i32
    %scan3A_32 = arith.constant 40 : i32
    %scan3A_33 = arith.addi %scan3A_31, %scan3A_32 : i32
    %scan3A_34 = arith.constant 1 : i32
    scf.for %scan3A_305 = %scan3A_31 to %scan3A_33 step %scan3A_34  : i32 {
      %mul3A_306 = arith.constant 16 : i32
      %mul3A_307 = arith.muli %scan3A_305, %mul3A_306 : i32
      %swap3A = arith.index_cast %mul3A_307 : i32 to index
      %swap3A_308 = tpu.vector_load %arg23[%swap3A] {strides = array<i32>} : memref<2560xf32, #tpu.memory_space<vmem>>, vector<16xf32>,
      tpu.vector_store %arg23[%swap3A], %broadcast_in_dim3A_9 {strides = array<i32>} : memref<2560xf32, #tpu.memory_space<vmem>>, vector<16xf32>,
    }
    %scan3A_35 = arith.constant 40 : i32
    "tpu.region"() ({
      %run_scoped3A = tpu.sem_alloc : memref<!tpu.dma_semaphore, #tpu.memory_space<semaphore_mem>>
      %dma_start3A = arith.constant 0 : i32
      %dma_start3A_305 = tpu.memref_slice %arg23[%dma_start3A] : memref<2560xf32, #tpu.memory_space<vmem>> -> memref<640xf32, #tpu.memory_space<vmem>>
      %dma_start3A_306 = tpu.memref_slice %arg14[%mul3A_18] : memref<10240xf32, #tpu.memory_space<vmem_shared>> -> memref<640xf32, #tpu.memory_space<vmem_shared>>
      %dma_start3A_307 = tpu.memref_slice %arg14[%mul3A_18] : memref<10240xf32, #tpu.memory_space<vmem_shared>> -> memref<640xf32, #tpu.memory_space<vmem_shared>>
      %dma_start3A_308 = arith.constant 0 : i32
      %dma_start3A_309 = tpu.memref_slice %arg23[%dma_start3A_308] : memref<2560xf32, #tpu.memory_space<vmem>> -> memref<640xf32, #tpu.memory_space<vmem>>
      tpu.enqueue_dma source(%dma_start3A_309 : memref<640xf32, #tpu.memory_space<vmem>>) target(%dma_start3A_307 : memref<640xf32, #tpu.memory_space<vmem_shared>>) target_semaphore(%run_scoped3A : memref<!tpu.dma_semaphore, #tpu.memory_space<semaphore_mem>>)
      %dma_wait3A = arith.constant 0 : i32
      %dma_wait3A_310 = tpu.memref_slice %arg23[%dma_wait3A] : memref<2560xf32, #tpu.memory_space<vmem>> -> memref<640xf32, #tpu.memory_space<vmem>>
      %dma_wait3A_311 = tpu.memref_slice %arg14[%mul3A_18] : memref<10240xf32, #tpu.memory_space<vmem_shared>> -> memref<640xf32, #tpu.memory_space<vmem_shared>>
      %dma_wait3A_312 = tpu.memref_slice %arg14[%mul3A_18] : memref<10240xf32, #tpu.memory_space<vmem_shared>> -> memref<640xf32, #tpu.memory_space<vmem_shared>>
      %dma_wait3A_313 = arith.constant 0 : i32
      %dma_wait3A_314 = tpu.memref_slice %arg23[%dma_wait3A_313] : memref<2560xf32, #tpu.memory_space<vmem>> -> memref<640xf32, #tpu.memory_space<vmem>>
      tpu.wait_dma2 semaphore(%run_scoped3A : memref<!tpu.dma_semaphore, #tpu.memory_space<semaphore_mem>>) src(%dma_wait3A_314 : memref<640xf32, #tpu.memory_space<vmem>>) dst(%dma_wait3A_312 : memref<640xf32, #tpu.memory_space<vmem_shared>>)
      tpu.yield
    }) : () -> ()
    %barrier3A = arith.constant 0 : index
    tpu.barrier barrier_id(%barrier3A)
    %scan3A_36 = arith.constant 0 : i32
    %scan3A_37 = arith.constant 0 : i32
    %scan3A_38 = arith.constant 5 : i32
    %scan3A_39 = arith.addi %scan3A_37, %scan3A_38 : i32
    %scan3A_40 = arith.constant 1 : i32
    scf.for %scan3A_305 = %scan3A_37 to %scan3A_39 step %scan3A_40  : i32 {
      %mul3A_306 = arith.constant 20000 : i32
      %mul3A_307 = arith.muli %arg1, %mul3A_306 : i32
      %mul3A_308 = arith.constant 4000 : i32
      %mul3A_309 = arith.muli %scan3A_305, %mul3A_308 : i32
      %add3A_310 = arith.addi %mul3A_307, %mul3A_309 : i32
      %run_scoped3A = arith.constant 1 : i32
      "tpu.region"() ({
        %run_scoped3A_311 = tpu.sem_alloc : memref<!tpu.dma_semaphore, #tpu.memory_space<semaphore_mem>>
        %dma_start3A = tpu.memref_slice %arg2[%run_scoped3A, %add3A_310] : memref<2x320000xi32, #tpu.memory_space<hbm>> -> memref<1x4000xi32, #tpu.memory_space<hbm>>
        %dma_start3A_312 = tpu.memref_squeeze %dma_start3A : memref<1x4000xi32, #tpu.memory_space<hbm>> -> memref<4000xi32, #tpu.memory_space<hbm>>
        %dma_start3A_313 = tpu.memref_slice %arg2[%run_scoped3A, %add3A_310] : memref<2x320000xi32, #tpu.memory_space<hbm>> -> memref<1x4000xi32, #tpu.memory_space<hbm>>
        %dma_start3A_314 = tpu.memref_squeeze %dma_start3A_313 : memref<1x4000xi32, #tpu.memory_space<hbm>> -> memref<4000xi32, #tpu.memory_space<hbm>>
        tpu.enqueue_dma source(%dma_start3A_314 : memref<4000xi32, #tpu.memory_space<hbm>>) target(%arg18 : memref<4000xi32, #tpu.memory_space<vmem>>) target_semaphore(%run_scoped3A_311 : memref<!tpu.dma_semaphore, #tpu.memory_space<semaphore_mem>>)
        %dma_wait3A = tpu.memref_slice %arg2[%run_scoped3A, %add3A_310] : memref<2x320000xi32, #tpu.memory_space<hbm>> -> memref<1x4000xi32, #tpu.memory_space<hbm>>
        %dma_wait3A_315 = tpu.memref_squeeze %dma_wait3A : memref<1x4000xi32, #tpu.memory_space<hbm>> -> memref<4000xi32, #tpu.memory_space<hbm>>
        %dma_wait3A_316 = tpu.memref_slice %arg2[%run_scoped3A, %add3A_310] : memref<2x320000xi32, #tpu.memory_space<hbm>> -> memref<1x4000xi32, #tpu.memory_space<hbm>>
        %dma_wait3A_317 = tpu.memref_squeeze %dma_wait3A_316 : memref<1x4000xi32, #tpu.memory_space<hbm>> -> memref<4000xi32, #tpu.memory_space<hbm>>
        tpu.wait_dma2 semaphore(%run_scoped3A_311 : memref<!tpu.dma_semaphore, #tpu.memory_space<semaphore_mem>>) src(%dma_wait3A_317 : memref<4000xi32, #tpu.memory_space<hbm>>) dst(%arg18 : memref<4000xi32, #tpu.memory_space<vmem>>)
        tpu.yield
      }) : () -> ()
      "tpu.region"() ({
        %run_scoped3A_311 = tpu.sem_alloc : memref<!tpu.dma_semaphore, #tpu.memory_space<semaphore_mem>>
        %dma_start3A = arith.constant 0 : i32
        %dma_start3A_312 = tpu.memref_slice %arg21[%dma_start3A] : memref<16000xf32, #tpu.memory_space<vmem>> -> memref<4000xf32, #tpu.memory_space<vmem>>
        %dma_start3A_313 = arith.constant 0 : i32
        %dma_start3A_314 = tpu.memref_slice %arg14[%dma_start3A_313] : memref<10240xf32, #tpu.memory_space<vmem_shared>> -> memref<10240xf32, #tpu.memory_space<vmem_shared>>
        tpu.enqueue_indirect_dma source(%dma_start3A_312 : memref<4000xf32, #tpu.memory_space<vmem>>) target(%dma_start3A_314 : memref<10240xf32, #tpu.memory_space<vmem_shared>>) offsets(%arg18 : memref<4000xi32, #tpu.memory_space<vmem>>) semaphore(%run_scoped3A_311 : memref<!tpu.dma_semaphore, #tpu.memory_space<semaphore_mem>>) {add = true}
        %dma_wait3A = arith.constant 0 : i32
        %dma_wait3A_315 = tpu.memref_slice %arg21[%dma_wait3A] : memref<16000xf32, #tpu.memory_space<vmem>> -> memref<4000xf32, #tpu.memory_space<vmem>>
        %dma_wait3A_316 = arith.constant 0 : i32
        %dma_wait3A_317 = tpu.memref_slice %arg14[%dma_wait3A_316] : memref<10240xf32, #tpu.memory_space<vmem_shared>> -> memref<10240xf32, #tpu.memory_space<vmem_shared>>
        tpu.wait_indirect_dma semaphore(%run_scoped3A_311 : memref<!tpu.dma_semaphore, #tpu.memory_space<semaphore_mem>>) src(%dma_wait3A_315 : memref<4000xf32, #tpu.memory_space<vmem>>) dst(%dma_wait3A_317 : memref<10240xf32, #tpu.memory_space<vmem_shared>>)
        tpu.yield
      }) : () -> ()
    }
    %scan3A_41 = arith.constant 5 : i32
    %barrier3A_42 = arith.constant 0 : index
    tpu.barrier barrier_id(%barrier3A_42)
    "tpu.region"() ({
      %run_scoped3A = tpu.sem_alloc : memref<!tpu.dma_semaphore, #tpu.memory_space<semaphore_mem>>
      tpu.enqueue_dma source(%arg14 : memref<10240xf32, #tpu.memory_space<vmem_shared>>) target(%arg22 : memref<10240xf32, #tpu.memory_space<vmem>>) target_semaphore(%run_scoped3A : memref<!tpu.dma_semaphore, #tpu.memory_space<semaphore_mem>>)
      tpu.wait_dma2 semaphore(%run_scoped3A : memref<!tpu.dma_semaphore, #tpu.memory_space<semaphore_mem>>) src(%arg14 : memref<10240xf32, #tpu.memory_space<vmem_shared>>) dst(%arg22 : memref<10240xf32, #tpu.memory_space<vmem>>)
      tpu.yield
    }) : () -> ()
    %scan3A_43 = arith.constant 0 : i32
    %scan3A_44 = arith.constant 0 : i32
    %scan3A_45 = arith.constant 640 : i32
    %scan3A_46 = arith.addi %scan3A_44, %scan3A_45 : i32
    %scan3A_47 = arith.constant 1 : i32
    scf.for %scan3A_305 = %scan3A_44 to %scan3A_46 step %scan3A_47  : i32 {
      %mul3A_306 = arith.constant 16 : i32
      %mul3A_307 = arith.muli %scan3A_305, %mul3A_306 : i32
      %get3A = arith.index_cast %mul3A_307 : i32 to index
      %get3A_308 = tpu.vector_load %arg22[%get3A] {strides = array<i32>} : memref<10240xf32, #tpu.memory_space<vmem>>, vector<16xf32>,
      %add3A_309 = arith.constant 1.000000e+00 : f32
      %add3A_310 = vector.broadcast %add3A_309 : f32 to vector<16xf32>
      %add3A_311 = arith.addf %get3A_308, %add3A_310 : vector<16xf32>
      %max3A = arith.constant 2.500000e-01 : f32
      %max3A_312 = vector.broadcast %max3A : f32 to vector<16xf32>
      %max3A_313 = arith.maximumf %add3A_311, %max3A_312 : vector<16xf32>
      %bitcast_convert_type3A_314 = tpu.bitcast %max3A_313 : vector<16xf32> -> vector<16xi32>
      %shift_right_logical3A_315 = arith.constant 1 : i32
      %shift_right_logical3A_316 = vector.broadcast %shift_right_logical3A_315 : i32 to vector<16xi32>
      %shift_right_logical3A_317 = arith.shrui %bitcast_convert_type3A_314, %shift_right_logical3A_316 : vector<16xi32>
      %sub3A = arith.constant 1597463007 : i32
      %sub3A_318 = vector.broadcast %sub3A : i32 to vector<16xi32>
      %sub3A_319 = arith.subi %sub3A_318, %shift_right_logical3A_317 : vector<16xi32>
      %bitcast_convert_type3A_320 = tpu.bitcast %sub3A_319 : vector<16xi32> -> vector<16xf32>
      %mul3A_321 = arith.constant 5.000000e-01 : f32
      %mul3A_322 = vector.broadcast %mul3A_321 : f32 to vector<16xf32>
      %mul3A_323 = arith.mulf %mul3A_322, %max3A_313 : vector<16xf32>
      %mul3A_324 = arith.mulf %mul3A_323, %bitcast_convert_type3A_320 : vector<16xf32>
      %mul3A_325 = arith.mulf %mul3A_324, %bitcast_convert_type3A_320 : vector<16xf32>
      %sub3A_326 = arith.constant 1.500000e+00 : f32
      %sub3A_327 = vector.broadcast %sub3A_326 : f32 to vector<16xf32>
      %sub3A_328 = arith.subf %sub3A_327, %mul3A_325 : vector<16xf32>
      %mul3A_329 = arith.mulf %bitcast_convert_type3A_320, %sub3A_328 : vector<16xf32>
      %mul3A_330 = arith.constant 5.000000e-01 : f32
      %mul3A_331 = vector.broadcast %mul3A_330 : f32 to vector<16xf32>
      %mul3A_332 = arith.mulf %mul3A_331, %max3A_313 : vector<16xf32>
      %mul3A_333 = arith.mulf %mul3A_332, %mul3A_329 : vector<16xf32>
      %mul3A_334 = arith.mulf %mul3A_333, %mul3A_329 : vector<16xf32>
      %sub3A_335 = arith.constant 1.500000e+00 : f32
      %sub3A_336 = vector.broadcast %sub3A_335 : f32 to vector<16xf32>
      %sub3A_337 = arith.subf %sub3A_336, %mul3A_334 : vector<16xf32>
      %mul3A_338 = arith.mulf %mul3A_329, %sub3A_337 : vector<16xf32>
      %mul3A_339 = arith.constant 5.000000e-01 : f32
      %mul3A_340 = vector.broadcast %mul3A_339 : f32 to vector<16xf32>
      %mul3A_341 = arith.mulf %mul3A_340, %max3A_313 : vector<16xf32>
      %mul3A_342 = arith.mulf %mul3A_341, %mul3A_338 : vector<16xf32>
      %mul3A_343 = arith.mulf %mul3A_342, %mul3A_338 : vector<16xf32>
      %sub3A_344 = arith.constant 1.500000e+00 : f32
      %sub3A_345 = vector.broadcast %sub3A_344 : f32 to vector<16xf32>
      %sub3A_346 = arith.subf %sub3A_345, %mul3A_343 : vector<16xf32>
      %mul3A_347 = arith.mulf %mul3A_338, %sub3A_346 : vector<16xf32>
      %mul3A_348 = arith.constant 16 : i32
      %mul3A_349 = arith.muli %scan3A_305, %mul3A_348 : i32
      %swap3A = arith.index_cast %mul3A_349 : i32 to index
      %swap3A_350 = tpu.vector_load %arg22[%swap3A] {strides = array<i32>} : memref<10240xf32, #tpu.memory_space<vmem>>, vector<16xf32>,
      tpu.vector_store %arg22[%swap3A], %mul3A_347 {strides = array<i32>} : memref<10240xf32, #tpu.memory_space<vmem>>, vector<16xf32>,
    }
    %scan3A_48 = arith.constant 640 : i32
    %scan3A_49 = arith.constant 0 : i32
    %scan3A_50 = arith.constant 0 : i32
    %scan3A_51 = arith.constant 8 : i32
    %scan3A_52 = arith.addi %scan3A_50, %scan3A_51 : i32
    %scan3A_53 = arith.constant 1 : i32
    scf.for %scan3A_305 = %scan3A_50 to %scan3A_52 step %scan3A_53  : i32 {
      %mul3A_306 = arith.constant 80 : i32
      %mul3A_307 = arith.muli %scan3A_305, %mul3A_306 : i32
      %add3A_308 = arith.addi %mul3A_18, %mul3A_307 : i32
      %lt3A_309 = arith.constant 10000 : i32
      %lt3A_310 = arith.cmpi slt, %add3A_308, %lt3A_309 : i32
      %convert_element_type3A = arith.extui %lt3A_310 : i1 to i32
      %cond3A = arith.constant 0 : i32
      %cond3A_311 = arith.cmpi ne, %convert_element_type3A, %cond3A : i32
      scf.if %cond3A_311 {
        "tpu.region"() ({
          %run_scoped3A = tpu.sem_alloc : memref<!tpu.dma_semaphore, #tpu.memory_space<semaphore_mem>>
          %dma_start3A = arith.constant 0 : i32
          %dma_start3A_452 = tpu.memref_slice %arg3[%add3A_308, %dma_start3A] : memref<10000x128xf32, #tpu.memory_space<hbm>> -> memref<80x128xf32, #tpu.memory_space<hbm>>
          %dma_start3A_453 = arith.constant 0 : i32
          %dma_start3A_454 = tpu.memref_slice %arg3[%add3A_308, %dma_start3A_453] : memref<10000x128xf32, #tpu.memory_space<hbm>> -> memref<80x128xf32, #tpu.memory_space<hbm>>
          tpu.enqueue_dma source(%dma_start3A_454 : memref<80x128xf32, #tpu.memory_space<hbm>>) target(%arg26 : memref<80x128xf32, #tpu.memory_space<vmem>>) target_semaphore(%run_scoped3A : memref<!tpu.dma_semaphore, #tpu.memory_space<semaphore_mem>>)
          %dma_wait3A = arith.constant 0 : i32
          %dma_wait3A_455 = tpu.memref_slice %arg3[%add3A_308, %dma_wait3A] : memref<10000x128xf32, #tpu.memory_space<hbm>> -> memref<80x128xf32, #tpu.memory_space<hbm>>
          %dma_wait3A_456 = arith.constant 0 : i32
          %dma_wait3A_457 = tpu.memref_slice %arg3[%add3A_308, %dma_wait3A_456] : memref<10000x128xf32, #tpu.memory_space<hbm>> -> memref<80x128xf32, #tpu.memory_space<hbm>>
          tpu.wait_dma2 semaphore(%run_scoped3A : memref<!tpu.dma_semaphore, #tpu.memory_space<semaphore_mem>>) src(%dma_wait3A_457 : memref<80x128xf32, #tpu.memory_space<hbm>>) dst(%arg26 : memref<80x128xf32, #tpu.memory_space<vmem>>)
          tpu.yield
        }) : () -> ()
        %scan3A_316 = arith.constant 0 : i32
        %scan3A_317 = arith.constant 128 : i32
        %scan3A_318 = arith.addi %scan3A_316, %scan3A_317 : i32
        %scan3A_319 = arith.constant 1 : i32
        %scan3A_320:20 = scf.for %scan3A_452 = %scan3A_316 to %scan3A_318 step %scan3A_319 iter_args(%scan3A_453 = %broadcast_in_dim3A_9, %scan3A_454 = %broadcast_in_dim3A_9, %scan3A_455 = %broadcast_in_dim3A_9, %scan3A_456 = %broadcast_in_dim3A_9, %scan3A_457 = %broadcast_in_dim3A_9, %scan3A_458 = %broadcast_in_dim3A_9, %scan3A_459 = %broadcast_in_dim3A_9, %scan3A_460 = %broadcast_in_dim3A_9, %scan3A_461 = %broadcast_in_dim3A_9, %scan3A_462 = %broadcast_in_dim3A_9, %scan3A_463 = %broadcast_in_dim3A_9, %scan3A_464 = %broadcast_in_dim3A_9, %scan3A_465 = %broadcast_in_dim3A_9, %scan3A_466 = %broadcast_in_dim3A_9, %scan3A_467 = %broadcast_in_dim3A_9, %scan3A_468 = %broadcast_in_dim3A_9, %scan3A_469 = %broadcast_in_dim3A_9, %scan3A_470 = %broadcast_in_dim3A_9, %scan3A_471 = %broadcast_in_dim3A_9, %scan3A_472 = %broadcast_in_dim3A_9) -> (vector<16xf32>, vector<16xf32>, vector<16xf32>, vector<16xf32>, vector<16xf32>, vector<16xf32>, vector<16xf32>, vector<16xf32>, vector<16xf32>, vector<16xf32>, vector<16xf32>, vector<16xf32>, vector<16xf32>, vector<16xf32>, vector<16xf32>, vector<16xf32>, vector<16xf32>, vector<16xf32>, vector<16xf32>, vector<16xf32>)  : i32 {
          %broadcast_in_dim3A_473 = vector.broadcast %scan3A_452 : i32 to vector<16xi32>
          %mul3A_474 = arith.constant 64 : i32
          %mul3A_475 = arith.muli %scan3A_452, %mul3A_474 : i32
          %broadcast_in_dim3A_476 = vector.broadcast %mul3A_475 : i32 to vector<16xi32>
          %add3A_477 = arith.addi %broadcast_in_dim3A_476, %iota3A : vector<16xi32>
          %gather3A_478 = tpu.vector_load_idx %arg27[%add3A_477] : memref<8192xf32, #tpu.memory_space<vmem>>[vector<16xi32>], vector<16xf32>,
          %add3A_479 = arith.constant 16 : i32
          %add3A_480 = vector.broadcast %add3A_479 : i32 to vector<16xi32>
          %add3A_481 = arith.addi %add3A_477, %add3A_480 : vector<16xi32>
          %gather3A_482 = tpu.vector_load_idx %arg27[%add3A_481] : memref<8192xf32, #tpu.memory_space<vmem>>[vector<16xi32>], vector<16xf32>,
          %add3A_483 = arith.constant 32 : i32
          %add3A_484 = vector.broadcast %add3A_483 : i32 to vector<16xi32>
          %add3A_485 = arith.addi %add3A_477, %add3A_484 : vector<16xi32>
          %gather3A_486 = tpu.vector_load_idx %arg27[%add3A_485] : memref<8192xf32, #tpu.memory_space<vmem>>[vector<16xi32>], vector<16xf32>,
          %add3A_487 = arith.constant 48 : i32
          %add3A_488 = vector.broadcast %add3A_487 : i32 to vector<16xi32>
          %add3A_489 = arith.addi %add3A_477, %add3A_488 : vector<16xi32>
          %gather3A_490 = tpu.vector_load_idx %arg27[%add3A_489] : memref<8192xf32, #tpu.memory_space<vmem>>[vector<16xi32>], vector<16xf32>,
          %add3A_491 = arith.constant 0 : i32
          %add3A_492 = vector.broadcast %add3A_491 : i32 to vector<16xi32>
          %add3A_493 = arith.addi %add3A_492, %iota3A : vector<16xi32>
          %gather3A_494 = tpu.vector_load_idx %arg26[%add3A_493, %broadcast_in_dim3A_473] : memref<80x128xf32, #tpu.memory_space<vmem>>[vector<16xi32>, vector<16xi32>], vector<16xf32>,
          %bitcast_convert_type3A_495 = tpu.bitcast %gather3A_494 : vector<16xf32> -> vector<16xi32>
          %add3A_496 = arith.constant 32767 : i32
          %add3A_497 = vector.broadcast %add3A_496 : i32 to vector<16xi32>
          %add3A_498 = arith.addi %bitcast_convert_type3A_495, %add3A_497 : vector<16xi32>
          %shift_right_logical3A_499 = arith.constant 16 : i32
          %shift_right_logical3A_500 = vector.broadcast %shift_right_logical3A_499 : i32 to vector<16xi32>
          %shift_right_logical3A_501 = arith.shrui %bitcast_convert_type3A_495, %shift_right_logical3A_500 : vector<16xi32>
          %and3A_502 = arith.constant 1 : i32
          %and3A_503 = vector.broadcast %and3A_502 : i32 to vector<16xi32>
          %and3A_504 = arith.andi %shift_right_logical3A_501, %and3A_503 : vector<16xi32>
          %add3A_505 = arith.addi %add3A_498, %and3A_504 : vector<16xi32>
          %and3A_506 = arith.constant -65536 : i32
          %and3A_507 = vector.broadcast %and3A_506 : i32 to vector<16xi32>
          %and3A_508 = arith.andi %add3A_505, %and3A_507 : vector<16xi32>
          %bitcast_convert_type3A_509 = tpu.bitcast %and3A_508 : vector<16xi32> -> vector<16xf32>
          %mul3A_510 = arith.mulf %bitcast_convert_type3A_509, %gather3A_478 : vector<16xf32>
          %add3A_511 = arith.addf %scan3A_453, %mul3A_510 : vector<16xf32>
          %mul3A_512 = arith.mulf %bitcast_convert_type3A_509, %gather3A_482 : vector<16xf32>
          %add3A_513 = arith.addf %scan3A_454, %mul3A_512 : vector<16xf32>
          %mul3A_514 = arith.mulf %bitcast_convert_type3A_509, %gather3A_486 : vector<16xf32>
          %add3A_515 = arith.addf %scan3A_455, %mul3A_514 : vector<16xf32>
          %mul3A_516 = arith.mulf %bitcast_convert_type3A_509, %gather3A_490 : vector<16xf32>
          %add3A_517 = arith.addf %scan3A_456, %mul3A_516 : vector<16xf32>
          %add3A_518 = arith.constant 16 : i32
          %add3A_519 = vector.broadcast %add3A_518 : i32 to vector<16xi32>
          %add3A_520 = arith.addi %add3A_519, %iota3A : vector<16xi32>
          %gather3A_521 = tpu.vector_load_idx %arg26[%add3A_520, %broadcast_in_dim3A_473] : memref<80x128xf32, #tpu.memory_space<vmem>>[vector<16xi32>, vector<16xi32>], vector<16xf32>,
          %bitcast_convert_type3A_522 = tpu.bitcast %gather3A_521 : vector<16xf32> -> vector<16xi32>
          %add3A_523 = arith.constant 32767 : i32
          %add3A_524 = vector.broadcast %add3A_523 : i32 to vector<16xi32>
          %add3A_525 = arith.addi %bitcast_convert_type3A_522, %add3A_524 : vector<16xi32>
          %shift_right_logical3A_526 = arith.constant 16 : i32
          %shift_right_logical3A_527 = vector.broadcast %shift_right_logical3A_526 : i32 to vector<16xi32>
          %shift_right_logical3A_528 = arith.shrui %bitcast_convert_type3A_522, %shift_right_logical3A_527 : vector<16xi32>
          %and3A_529 = arith.constant 1 : i32
          %and3A_530 = vector.broadcast %and3A_529 : i32 to vector<16xi32>
          %and3A_531 = arith.andi %shift_right_logical3A_528, %and3A_530 : vector<16xi32>
          %add3A_532 = arith.addi %add3A_525, %and3A_531 : vector<16xi32>
          %and3A_533 = arith.constant -65536 : i32
          %and3A_534 = vector.broadcast %and3A_533 : i32 to vector<16xi32>
          %and3A_535 = arith.andi %add3A_532, %and3A_534 : vector<16xi32>
          %bitcast_convert_type3A_536 = tpu.bitcast %and3A_535 : vector<16xi32> -> vector<16xf32>
          %mul3A_537 = arith.mulf %bitcast_convert_type3A_536, %gather3A_478 : vector<16xf32>
          %add3A_538 = arith.addf %scan3A_457, %mul3A_537 : vector<16xf32>
          %mul3A_539 = arith.mulf %bitcast_convert_type3A_536, %gather3A_482 : vector<16xf32>
          %add3A_540 = arith.addf %scan3A_458, %mul3A_539 : vector<16xf32>
          %mul3A_541 = arith.mulf %bitcast_convert_type3A_536, %gather3A_486 : vector<16xf32>
          %add3A_542 = arith.addf %scan3A_459, %mul3A_541 : vector<16xf32>
          %mul3A_543 = arith.mulf %bitcast_convert_type3A_536, %gather3A_490 : vector<16xf32>
          %add3A_544 = arith.addf %scan3A_460, %mul3A_543 : vector<16xf32>
          %add3A_545 = arith.constant 32 : i32
          %add3A_546 = vector.broadcast %add3A_545 : i32 to vector<16xi32>
          %add3A_547 = arith.addi %add3A_546, %iota3A : vector<16xi32>
          %gather3A_548 = tpu.vector_load_idx %arg26[%add3A_547, %broadcast_in_dim3A_473] : memref<80x128xf32, #tpu.memory_space<vmem>>[vector<16xi32>, vector<16xi32>], vector<16xf32>,
          %bitcast_convert_type3A_549 = tpu.bitcast %gather3A_548 : vector<16xf32> -> vector<16xi32>
          %add3A_550 = arith.constant 32767 : i32
          %add3A_551 = vector.broadcast %add3A_550 : i32 to vector<16xi32>
          %add3A_552 = arith.addi %bitcast_convert_type3A_549, %add3A_551 : vector<16xi32>
          %shift_right_logical3A_553 = arith.constant 16 : i32
          %shift_right_logical3A_554 = vector.broadcast %shift_right_logical3A_553 : i32 to vector<16xi32>
          %shift_right_logical3A_555 = arith.shrui %bitcast_convert_type3A_549, %shift_right_logical3A_554 : vector<16xi32>
          %and3A_556 = arith.constant 1 : i32
          %and3A_557 = vector.broadcast %and3A_556 : i32 to vector<16xi32>
          %and3A_558 = arith.andi %shift_right_logical3A_555, %and3A_557 : vector<16xi32>
          %add3A_559 = arith.addi %add3A_552, %and3A_558 : vector<16xi32>
          %and3A_560 = arith.constant -65536 : i32
          %and3A_561 = vector.broadcast %and3A_560 : i32 to vector<16xi32>
          %and3A_562 = arith.andi %add3A_559, %and3A_561 : vector<16xi32>
          %bitcast_convert_type3A_563 = tpu.bitcast %and3A_562 : vector<16xi32> -> vector<16xf32>
          %mul3A_564 = arith.mulf %bitcast_convert_type3A_563, %gather3A_478 : vector<16xf32>
          %add3A_565 = arith.addf %scan3A_461, %mul3A_564 : vector<16xf32>
          %mul3A_566 = arith.mulf %bitcast_convert_type3A_563, %gather3A_482 : vector<16xf32>
          %add3A_567 = arith.addf %scan3A_462, %mul3A_566 : vector<16xf32>
          %mul3A_568 = arith.mulf %bitcast_convert_type3A_563, %gather3A_486 : vector<16xf32>
          %add3A_569 = arith.addf %scan3A_463, %mul3A_568 : vector<16xf32>
          %mul3A_570 = arith.mulf %bitcast_convert_type3A_563, %gather3A_490 : vector<16xf32>
          %add3A_571 = arith.addf %scan3A_464, %mul3A_570 : vector<16xf32>
          %add3A_572 = arith.constant 48 : i32
          %add3A_573 = vector.broadcast %add3A_572 : i32 to vector<16xi32>
          %add3A_574 = arith.addi %add3A_573, %iota3A : vector<16xi32>
          %gather3A_575 = tpu.vector_load_idx %arg26[%add3A_574, %broadcast_in_dim3A_473] : memref<80x128xf32, #tpu.memory_space<vmem>>[vector<16xi32>, vector<16xi32>], vector<16xf32>,
          %bitcast_convert_type3A_576 = tpu.bitcast %gather3A_575 : vector<16xf32> -> vector<16xi32>
          %add3A_577 = arith.constant 32767 : i32
          %add3A_578 = vector.broadcast %add3A_577 : i32 to vector<16xi32>
          %add3A_579 = arith.addi %bitcast_convert_type3A_576, %add3A_578 : vector<16xi32>
          %shift_right_logical3A_580 = arith.constant 16 : i32
          %shift_right_logical3A_581 = vector.broadcast %shift_right_logical3A_580 : i32 to vector<16xi32>
          %shift_right_logical3A_582 = arith.shrui %bitcast_convert_type3A_576, %shift_right_logical3A_581 : vector<16xi32>
          %and3A_583 = arith.constant 1 : i32
          %and3A_584 = vector.broadcast %and3A_583 : i32 to vector<16xi32>
          %and3A_585 = arith.andi %shift_right_logical3A_582, %and3A_584 : vector<16xi32>
          %add3A_586 = arith.addi %add3A_579, %and3A_585 : vector<16xi32>
          %and3A_587 = arith.constant -65536 : i32
          %and3A_588 = vector.broadcast %and3A_587 : i32 to vector<16xi32>
          %and3A_589 = arith.andi %add3A_586, %and3A_588 : vector<16xi32>
          %bitcast_convert_type3A_590 = tpu.bitcast %and3A_589 : vector<16xi32> -> vector<16xf32>
          %mul3A_591 = arith.mulf %bitcast_convert_type3A_590, %gather3A_478 : vector<16xf32>
          %add3A_592 = arith.addf %scan3A_465, %mul3A_591 : vector<16xf32>
          %mul3A_593 = arith.mulf %bitcast_convert_type3A_590, %gather3A_482 : vector<16xf32>
          %add3A_594 = arith.addf %scan3A_466, %mul3A_593 : vector<16xf32>
          %mul3A_595 = arith.mulf %bitcast_convert_type3A_590, %gather3A_486 : vector<16xf32>
          %add3A_596 = arith.addf %scan3A_467, %mul3A_595 : vector<16xf32>
          %mul3A_597 = arith.mulf %bitcast_convert_type3A_590, %gather3A_490 : vector<16xf32>
          %add3A_598 = arith.addf %scan3A_468, %mul3A_597 : vector<16xf32>
          %add3A_599 = arith.constant 64 : i32
          %add3A_600 = vector.broadcast %add3A_599 : i32 to vector<16xi32>
          %add3A_601 = arith.addi %add3A_600, %iota3A : vector<16xi32>
          %gather3A_602 = tpu.vector_load_idx %arg26[%add3A_601, %broadcast_in_dim3A_473] : memref<80x128xf32, #tpu.memory_space<vmem>>[vector<16xi32>, vector<16xi32>], vector<16xf32>,
          %bitcast_convert_type3A_603 = tpu.bitcast %gather3A_602 : vector<16xf32> -> vector<16xi32>
          %add3A_604 = arith.constant 32767 : i32
          %add3A_605 = vector.broadcast %add3A_604 : i32 to vector<16xi32>
          %add3A_606 = arith.addi %bitcast_convert_type3A_603, %add3A_605 : vector<16xi32>
          %shift_right_logical3A_607 = arith.constant 16 : i32
          %shift_right_logical3A_608 = vector.broadcast %shift_right_logical3A_607 : i32 to vector<16xi32>
          %shift_right_logical3A_609 = arith.shrui %bitcast_convert_type3A_603, %shift_right_logical3A_608 : vector<16xi32>
          %and3A_610 = arith.constant 1 : i32
          %and3A_611 = vector.broadcast %and3A_610 : i32 to vector<16xi32>
          %and3A_612 = arith.andi %shift_right_logical3A_609, %and3A_611 : vector<16xi32>
          %add3A_613 = arith.addi %add3A_606, %and3A_612 : vector<16xi32>
          %and3A_614 = arith.constant -65536 : i32
          %and3A_615 = vector.broadcast %and3A_614 : i32 to vector<16xi32>
          %and3A_616 = arith.andi %add3A_613, %and3A_615 : vector<16xi32>
          %bitcast_convert_type3A_617 = tpu.bitcast %and3A_616 : vector<16xi32> -> vector<16xf32>
          %mul3A_618 = arith.mulf %bitcast_convert_type3A_617, %gather3A_478 : vector<16xf32>
          %add3A_619 = arith.addf %scan3A_469, %mul3A_618 : vector<16xf32>
          %mul3A_620 = arith.mulf %bitcast_convert_type3A_617, %gather3A_482 : vector<16xf32>
          %add3A_621 = arith.addf %scan3A_470, %mul3A_620 : vector<16xf32>
          %mul3A_622 = arith.mulf %bitcast_convert_type3A_617, %gather3A_486 : vector<16xf32>
          %add3A_623 = arith.addf %scan3A_471, %mul3A_622 : vector<16xf32>
          %mul3A_624 = arith.mulf %bitcast_convert_type3A_617, %gather3A_490 : vector<16xf32>
          %add3A_625 = arith.addf %scan3A_472, %mul3A_624 : vector<16xf32>
          scf.yield %add3A_511, %add3A_513, %add3A_515, %add3A_517, %add3A_538, %add3A_540, %add3A_542, %add3A_544, %add3A_565, %add3A_567, %add3A_569, %add3A_571, %add3A_592, %add3A_594, %add3A_596, %add3A_598, %add3A_619, %add3A_621, %add3A_623, %add3A_625 : vector<16xf32>, vector<16xf32>, vector<16xf32>, vector<16xf32>, vector<16xf32>, vector<16xf32>, vector<16xf32>, vector<16xf32>, vector<16xf32>, vector<16xf32>, vector<16xf32>, vector<16xf32>, vector<16xf32>, vector<16xf32>, vector<16xf32>, vector<16xf32>, vector<16xf32>, vector<16xf32>, vector<16xf32>, vector<16xf32>
        }
        %scan3A_321 = arith.constant 128 : i32
        %add3A_322 = arith.constant 0 : i32
        %add3A_323 = vector.broadcast %add3A_322 : i32 to vector<16xi32>
        %add3A_324 = arith.addi %add3A_323, %iota3A : vector<16xi32>
        %add3A_325 = vector.broadcast %add3A_308 : i32 to vector<16xi32>
        %add3A_326 = arith.addi %add3A_325, %add3A_324 : vector<16xi32>
        %gather3A_327 = tpu.vector_load_idx %arg22[%add3A_326] : memref<10240xf32, #tpu.memory_space<vmem>>[vector<16xi32>], vector<16xf32>,
        %mul3A_328 = arith.constant 80 : i32
        %mul3A_329 = arith.muli %scan3A_305, %mul3A_328 : i32
        %add3A_330 = vector.broadcast %mul3A_329 : i32 to vector<16xi32>
        %add3A_331 = arith.addi %add3A_330, %add3A_324 : vector<16xi32>
        %mul3A_332 = arith.constant 4 : i32
        %mul3A_333 = vector.broadcast %mul3A_332 : i32 to vector<16xi32>
        %mul3A_334 = arith.muli %add3A_331, %mul3A_333 : vector<16xi32>
        %mul3A_335 = arith.mulf %scan3A_320#0, %gather3A_327 : vector<16xf32>
        tpu.vector_store_idx %arg23[%mul3A_334], %mul3A_335 : memref<2560xf32, #tpu.memory_space<vmem>>[vector<16xi32>], vector<16xf32>,
        %add3A_336 = arith.constant 1 : i32
        %add3A_337 = vector.broadcast %add3A_336 : i32 to vector<16xi32>
        %add3A_338 = arith.addi %mul3A_334, %add3A_337 : vector<16xi32>
        %mul3A_339 = arith.mulf %scan3A_320#1, %gather3A_327 : vector<16xf32>
        tpu.vector_store_idx %arg23[%add3A_338], %mul3A_339 : memref<2560xf32, #tpu.memory_space<vmem>>[vector<16xi32>], vector<16xf32>,
        %add3A_340 = arith.constant 2 : i32
        %add3A_341 = vector.broadcast %add3A_340 : i32 to vector<16xi32>
        %add3A_342 = arith.addi %mul3A_334, %add3A_341 : vector<16xi32>
        %mul3A_343 = arith.mulf %scan3A_320#2, %gather3A_327 : vector<16xf32>
        tpu.vector_store_idx %arg23[%add3A_342], %mul3A_343 : memref<2560xf32, #tpu.memory_space<vmem>>[vector<16xi32>], vector<16xf32>,
        %add3A_344 = arith.constant 3 : i32
        %add3A_345 = vector.broadcast %add3A_344 : i32 to vector<16xi32>
        %add3A_346 = arith.addi %mul3A_334, %add3A_345 : vector<16xi32>
        %mul3A_347 = arith.mulf %scan3A_320#3, %gather3A_327 : vector<16xf32>
        tpu.vector_store_idx %arg23[%add3A_346], %mul3A_347 : memref<2560xf32, #tpu.memory_space<vmem>>[vector<16xi32>], vector<16xf32>,
        %add3A_348 = arith.constant 16 : i32
        %add3A_349 = vector.broadcast %add3A_348 : i32 to vector<16xi32>
        %add3A_350 = arith.addi %add3A_349, %iota3A : vector<16xi32>
        %add3A_351 = vector.broadcast %add3A_308 : i32 to vector<16xi32>
        %add3A_352 = arith.addi %add3A_351, %add3A_350 : vector<16xi32>
        %gather3A_353 = tpu.vector_load_idx %arg22[%add3A_352] : memref<10240xf32, #tpu.memory_space<vmem>>[vector<16xi32>], vector<16xf32>,
        %mul3A_354 = arith.constant 80 : i32
        %mul3A_355 = arith.muli %scan3A_305, %mul3A_354 : i32
        %add3A_356 = vector.broadcast %mul3A_355 : i32 to vector<16xi32>
        %add3A_357 = arith.addi %add3A_356, %add3A_350 : vector<16xi32>
        %mul3A_358 = arith.constant 4 : i32
        %mul3A_359 = vector.broadcast %mul3A_358 : i32 to vector<16xi32>
        %mul3A_360 = arith.muli %add3A_357, %mul3A_359 : vector<16xi32>
        %mul3A_361 = arith.mulf %scan3A_320#4, %gather3A_353 : vector<16xf32>
        tpu.vector_store_idx %arg23[%mul3A_360], %mul3A_361 : memref<2560xf32, #tpu.memory_space<vmem>>[vector<16xi32>], vector<16xf32>,
        %add3A_362 = arith.constant 1 : i32
        %add3A_363 = vector.broadcast %add3A_362 : i32 to vector<16xi32>
        %add3A_364 = arith.addi %mul3A_360, %add3A_363 : vector<16xi32>
        %mul3A_365 = arith.mulf %scan3A_320#5, %gather3A_353 : vector<16xf32>
        tpu.vector_store_idx %arg23[%add3A_364], %mul3A_365 : memref<2560xf32, #tpu.memory_space<vmem>>[vector<16xi32>], vector<16xf32>,
        %add3A_366 = arith.constant 2 : i32
        %add3A_367 = vector.broadcast %add3A_366 : i32 to vector<16xi32>
        %add3A_368 = arith.addi %mul3A_360, %add3A_367 : vector<16xi32>
        %mul3A_369 = arith.mulf %scan3A_320#6, %gather3A_353 : vector<16xf32>
        tpu.vector_store_idx %arg23[%add3A_368], %mul3A_369 : memref<2560xf32, #tpu.memory_space<vmem>>[vector<16xi32>], vector<16xf32>,
        %add3A_370 = arith.constant 3 : i32
        %add3A_371 = vector.broadcast %add3A_370 : i32 to vector<16xi32>
        %add3A_372 = arith.addi %mul3A_360, %add3A_371 : vector<16xi32>
        %mul3A_373 = arith.mulf %scan3A_320#7, %gather3A_353 : vector<16xf32>
        tpu.vector_store_idx %arg23[%add3A_372], %mul3A_373 : memref<2560xf32, #tpu.memory_space<vmem>>[vector<16xi32>], vector<16xf32>,
        %add3A_374 = arith.constant 32 : i32
        %add3A_375 = vector.broadcast %add3A_374 : i32 to vector<16xi32>
        %add3A_376 = arith.addi %add3A_375, %iota3A : vector<16xi32>
        %add3A_377 = vector.broadcast %add3A_308 : i32 to vector<16xi32>
        %add3A_378 = arith.addi %add3A_377, %add3A_376 : vector<16xi32>
        %gather3A_379 = tpu.vector_load_idx %arg22[%add3A_378] : memref<10240xf32, #tpu.memory_space<vmem>>[vector<16xi32>], vector<16xf32>,
        %mul3A_380 = arith.constant 80 : i32
        %mul3A_381 = arith.muli %scan3A_305, %mul3A_380 : i32
        %add3A_382 = vector.broadcast %mul3A_381 : i32 to vector<16xi32>
        %add3A_383 = arith.addi %add3A_382, %add3A_376 : vector<16xi32>
        %mul3A_384 = arith.constant 4 : i32
        %mul3A_385 = vector.broadcast %mul3A_384 : i32 to vector<16xi32>
        %mul3A_386 = arith.muli %add3A_383, %mul3A_385 : vector<16xi32>
        %mul3A_387 = arith.mulf %scan3A_320#8, %gather3A_379 : vector<16xf32>
        tpu.vector_store_idx %arg23[%mul3A_386], %mul3A_387 : memref<2560xf32, #tpu.memory_space<vmem>>[vector<16xi32>], vector<16xf32>,
        %add3A_388 = arith.constant 1 : i32
        %add3A_389 = vector.broadcast %add3A_388 : i32 to vector<16xi32>
        %add3A_390 = arith.addi %mul3A_386, %add3A_389 : vector<16xi32>
        %mul3A_391 = arith.mulf %scan3A_320#9, %gather3A_379 : vector<16xf32>
        tpu.vector_store_idx %arg23[%add3A_390], %mul3A_391 : memref<2560xf32, #tpu.memory_space<vmem>>[vector<16xi32>], vector<16xf32>,
        %add3A_392 = arith.constant 2 : i32
        %add3A_393 = vector.broadcast %add3A_392 : i32 to vector<16xi32>
        %add3A_394 = arith.addi %mul3A_386, %add3A_393 : vector<16xi32>
        %mul3A_395 = arith.mulf %scan3A_320#10, %gather3A_379 : vector<16xf32>
        tpu.vector_store_idx %arg23[%add3A_394], %mul3A_395 : memref<2560xf32, #tpu.memory_space<vmem>>[vector<16xi32>], vector<16xf32>,
        %add3A_396 = arith.constant 3 : i32
        %add3A_397 = vector.broadcast %add3A_396 : i32 to vector<16xi32>
        %add3A_398 = arith.addi %mul3A_386, %add3A_397 : vector<16xi32>
        %mul3A_399 = arith.mulf %scan3A_320#11, %gather3A_379 : vector<16xf32>
        tpu.vector_store_idx %arg23[%add3A_398], %mul3A_399 : memref<2560xf32, #tpu.memory_space<vmem>>[vector<16xi32>], vector<16xf32>,
        %add3A_400 = arith.constant 48 : i32
        %add3A_401 = vector.broadcast %add3A_400 : i32 to vector<16xi32>
        %add3A_402 = arith.addi %add3A_401, %iota3A : vector<16xi32>
        %add3A_403 = vector.broadcast %add3A_308 : i32 to vector<16xi32>
        %add3A_404 = arith.addi %add3A_403, %add3A_402 : vector<16xi32>
        %gather3A_405 = tpu.vector_load_idx %arg22[%add3A_404] : memref<10240xf32, #tpu.memory_space<vmem>>[vector<16xi32>], vector<16xf32>,
        %mul3A_406 = arith.constant 80 : i32
        %mul3A_407 = arith.muli %scan3A_305, %mul3A_406 : i32
        %add3A_408 = vector.broadcast %mul3A_407 : i32 to vector<16xi32>
        %add3A_409 = arith.addi %add3A_408, %add3A_402 : vector<16xi32>
        %mul3A_410 = arith.constant 4 : i32
        %mul3A_411 = vector.broadcast %mul3A_410 : i32 to vector<16xi32>
        %mul3A_412 = arith.muli %add3A_409, %mul3A_411 : vector<16xi32>
        %mul3A_413 = arith.mulf %scan3A_320#12, %gather3A_405 : vector<16xf32>
        tpu.vector_store_idx %arg23[%mul3A_412], %mul3A_413 : memref<2560xf32, #tpu.memory_space<vmem>>[vector<16xi32>], vector<16xf32>,
        %add3A_414 = arith.constant 1 : i32
        %add3A_415 = vector.broadcast %add3A_414 : i32 to vector<16xi32>
        %add3A_416 = arith.addi %mul3A_412, %add3A_415 : vector<16xi32>
        %mul3A_417 = arith.mulf %scan3A_320#13, %gather3A_405 : vector<16xf32>
        tpu.vector_store_idx %arg23[%add3A_416], %mul3A_417 : memref<2560xf32, #tpu.memory_space<vmem>>[vector<16xi32>], vector<16xf32>,
        %add3A_418 = arith.constant 2 : i32
        %add3A_419 = vector.broadcast %add3A_418 : i32 to vector<16xi32>
        %add3A_420 = arith.addi %mul3A_412, %add3A_419 : vector<16xi32>
        %mul3A_421 = arith.mulf %scan3A_320#14, %gather3A_405 : vector<16xf32>
        tpu.vector_store_idx %arg23[%add3A_420], %mul3A_421 : memref<2560xf32, #tpu.memory_space<vmem>>[vector<16xi32>], vector<16xf32>,
        %add3A_422 = arith.constant 3 : i32
        %add3A_423 = vector.broadcast %add3A_422 : i32 to vector<16xi32>
        %add3A_424 = arith.addi %mul3A_412, %add3A_423 : vector<16xi32>
        %mul3A_425 = arith.mulf %scan3A_320#15, %gather3A_405 : vector<16xf32>
        tpu.vector_store_idx %arg23[%add3A_424], %mul3A_425 : memref<2560xf32, #tpu.memory_space<vmem>>[vector<16xi32>], vector<16xf32>,
        %add3A_426 = arith.constant 64 : i32
        %add3A_427 = vector.broadcast %add3A_426 : i32 to vector<16xi32>
        %add3A_428 = arith.addi %add3A_427, %iota3A : vector<16xi32>
        %add3A_429 = vector.broadcast %add3A_308 : i32 to vector<16xi32>
        %add3A_430 = arith.addi %add3A_429, %add3A_428 : vector<16xi32>
        %gather3A_431 = tpu.vector_load_idx %arg22[%add3A_430] : memref<10240xf32, #tpu.memory_space<vmem>>[vector<16xi32>], vector<16xf32>,
        %mul3A_432 = arith.constant 80 : i32
        %mul3A_433 = arith.muli %scan3A_305, %mul3A_432 : i32
        %add3A_434 = vector.broadcast %mul3A_433 : i32 to vector<16xi32>
        %add3A_435 = arith.addi %add3A_434, %add3A_428 : vector<16xi32>
        %mul3A_436 = arith.constant 4 : i32
        %mul3A_437 = vector.broadcast %mul3A_436 : i32 to vector<16xi32>
        %mul3A_438 = arith.muli %add3A_435, %mul3A_437 : vector<16xi32>
        %mul3A_439 = arith.mulf %scan3A_320#16, %gather3A_431 : vector<16xf32>
        tpu.vector_store_idx %arg23[%mul3A_438], %mul3A_439 : memref<2560xf32, #tpu.memory_space<vmem>>[vector<16xi32>], vector<16xf32>,
        %add3A_440 = arith.constant 1 : i32
        %add3A_441 = vector.broadcast %add3A_440 : i32 to vector<16xi32>
        %add3A_442 = arith.addi %mul3A_438, %add3A_441 : vector<16xi32>
        %mul3A_443 = arith.mulf %scan3A_320#17, %gather3A_431 : vector<16xf32>
        tpu.vector_store_idx %arg23[%add3A_442], %mul3A_443 : memref<2560xf32, #tpu.memory_space<vmem>>[vector<16xi32>], vector<16xf32>,
        %add3A_444 = arith.constant 2 : i32
        %add3A_445 = vector.broadcast %add3A_444 : i32 to vector<16xi32>
        %add3A_446 = arith.addi %mul3A_438, %add3A_445 : vector<16xi32>
        %mul3A_447 = arith.mulf %scan3A_320#18, %gather3A_431 : vector<16xf32>
        tpu.vector_store_idx %arg23[%add3A_446], %mul3A_447 : memref<2560xf32, #tpu.memory_space<vmem>>[vector<16xi32>], vector<16xf32>,
        %add3A_448 = arith.constant 3 : i32
        %add3A_449 = vector.broadcast %add3A_448 : i32 to vector<16xi32>
        %add3A_450 = arith.addi %mul3A_438, %add3A_449 : vector<16xi32>
        %mul3A_451 = arith.mulf %scan3A_320#19, %gather3A_431 : vector<16xf32>
        tpu.vector_store_idx %arg23[%add3A_450], %mul3A_451 : memref<2560xf32, #tpu.memory_space<vmem>>[vector<16xi32>], vector<16xf32>,
      } else {
      }
      %ge3A = arith.constant 10000 : i32
      %ge3A_312 = arith.cmpi sge, %add3A_308, %ge3A : i32
      %convert_element_type3A_313 = arith.extui %ge3A_312 : i1 to i32
      %cond3A_314 = arith.constant 0 : i32
      %cond3A_315 = arith.cmpi ne, %convert_element_type3A_313, %cond3A_314 : i32
      scf.if %cond3A_315 {
        %scan3A_316 = arith.constant 0 : i32
        %scan3A_317 = arith.constant 0 : i32
        %scan3A_318 = arith.constant 20 : i32
        %scan3A_319 = arith.addi %scan3A_317, %scan3A_318 : i32
        %scan3A_320 = arith.constant 1 : i32
        scf.for %scan3A_322 = %scan3A_317 to %scan3A_319 step %scan3A_320  : i32 {
          %mul3A_323 = arith.constant 80 : i32
          %mul3A_324 = arith.muli %scan3A_305, %mul3A_323 : i32
          %mul3A_325 = arith.constant 4 : i32
          %mul3A_326 = arith.muli %mul3A_324, %mul3A_325 : i32
          %mul3A_327 = arith.constant 16 : i32
          %mul3A_328 = arith.muli %scan3A_322, %mul3A_327 : i32
          %add3A_329 = arith.addi %mul3A_326, %mul3A_328 : i32
          %swap3A = arith.index_cast %add3A_329 : i32 to index
          %swap3A_330 = tpu.vector_load %arg23[%swap3A] {strides = array<i32>} : memref<2560xf32, #tpu.memory_space<vmem>>, vector<16xf32>,
          tpu.vector_store %arg23[%swap3A], %broadcast_in_dim3A_9 {strides = array<i32>} : memref<2560xf32, #tpu.memory_space<vmem>>, vector<16xf32>,
        }
        %scan3A_321 = arith.constant 20 : i32
      } else {
      }
    }
    %scan3A_54 = arith.constant 8 : i32
    %mul3A_55 = arith.constant 4 : i32
    %mul3A_56 = arith.muli %mul3A_18, %mul3A_55 : i32
    "tpu.region"() ({
      %run_scoped3A = tpu.sem_alloc : memref<!tpu.dma_semaphore, #tpu.memory_space<semaphore_mem>>
      %dma_start3A = tpu.memref_slice %arg15[%mul3A_56] : memref<40960xf32, #tpu.memory_space<vmem_shared>> -> memref<2560xf32, #tpu.memory_space<vmem_shared>>
      %dma_start3A_305 = tpu.memref_slice %arg15[%mul3A_56] : memref<40960xf32, #tpu.memory_space<vmem_shared>> -> memref<2560xf32, #tpu.memory_space<vmem_shared>>
      tpu.enqueue_dma source(%arg23 : memref<2560xf32, #tpu.memory_space<vmem>>) target(%dma_start3A_305 : memref<2560xf32, #tpu.memory_space<vmem_shared>>) target_semaphore(%run_scoped3A : memref<!tpu.dma_semaphore, #tpu.memory_space<semaphore_mem>>)
      %dma_wait3A = tpu.memref_slice %arg15[%mul3A_56] : memref<40960xf32, #tpu.memory_space<vmem_shared>> -> memref<2560xf32, #tpu.memory_space<vmem_shared>>
      %dma_wait3A_306 = tpu.memref_slice %arg15[%mul3A_56] : memref<40960xf32, #tpu.memory_space<vmem_shared>> -> memref<2560xf32, #tpu.memory_space<vmem_shared>>
      tpu.wait_dma2 semaphore(%run_scoped3A : memref<!tpu.dma_semaphore, #tpu.memory_space<semaphore_mem>>) src(%arg23 : memref<2560xf32, #tpu.memory_space<vmem>>) dst(%dma_wait3A_306 : memref<2560xf32, #tpu.memory_space<vmem_shared>>)
      tpu.yield
    }) : () -> ()
    %mul3A_57 = arith.constant 4 : i32
    %mul3A_58 = arith.muli %mul3A_18, %mul3A_57 : i32
    "tpu.region"() ({
      %run_scoped3A = tpu.sem_alloc : memref<!tpu.dma_semaphore, #tpu.memory_space<semaphore_mem>>
      %dma_start3A = tpu.memref_slice %arg16[%mul3A_58] : memref<40960xf32, #tpu.memory_space<vmem_shared>> -> memref<2560xf32, #tpu.memory_space<vmem_shared>>
      %dma_start3A_305 = tpu.memref_slice %arg16[%mul3A_58] : memref<40960xf32, #tpu.memory_space<vmem_shared>> -> memref<2560xf32, #tpu.memory_space<vmem_shared>>
      tpu.enqueue_dma source(%arg23 : memref<2560xf32, #tpu.memory_space<vmem>>) target(%dma_start3A_305 : memref<2560xf32, #tpu.memory_space<vmem_shared>>) target_semaphore(%run_scoped3A : memref<!tpu.dma_semaphore, #tpu.memory_space<semaphore_mem>>)
      %dma_wait3A = tpu.memref_slice %arg16[%mul3A_58] : memref<40960xf32, #tpu.memory_space<vmem_shared>> -> memref<2560xf32, #tpu.memory_space<vmem_shared>>
      %dma_wait3A_306 = tpu.memref_slice %arg16[%mul3A_58] : memref<40960xf32, #tpu.memory_space<vmem_shared>> -> memref<2560xf32, #tpu.memory_space<vmem_shared>>
      tpu.wait_dma2 semaphore(%run_scoped3A : memref<!tpu.dma_semaphore, #tpu.memory_space<semaphore_mem>>) src(%arg23 : memref<2560xf32, #tpu.memory_space<vmem>>) dst(%dma_wait3A_306 : memref<2560xf32, #tpu.memory_space<vmem_shared>>)
      tpu.yield
    }) : () -> ()
    %barrier3A_59 = arith.constant 0 : index
    tpu.barrier barrier_id(%barrier3A_59)
    %scan3A_60 = arith.constant 0 : i32
    %scan3A_61 = arith.constant 0 : i32
    %scan3A_62 = arith.constant 5 : i32
    %scan3A_63 = arith.addi %scan3A_61, %scan3A_62 : i32
    %scan3A_64 = arith.constant 1 : i32
    scf.for %scan3A_305 = %scan3A_61 to %scan3A_63 step %scan3A_64  : i32 {
      %mul3A_306 = arith.constant 20000 : i32
      %mul3A_307 = arith.muli %arg1, %mul3A_306 : i32
      %mul3A_308 = arith.constant 4000 : i32
      %mul3A_309 = arith.muli %scan3A_305, %mul3A_308 : i32
      %add3A_310 = arith.addi %mul3A_307, %mul3A_309 : i32
      %run_scoped3A = arith.constant 0 : i32
      "tpu.region"() ({
        %run_scoped3A_318 = tpu.sem_alloc : memref<!tpu.dma_semaphore, #tpu.memory_space<semaphore_mem>>
        %dma_start3A = tpu.memref_slice %arg2[%run_scoped3A, %add3A_310] : memref<2x320000xi32, #tpu.memory_space<hbm>> -> memref<1x4000xi32, #tpu.memory_space<hbm>>
        %dma_start3A_319 = tpu.memref_squeeze %dma_start3A : memref<1x4000xi32, #tpu.memory_space<hbm>> -> memref<4000xi32, #tpu.memory_space<hbm>>
        %dma_start3A_320 = tpu.memref_slice %arg2[%run_scoped3A, %add3A_310] : memref<2x320000xi32, #tpu.memory_space<hbm>> -> memref<1x4000xi32, #tpu.memory_space<hbm>>
        %dma_start3A_321 = tpu.memref_squeeze %dma_start3A_320 : memref<1x4000xi32, #tpu.memory_space<hbm>> -> memref<4000xi32, #tpu.memory_space<hbm>>
        tpu.enqueue_dma source(%dma_start3A_321 : memref<4000xi32, #tpu.memory_space<hbm>>) target(%arg17 : memref<4000xi32, #tpu.memory_space<vmem>>) target_semaphore(%run_scoped3A_318 : memref<!tpu.dma_semaphore, #tpu.memory_space<semaphore_mem>>)
        %dma_wait3A = tpu.memref_slice %arg2[%run_scoped3A, %add3A_310] : memref<2x320000xi32, #tpu.memory_space<hbm>> -> memref<1x4000xi32, #tpu.memory_space<hbm>>
        %dma_wait3A_322 = tpu.memref_squeeze %dma_wait3A : memref<1x4000xi32, #tpu.memory_space<hbm>> -> memref<4000xi32, #tpu.memory_space<hbm>>
        %dma_wait3A_323 = tpu.memref_slice %arg2[%run_scoped3A, %add3A_310] : memref<2x320000xi32, #tpu.memory_space<hbm>> -> memref<1x4000xi32, #tpu.memory_space<hbm>>
        %dma_wait3A_324 = tpu.memref_squeeze %dma_wait3A_323 : memref<1x4000xi32, #tpu.memory_space<hbm>> -> memref<4000xi32, #tpu.memory_space<hbm>>
        tpu.wait_dma2 semaphore(%run_scoped3A_318 : memref<!tpu.dma_semaphore, #tpu.memory_space<semaphore_mem>>) src(%dma_wait3A_324 : memref<4000xi32, #tpu.memory_space<hbm>>) dst(%arg17 : memref<4000xi32, #tpu.memory_space<vmem>>)
        tpu.yield
      }) : () -> ()
      %run_scoped3A_311 = arith.constant 1 : i32
      "tpu.region"() ({
        %run_scoped3A_318 = tpu.sem_alloc : memref<!tpu.dma_semaphore, #tpu.memory_space<semaphore_mem>>
        %dma_start3A = tpu.memref_slice %arg2[%run_scoped3A_311, %add3A_310] : memref<2x320000xi32, #tpu.memory_space<hbm>> -> memref<1x4000xi32, #tpu.memory_space<hbm>>
        %dma_start3A_319 = tpu.memref_squeeze %dma_start3A : memref<1x4000xi32, #tpu.memory_space<hbm>> -> memref<4000xi32, #tpu.memory_space<hbm>>
        %dma_start3A_320 = tpu.memref_slice %arg2[%run_scoped3A_311, %add3A_310] : memref<2x320000xi32, #tpu.memory_space<hbm>> -> memref<1x4000xi32, #tpu.memory_space<hbm>>
        %dma_start3A_321 = tpu.memref_squeeze %dma_start3A_320 : memref<1x4000xi32, #tpu.memory_space<hbm>> -> memref<4000xi32, #tpu.memory_space<hbm>>
        tpu.enqueue_dma source(%dma_start3A_321 : memref<4000xi32, #tpu.memory_space<hbm>>) target(%arg18 : memref<4000xi32, #tpu.memory_space<vmem>>) target_semaphore(%run_scoped3A_318 : memref<!tpu.dma_semaphore, #tpu.memory_space<semaphore_mem>>)
        %dma_wait3A = tpu.memref_slice %arg2[%run_scoped3A_311, %add3A_310] : memref<2x320000xi32, #tpu.memory_space<hbm>> -> memref<1x4000xi32, #tpu.memory_space<hbm>>
        %dma_wait3A_322 = tpu.memref_squeeze %dma_wait3A : memref<1x4000xi32, #tpu.memory_space<hbm>> -> memref<4000xi32, #tpu.memory_space<hbm>>
        %dma_wait3A_323 = tpu.memref_slice %arg2[%run_scoped3A_311, %add3A_310] : memref<2x320000xi32, #tpu.memory_space<hbm>> -> memref<1x4000xi32, #tpu.memory_space<hbm>>
        %dma_wait3A_324 = tpu.memref_squeeze %dma_wait3A_323 : memref<1x4000xi32, #tpu.memory_space<hbm>> -> memref<4000xi32, #tpu.memory_space<hbm>>
        tpu.wait_dma2 semaphore(%run_scoped3A_318 : memref<!tpu.dma_semaphore, #tpu.memory_space<semaphore_mem>>) src(%dma_wait3A_324 : memref<4000xi32, #tpu.memory_space<hbm>>) dst(%arg18 : memref<4000xi32, #tpu.memory_space<vmem>>)
        tpu.yield
      }) : () -> ()
      %scan3A_312 = arith.constant 0 : i32
      %scan3A_313 = arith.constant 0 : i32
      %scan3A_314 = arith.constant 250 : i32
      %scan3A_315 = arith.addi %scan3A_313, %scan3A_314 : i32
      %scan3A_316 = arith.constant 1 : i32
      scf.for %scan3A_318 = %scan3A_313 to %scan3A_315 step %scan3A_316  : i32 {
        %mul3A_319 = arith.constant 16 : i32
        %mul3A_320 = arith.muli %scan3A_318, %mul3A_319 : i32
        %get3A = arith.index_cast %mul3A_320 : i32 to index
        %get3A_321 = tpu.vector_load %arg17[%get3A] {strides = array<i32>} : memref<4000xi32, #tpu.memory_space<vmem>>, vector<16xi32>,
        %mul3A_322 = arith.constant 4 : i32
        %mul3A_323 = vector.broadcast %mul3A_322 : i32 to vector<16xi32>
        %mul3A_324 = arith.muli %get3A_321, %mul3A_323 : vector<16xi32>
        %mul3A_325 = arith.constant 16 : i32
        %mul3A_326 = arith.muli %scan3A_318, %mul3A_325 : i32
        %get3A_327 = arith.index_cast %mul3A_326 : i32 to index
        %get3A_328 = tpu.vector_load %arg18[%get3A_327] {strides = array<i32>} : memref<4000xi32, #tpu.memory_space<vmem>>, vector<16xi32>,
        %mul3A_329 = arith.constant 4 : i32
        %mul3A_330 = vector.broadcast %mul3A_329 : i32 to vector<16xi32>
        %mul3A_331 = arith.muli %get3A_328, %mul3A_330 : vector<16xi32>
        %mul3A_332 = arith.constant 16 : i32
        %mul3A_333 = arith.muli %scan3A_318, %mul3A_332 : i32
        %swap3A = arith.index_cast %mul3A_333 : i32 to index
        %swap3A_334 = tpu.vector_load %arg19[%swap3A] {strides = array<i32>} : memref<16000xi32, #tpu.memory_space<vmem>>, vector<16xi32>,
        tpu.vector_store %arg19[%swap3A], %mul3A_324 {strides = array<i32>} : memref<16000xi32, #tpu.memory_space<vmem>>, vector<16xi32>,
        %add3A_335 = arith.constant 1 : i32
        %add3A_336 = vector.broadcast %add3A_335 : i32 to vector<16xi32>
        %add3A_337 = arith.addi %mul3A_324, %add3A_336 : vector<16xi32>
        %mul3A_338 = arith.constant 16 : i32
        %mul3A_339 = arith.muli %scan3A_318, %mul3A_338 : i32
        %add3A_340 = arith.constant 4000 : i32
        %add3A_341 = arith.addi %add3A_340, %mul3A_339 : i32
        %swap3A_342 = arith.index_cast %add3A_341 : i32 to index
        %swap3A_343 = tpu.vector_load %arg19[%swap3A_342] {strides = array<i32>} : memref<16000xi32, #tpu.memory_space<vmem>>, vector<16xi32>,
        tpu.vector_store %arg19[%swap3A_342], %add3A_337 {strides = array<i32>} : memref<16000xi32, #tpu.memory_space<vmem>>, vector<16xi32>,
        %add3A_344 = arith.constant 2 : i32
        %add3A_345 = vector.broadcast %add3A_344 : i32 to vector<16xi32>
        %add3A_346 = arith.addi %mul3A_324, %add3A_345 : vector<16xi32>
        %mul3A_347 = arith.constant 16 : i32
        %mul3A_348 = arith.muli %scan3A_318, %mul3A_347 : i32
        %add3A_349 = arith.constant 8000 : i32
        %add3A_350 = arith.addi %add3A_349, %mul3A_348 : i32
        %swap3A_351 = arith.index_cast %add3A_350 : i32 to index
        %swap3A_352 = tpu.vector_load %arg19[%swap3A_351] {strides = array<i32>} : memref<16000xi32, #tpu.memory_space<vmem>>, vector<16xi32>,
        tpu.vector_store %arg19[%swap3A_351], %add3A_346 {strides = array<i32>} : memref<16000xi32, #tpu.memory_space<vmem>>, vector<16xi32>,
        %add3A_353 = arith.constant 3 : i32
        %add3A_354 = vector.broadcast %add3A_353 : i32 to vector<16xi32>
        %add3A_355 = arith.addi %mul3A_324, %add3A_354 : vector<16xi32>
        %mul3A_356 = arith.constant 16 : i32
        %mul3A_357 = arith.muli %scan3A_318, %mul3A_356 : i32
        %add3A_358 = arith.constant 12000 : i32
        %add3A_359 = arith.addi %add3A_358, %mul3A_357 : i32
        %swap3A_360 = arith.index_cast %add3A_359 : i32 to index
        %swap3A_361 = tpu.vector_load %arg19[%swap3A_360] {strides = array<i32>} : memref<16000xi32, #tpu.memory_space<vmem>>, vector<16xi32>,
        tpu.vector_store %arg19[%swap3A_360], %add3A_355 {strides = array<i32>} : memref<16000xi32, #tpu.memory_space<vmem>>, vector<16xi32>,
        %mul3A_362 = arith.constant 16 : i32
        %mul3A_363 = arith.muli %scan3A_318, %mul3A_362 : i32
        %swap3A_364 = arith.index_cast %mul3A_363 : i32 to index
        %swap3A_365 = tpu.vector_load %arg20[%swap3A_364] {strides = array<i32>} : memref<16000xi32, #tpu.memory_space<vmem>>, vector<16xi32>,
        tpu.vector_store %arg20[%swap3A_364], %mul3A_331 {strides = array<i32>} : memref<16000xi32, #tpu.memory_space<vmem>>, vector<16xi32>,
        %add3A_366 = arith.constant 1 : i32
        %add3A_367 = vector.broadcast %add3A_366 : i32 to vector<16xi32>
        %add3A_368 = arith.addi %mul3A_331, %add3A_367 : vector<16xi32>
        %mul3A_369 = arith.constant 16 : i32
        %mul3A_370 = arith.muli %scan3A_318, %mul3A_369 : i32
        %add3A_371 = arith.constant 4000 : i32
        %add3A_372 = arith.addi %add3A_371, %mul3A_370 : i32
        %swap3A_373 = arith.index_cast %add3A_372 : i32 to index
        %swap3A_374 = tpu.vector_load %arg20[%swap3A_373] {strides = array<i32>} : memref<16000xi32, #tpu.memory_space<vmem>>, vector<16xi32>,
        tpu.vector_store %arg20[%swap3A_373], %add3A_368 {strides = array<i32>} : memref<16000xi32, #tpu.memory_space<vmem>>, vector<16xi32>,
        %add3A_375 = arith.constant 2 : i32
        %add3A_376 = vector.broadcast %add3A_375 : i32 to vector<16xi32>
        %add3A_377 = arith.addi %mul3A_331, %add3A_376 : vector<16xi32>
        %mul3A_378 = arith.constant 16 : i32
        %mul3A_379 = arith.muli %scan3A_318, %mul3A_378 : i32
        %add3A_380 = arith.constant 8000 : i32
        %add3A_381 = arith.addi %add3A_380, %mul3A_379 : i32
        %swap3A_382 = arith.index_cast %add3A_381 : i32 to index
        %swap3A_383 = tpu.vector_load %arg20[%swap3A_382] {strides = array<i32>} : memref<16000xi32, #tpu.memory_space<vmem>>, vector<16xi32>,
        tpu.vector_store %arg20[%swap3A_382], %add3A_377 {strides = array<i32>} : memref<16000xi32, #tpu.memory_space<vmem>>, vector<16xi32>,
        %add3A_384 = arith.constant 3 : i32
        %add3A_385 = vector.broadcast %add3A_384 : i32 to vector<16xi32>
        %add3A_386 = arith.addi %mul3A_331, %add3A_385 : vector<16xi32>
        %mul3A_387 = arith.constant 16 : i32
        %mul3A_388 = arith.muli %scan3A_318, %mul3A_387 : i32
        %add3A_389 = arith.constant 12000 : i32
        %add3A_390 = arith.addi %add3A_389, %mul3A_388 : i32
        %swap3A_391 = arith.index_cast %add3A_390 : i32 to index
        %swap3A_392 = tpu.vector_load %arg20[%swap3A_391] {strides = array<i32>} : memref<16000xi32, #tpu.memory_space<vmem>>, vector<16xi32>,
        tpu.vector_store %arg20[%swap3A_391], %add3A_386 {strides = array<i32>} : memref<16000xi32, #tpu.memory_space<vmem>>, vector<16xi32>,
      }
      %scan3A_317 = arith.constant 250 : i32
      "tpu.region"() ({
        %run_scoped3A_318 = tpu.sem_alloc : memref<!tpu.dma_semaphore, #tpu.memory_space<semaphore_mem>>
        %dma_start3A = arith.constant 0 : i32
        %dma_start3A_319 = tpu.memref_slice %arg15[%dma_start3A] : memref<40960xf32, #tpu.memory_space<vmem_shared>> -> memref<40960xf32, #tpu.memory_space<vmem_shared>>
        tpu.enqueue_indirect_dma source(%dma_start3A_319 : memref<40960xf32, #tpu.memory_space<vmem_shared>>) target(%arg21 : memref<16000xf32, #tpu.memory_space<vmem>>) offsets(%arg19 : memref<16000xi32, #tpu.memory_space<vmem>>) semaphore(%run_scoped3A_318 : memref<!tpu.dma_semaphore, #tpu.memory_space<semaphore_mem>>)
        %dma_wait3A = arith.constant 0 : i32
        %dma_wait3A_320 = tpu.memref_slice %arg15[%dma_wait3A] : memref<40960xf32, #tpu.memory_space<vmem_shared>> -> memref<40960xf32, #tpu.memory_space<vmem_shared>>
        tpu.wait_indirect_dma semaphore(%run_scoped3A_318 : memref<!tpu.dma_semaphore, #tpu.memory_space<semaphore_mem>>) src(%dma_wait3A_320 : memref<40960xf32, #tpu.memory_space<vmem_shared>>) dst(%arg21 : memref<16000xf32, #tpu.memory_space<vmem>>)
        tpu.yield
      }) : () -> ()
      "tpu.region"() ({
        %run_scoped3A_318 = tpu.sem_alloc : memref<!tpu.dma_semaphore, #tpu.memory_space<semaphore_mem>>
        %dma_start3A = arith.constant 0 : i32
        %dma_start3A_319 = tpu.memref_slice %arg16[%dma_start3A] : memref<40960xf32, #tpu.memory_space<vmem_shared>> -> memref<40960xf32, #tpu.memory_space<vmem_shared>>
        tpu.enqueue_indirect_dma source(%arg21 : memref<16000xf32, #tpu.memory_space<vmem>>) target(%dma_start3A_319 : memref<40960xf32, #tpu.memory_space<vmem_shared>>) offsets(%arg20 : memref<16000xi32, #tpu.memory_space<vmem>>) semaphore(%run_scoped3A_318 : memref<!tpu.dma_semaphore, #tpu.memory_space<semaphore_mem>>) {add = true}
        %dma_wait3A = arith.constant 0 : i32
        %dma_wait3A_320 = tpu.memref_slice %arg16[%dma_wait3A] : memref<40960xf32, #tpu.memory_space<vmem_shared>> -> memref<40960xf32, #tpu.memory_space<vmem_shared>>
        tpu.wait_indirect_dma semaphore(%run_scoped3A_318 : memref<!tpu.dma_semaphore, #tpu.memory_space<semaphore_mem>>) src(%arg21 : memref<16000xf32, #tpu.memory_space<vmem>>) dst(%dma_wait3A_320 : memref<40960xf32, #tpu.memory_space<vmem_shared>>)
        tpu.yield
      }) : () -> ()
    }
    %scan3A_65 = arith.constant 5 : i32
    %barrier3A_66 = arith.constant 0 : index
    tpu.barrier barrier_id(%barrier3A_66)
    %mul3A_67 = arith.constant 4 : i32
    %mul3A_68 = arith.muli %mul3A_18, %mul3A_67 : i32
    "tpu.region"() ({
      %run_scoped3A = tpu.sem_alloc : memref<!tpu.dma_semaphore, #tpu.memory_space<semaphore_mem>>
      %dma_start3A = tpu.memref_slice %arg16[%mul3A_68] : memref<40960xf32, #tpu.memory_space<vmem_shared>> -> memref<2560xf32, #tpu.memory_space<vmem_shared>>
      %dma_start3A_305 = tpu.memref_slice %arg16[%mul3A_68] : memref<40960xf32, #tpu.memory_space<vmem_shared>> -> memref<2560xf32, #tpu.memory_space<vmem_shared>>
      tpu.enqueue_dma source(%dma_start3A_305 : memref<2560xf32, #tpu.memory_space<vmem_shared>>) target(%arg24 : memref<2560xf32, #tpu.memory_space<vmem>>) target_semaphore(%run_scoped3A : memref<!tpu.dma_semaphore, #tpu.memory_space<semaphore_mem>>)
      %dma_wait3A = tpu.memref_slice %arg16[%mul3A_68] : memref<40960xf32, #tpu.memory_space<vmem_shared>> -> memref<2560xf32, #tpu.memory_space<vmem_shared>>
      %dma_wait3A_306 = tpu.memref_slice %arg16[%mul3A_68] : memref<40960xf32, #tpu.memory_space<vmem_shared>> -> memref<2560xf32, #tpu.memory_space<vmem_shared>>
      tpu.wait_dma2 semaphore(%run_scoped3A : memref<!tpu.dma_semaphore, #tpu.memory_space<semaphore_mem>>) src(%dma_wait3A_306 : memref<2560xf32, #tpu.memory_space<vmem_shared>>) dst(%arg24 : memref<2560xf32, #tpu.memory_space<vmem>>)
      tpu.yield
    }) : () -> ()
    %gather3A = tpu.vector_load_idx %arg32[%and3A_3] : memref<4xf32, #tpu.memory_space<vmem>>[vector<16xi32>], vector<16xf32>,
    %broadcast_in_dim3A_69 = arith.constant 0 : i32
    %broadcast_in_dim3A_70 = vector.broadcast %broadcast_in_dim3A_69 : i32 to vector<16xi32>
    %gather3A_71 = tpu.vector_load_idx %arg29[%broadcast_in_dim3A_70, %and3A_3] : memref<4x4xf32, #tpu.memory_space<vmem>>[vector<16xi32>, vector<16xi32>], vector<16xf32>,
    %broadcast_in_dim3A_72 = arith.constant 1 : i32
    %broadcast_in_dim3A_73 = vector.broadcast %broadcast_in_dim3A_72 : i32 to vector<16xi32>
    %gather3A_74 = tpu.vector_load_idx %arg29[%broadcast_in_dim3A_73, %and3A_3] : memref<4x4xf32, #tpu.memory_space<vmem>>[vector<16xi32>, vector<16xi32>], vector<16xf32>,
    %broadcast_in_dim3A_75 = arith.constant 2 : i32
    %broadcast_in_dim3A_76 = vector.broadcast %broadcast_in_dim3A_75 : i32 to vector<16xi32>
    %gather3A_77 = tpu.vector_load_idx %arg29[%broadcast_in_dim3A_76, %and3A_3] : memref<4x4xf32, #tpu.memory_space<vmem>>[vector<16xi32>, vector<16xi32>], vector<16xf32>,
    %broadcast_in_dim3A_78 = arith.constant 3 : i32
    %broadcast_in_dim3A_79 = vector.broadcast %broadcast_in_dim3A_78 : i32 to vector<16xi32>
    %gather3A_80 = tpu.vector_load_idx %arg29[%broadcast_in_dim3A_79, %and3A_3] : memref<4x4xf32, #tpu.memory_space<vmem>>[vector<16xi32>, vector<16xi32>], vector<16xf32>,
    %bitcast_convert_type3A = tpu.bitcast %gather3A_71 : vector<16xf32> -> vector<16xi32>
    %add3A = arith.constant 32767 : i32
    %add3A_81 = vector.broadcast %add3A : i32 to vector<16xi32>
    %add3A_82 = arith.addi %bitcast_convert_type3A, %add3A_81 : vector<16xi32>
    %shift_right_logical3A_83 = arith.constant 16 : i32
    %shift_right_logical3A_84 = vector.broadcast %shift_right_logical3A_83 : i32 to vector<16xi32>
    %shift_right_logical3A_85 = arith.shrui %bitcast_convert_type3A, %shift_right_logical3A_84 : vector<16xi32>
    %and3A_86 = arith.constant 1 : i32
    %and3A_87 = vector.broadcast %and3A_86 : i32 to vector<16xi32>
    %and3A_88 = arith.andi %shift_right_logical3A_85, %and3A_87 : vector<16xi32>
    %add3A_89 = arith.addi %add3A_82, %and3A_88 : vector<16xi32>
    %and3A_90 = arith.constant -65536 : i32
    %and3A_91 = vector.broadcast %and3A_90 : i32 to vector<16xi32>
    %and3A_92 = arith.andi %add3A_89, %and3A_91 : vector<16xi32>
    %bitcast_convert_type3A_93 = tpu.bitcast %and3A_92 : vector<16xi32> -> vector<16xf32>
    %bitcast_convert_type3A_94 = tpu.bitcast %gather3A_74 : vector<16xf32> -> vector<16xi32>
    %add3A_95 = arith.constant 32767 : i32
    %add3A_96 = vector.broadcast %add3A_95 : i32 to vector<16xi32>
    %add3A_97 = arith.addi %bitcast_convert_type3A_94, %add3A_96 : vector<16xi32>
    %shift_right_logical3A_98 = arith.constant 16 : i32
    %shift_right_logical3A_99 = vector.broadcast %shift_right_logical3A_98 : i32 to vector<16xi32>
    %shift_right_logical3A_100 = arith.shrui %bitcast_convert_type3A_94, %shift_right_logical3A_99 : vector<16xi32>
    %and3A_101 = arith.constant 1 : i32
    %and3A_102 = vector.broadcast %and3A_101 : i32 to vector<16xi32>
    %and3A_103 = arith.andi %shift_right_logical3A_100, %and3A_102 : vector<16xi32>
    %add3A_104 = arith.addi %add3A_97, %and3A_103 : vector<16xi32>
    %and3A_105 = arith.constant -65536 : i32
    %and3A_106 = vector.broadcast %and3A_105 : i32 to vector<16xi32>
    %and3A_107 = arith.andi %add3A_104, %and3A_106 : vector<16xi32>
    %bitcast_convert_type3A_108 = tpu.bitcast %and3A_107 : vector<16xi32> -> vector<16xf32>
    %bitcast_convert_type3A_109 = tpu.bitcast %gather3A_77 : vector<16xf32> -> vector<16xi32>
    %add3A_110 = arith.constant 32767 : i32
    %add3A_111 = vector.broadcast %add3A_110 : i32 to vector<16xi32>
    %add3A_112 = arith.addi %bitcast_convert_type3A_109, %add3A_111 : vector<16xi32>
    %shift_right_logical3A_113 = arith.constant 16 : i32
    %shift_right_logical3A_114 = vector.broadcast %shift_right_logical3A_113 : i32 to vector<16xi32>
    %shift_right_logical3A_115 = arith.shrui %bitcast_convert_type3A_109, %shift_right_logical3A_114 : vector<16xi32>
    %and3A_116 = arith.constant 1 : i32
    %and3A_117 = vector.broadcast %and3A_116 : i32 to vector<16xi32>
    %and3A_118 = arith.andi %shift_right_logical3A_115, %and3A_117 : vector<16xi32>
    %add3A_119 = arith.addi %add3A_112, %and3A_118 : vector<16xi32>
    %and3A_120 = arith.constant -65536 : i32
    %and3A_121 = vector.broadcast %and3A_120 : i32 to vector<16xi32>
    %and3A_122 = arith.andi %add3A_119, %and3A_121 : vector<16xi32>
    %bitcast_convert_type3A_123 = tpu.bitcast %and3A_122 : vector<16xi32> -> vector<16xf32>
    %bitcast_convert_type3A_124 = tpu.bitcast %gather3A_80 : vector<16xf32> -> vector<16xi32>
    %add3A_125 = arith.constant 32767 : i32
    %add3A_126 = vector.broadcast %add3A_125 : i32 to vector<16xi32>
    %add3A_127 = arith.addi %bitcast_convert_type3A_124, %add3A_126 : vector<16xi32>
    %shift_right_logical3A_128 = arith.constant 16 : i32
    %shift_right_logical3A_129 = vector.broadcast %shift_right_logical3A_128 : i32 to vector<16xi32>
    %shift_right_logical3A_130 = arith.shrui %bitcast_convert_type3A_124, %shift_right_logical3A_129 : vector<16xi32>
    %and3A_131 = arith.constant 1 : i32
    %and3A_132 = vector.broadcast %and3A_131 : i32 to vector<16xi32>
    %and3A_133 = arith.andi %shift_right_logical3A_130, %and3A_132 : vector<16xi32>
    %add3A_134 = arith.addi %add3A_127, %and3A_133 : vector<16xi32>
    %and3A_135 = arith.constant -65536 : i32
    %and3A_136 = vector.broadcast %and3A_135 : i32 to vector<16xi32>
    %and3A_137 = arith.andi %add3A_134, %and3A_136 : vector<16xi32>
    %bitcast_convert_type3A_138 = tpu.bitcast %and3A_137 : vector<16xi32> -> vector<16xf32>
    %scan3A_139 = arith.constant 0 : i32
    %scan3A_140 = arith.constant 0 : i32
    %scan3A_141 = arith.constant 160 : i32
    %scan3A_142 = arith.addi %scan3A_140, %scan3A_141 : i32
    %scan3A_143 = arith.constant 1 : i32
    scf.for %scan3A_305 = %scan3A_140 to %scan3A_142 step %scan3A_143  : i32 {
      %mul3A_306 = arith.constant 16 : i32
      %mul3A_307 = arith.muli %scan3A_305, %mul3A_306 : i32
      %get3A = arith.index_cast %mul3A_307 : i32 to index
      %get3A_308 = tpu.vector_load %arg24[%get3A] {strides = array<i32>} : memref<2560xf32, #tpu.memory_space<vmem>>, vector<16xf32>,
      %mul3A_309 = arith.constant 4 : i32
      %mul3A_310 = arith.muli %scan3A_305, %mul3A_309 : i32
      %add3A_311 = arith.addi %mul3A_18, %mul3A_310 : i32
      %add3A_312 = vector.broadcast %add3A_311 : i32 to vector<16xi32>
      %add3A_313 = arith.addi %add3A_312, %shift_right_logical3A_1 : vector<16xi32>
      %gather3A_314 = tpu.vector_load_idx %arg22[%add3A_313] : memref<10240xf32, #tpu.memory_space<vmem>>[vector<16xi32>], vector<16xf32>,
      %mul3A_315 = arith.mulf %get3A_308, %gather3A_314 : vector<16xf32>
      %add3A_316 = arith.addf %mul3A_315, %gather3A : vector<16xf32>
      %max3A = arith.constant -1.500000e+01 : f32
      %max3A_317 = vector.broadcast %max3A : f32 to vector<16xf32>
      %max3A_318 = arith.maximumf %add3A_316, %max3A_317 : vector<16xf32>
      %min3A = arith.constant 1.500000e+01 : f32
      %min3A_319 = vector.broadcast %min3A : f32 to vector<16xf32>
      %min3A_320 = arith.minimumf %max3A_318, %min3A_319 : vector<16xf32>
      %mul3A_321 = arith.constant 2.000000e+00 : f32
      %mul3A_322 = vector.broadcast %mul3A_321 : f32 to vector<16xf32>
      %mul3A_323 = arith.mulf %mul3A_322, %min3A_320 : vector<16xf32>
      %exp3A = math.exp %mul3A_323 : vector<16xf32>
      %add3A_324 = arith.constant 1.000000e+00 : f32
      %add3A_325 = vector.broadcast %add3A_324 : f32 to vector<16xf32>
      %add3A_326 = arith.addf %exp3A, %add3A_325 : vector<16xf32>
      %div3A = arith.constant 2.000000e+00 : f32
      %div3A_327 = vector.broadcast %div3A : f32 to vector<16xf32>
      %div3A_328 = arith.divf %div3A_327, %add3A_326 : vector<16xf32>
      %sub3A = arith.constant 1.000000e+00 : f32
      %sub3A_329 = vector.broadcast %sub3A : f32 to vector<16xf32>
      %sub3A_330 = arith.subf %sub3A_329, %div3A_328 : vector<16xf32>
      %bitcast_convert_type3A_331 = tpu.bitcast %sub3A_330 : vector<16xf32> -> vector<16xi32>
      %add3A_332 = arith.constant 32767 : i32
      %add3A_333 = vector.broadcast %add3A_332 : i32 to vector<16xi32>
      %add3A_334 = arith.addi %bitcast_convert_type3A_331, %add3A_333 : vector<16xi32>
      %shift_right_logical3A_335 = arith.constant 16 : i32
      %shift_right_logical3A_336 = vector.broadcast %shift_right_logical3A_335 : i32 to vector<16xi32>
      %shift_right_logical3A_337 = arith.shrui %bitcast_convert_type3A_331, %shift_right_logical3A_336 : vector<16xi32>
      %and3A_338 = arith.constant 1 : i32
      %and3A_339 = vector.broadcast %and3A_338 : i32 to vector<16xi32>
      %and3A_340 = arith.andi %shift_right_logical3A_337, %and3A_339 : vector<16xi32>
      %add3A_341 = arith.addi %add3A_334, %and3A_340 : vector<16xi32>
      %and3A_342 = arith.constant -65536 : i32
      %and3A_343 = vector.broadcast %and3A_342 : i32 to vector<16xi32>
      %and3A_344 = arith.andi %add3A_341, %and3A_343 : vector<16xi32>
      %bitcast_convert_type3A_345 = tpu.bitcast %and3A_344 : vector<16xi32> -> vector<16xf32>
      %swap3A = arith.constant 0 : index
      %swap3A_346 = tpu.vector_load %arg36[%swap3A] {strides = array<i32>} : memref<16xf32, #tpu.memory_space<vmem>>, vector<16xf32>,
      tpu.vector_store %arg36[%swap3A], %bitcast_convert_type3A_345 {strides = array<i32>} : memref<16xf32, #tpu.memory_space<vmem>>, vector<16xf32>,
      %gather3A_347 = tpu.vector_load_idx %arg36[%and3A_6] : memref<16xf32, #tpu.memory_space<vmem>>[vector<16xi32>], vector<16xf32>,
      %mul3A_348 = arith.mulf %gather3A_347, %bitcast_convert_type3A_93 : vector<16xf32>
      %add3A_349 = arith.constant 1 : i32
      %add3A_350 = vector.broadcast %add3A_349 : i32 to vector<16xi32>
      %add3A_351 = arith.addi %and3A_6, %add3A_350 : vector<16xi32>
      %gather3A_352 = tpu.vector_load_idx %arg36[%add3A_351] : memref<16xf32, #tpu.memory_space<vmem>>[vector<16xi32>], vector<16xf32>,
      %mul3A_353 = arith.mulf %gather3A_352, %bitcast_convert_type3A_108 : vector<16xf32>
      %add3A_354 = arith.addf %mul3A_348, %mul3A_353 : vector<16xf32>
      %add3A_355 = arith.constant 2 : i32
      %add3A_356 = vector.broadcast %add3A_355 : i32 to vector<16xi32>
      %add3A_357 = arith.addi %and3A_6, %add3A_356 : vector<16xi32>
      %gather3A_358 = tpu.vector_load_idx %arg36[%add3A_357] : memref<16xf32, #tpu.memory_space<vmem>>[vector<16xi32>], vector<16xf32>,
      %mul3A_359 = arith.mulf %gather3A_358, %bitcast_convert_type3A_123 : vector<16xf32>
      %add3A_360 = arith.addf %add3A_354, %mul3A_359 : vector<16xf32>
      %add3A_361 = arith.constant 3 : i32
      %add3A_362 = vector.broadcast %add3A_361 : i32 to vector<16xi32>
      %add3A_363 = arith.addi %and3A_6, %add3A_362 : vector<16xi32>
      %gather3A_364 = tpu.vector_load_idx %arg36[%add3A_363] : memref<16xf32, #tpu.memory_space<vmem>>[vector<16xi32>], vector<16xf32>,
      %mul3A_365 = arith.mulf %gather3A_364, %bitcast_convert_type3A_138 : vector<16xf32>
      %add3A_366 = arith.addf %add3A_360, %mul3A_365 : vector<16xf32>
      %mul3A_367 = arith.mulf %add3A_366, %gather3A_314 : vector<16xf32>
      %mul3A_368 = arith.constant 16 : i32
      %mul3A_369 = arith.muli %scan3A_305, %mul3A_368 : i32
      %swap3A_370 = arith.index_cast %mul3A_369 : i32 to index
      %swap3A_371 = tpu.vector_load %arg23[%swap3A_370] {strides = array<i32>} : memref<2560xf32, #tpu.memory_space<vmem>>, vector<16xf32>,
      tpu.vector_store %arg23[%swap3A_370], %mul3A_367 {strides = array<i32>} : memref<2560xf32, #tpu.memory_space<vmem>>, vector<16xf32>,
    }
    %scan3A_144 = arith.constant 160 : i32
    %mul3A_145 = arith.constant 4 : i32
    %mul3A_146 = arith.muli %mul3A_18, %mul3A_145 : i32
    "tpu.region"() ({
      %run_scoped3A = tpu.sem_alloc : memref<!tpu.dma_semaphore, #tpu.memory_space<semaphore_mem>>
      %dma_start3A = tpu.memref_slice %arg16[%mul3A_146] : memref<40960xf32, #tpu.memory_space<vmem_shared>> -> memref<2560xf32, #tpu.memory_space<vmem_shared>>
      %dma_start3A_305 = tpu.memref_slice %arg16[%mul3A_146] : memref<40960xf32, #tpu.memory_space<vmem_shared>> -> memref<2560xf32, #tpu.memory_space<vmem_shared>>
      tpu.enqueue_dma source(%arg23 : memref<2560xf32, #tpu.memory_space<vmem>>) target(%dma_start3A_305 : memref<2560xf32, #tpu.memory_space<vmem_shared>>) target_semaphore(%run_scoped3A : memref<!tpu.dma_semaphore, #tpu.memory_space<semaphore_mem>>)
      %dma_wait3A = tpu.memref_slice %arg16[%mul3A_146] : memref<40960xf32, #tpu.memory_space<vmem_shared>> -> memref<2560xf32, #tpu.memory_space<vmem_shared>>
      %dma_wait3A_306 = tpu.memref_slice %arg16[%mul3A_146] : memref<40960xf32, #tpu.memory_space<vmem_shared>> -> memref<2560xf32, #tpu.memory_space<vmem_shared>>
      tpu.wait_dma2 semaphore(%run_scoped3A : memref<!tpu.dma_semaphore, #tpu.memory_space<semaphore_mem>>) src(%arg23 : memref<2560xf32, #tpu.memory_space<vmem>>) dst(%dma_wait3A_306 : memref<2560xf32, #tpu.memory_space<vmem_shared>>)
      tpu.yield
    }) : () -> ()
    %mul3A_147 = arith.constant 4 : i32
    %mul3A_148 = arith.muli %mul3A_18, %mul3A_147 : i32
    "tpu.region"() ({
      %run_scoped3A = tpu.sem_alloc : memref<!tpu.dma_semaphore, #tpu.memory_space<semaphore_mem>>
      %dma_start3A = tpu.memref_slice %arg15[%mul3A_148] : memref<40960xf32, #tpu.memory_space<vmem_shared>> -> memref<2560xf32, #tpu.memory_space<vmem_shared>>
      %dma_start3A_305 = tpu.memref_slice %arg15[%mul3A_148] : memref<40960xf32, #tpu.memory_space<vmem_shared>> -> memref<2560xf32, #tpu.memory_space<vmem_shared>>
      tpu.enqueue_dma source(%arg23 : memref<2560xf32, #tpu.memory_space<vmem>>) target(%dma_start3A_305 : memref<2560xf32, #tpu.memory_space<vmem_shared>>) target_semaphore(%run_scoped3A : memref<!tpu.dma_semaphore, #tpu.memory_space<semaphore_mem>>)
      %dma_wait3A = tpu.memref_slice %arg15[%mul3A_148] : memref<40960xf32, #tpu.memory_space<vmem_shared>> -> memref<2560xf32, #tpu.memory_space<vmem_shared>>
      %dma_wait3A_306 = tpu.memref_slice %arg15[%mul3A_148] : memref<40960xf32, #tpu.memory_space<vmem_shared>> -> memref<2560xf32, #tpu.memory_space<vmem_shared>>
      tpu.wait_dma2 semaphore(%run_scoped3A : memref<!tpu.dma_semaphore, #tpu.memory_space<semaphore_mem>>) src(%arg23 : memref<2560xf32, #tpu.memory_space<vmem>>) dst(%dma_wait3A_306 : memref<2560xf32, #tpu.memory_space<vmem_shared>>)
      tpu.yield
    }) : () -> ()
    %barrier3A_149 = arith.constant 0 : index
    tpu.barrier barrier_id(%barrier3A_149)
    %scan3A_150 = arith.constant 0 : i32
    %scan3A_151 = arith.constant 0 : i32
    %scan3A_152 = arith.constant 5 : i32
    %scan3A_153 = arith.addi %scan3A_151, %scan3A_152 : i32
    %scan3A_154 = arith.constant 1 : i32
    scf.for %scan3A_305 = %scan3A_151 to %scan3A_153 step %scan3A_154  : i32 {
      %mul3A_306 = arith.constant 20000 : i32
      %mul3A_307 = arith.muli %arg1, %mul3A_306 : i32
      %mul3A_308 = arith.constant 4000 : i32
      %mul3A_309 = arith.muli %scan3A_305, %mul3A_308 : i32
      %add3A_310 = arith.addi %mul3A_307, %mul3A_309 : i32
      %run_scoped3A = arith.constant 0 : i32
      "tpu.region"() ({
        %run_scoped3A_318 = tpu.sem_alloc : memref<!tpu.dma_semaphore, #tpu.memory_space<semaphore_mem>>
        %dma_start3A = tpu.memref_slice %arg2[%run_scoped3A, %add3A_310] : memref<2x320000xi32, #tpu.memory_space<hbm>> -> memref<1x4000xi32, #tpu.memory_space<hbm>>
        %dma_start3A_319 = tpu.memref_squeeze %dma_start3A : memref<1x4000xi32, #tpu.memory_space<hbm>> -> memref<4000xi32, #tpu.memory_space<hbm>>
        %dma_start3A_320 = tpu.memref_slice %arg2[%run_scoped3A, %add3A_310] : memref<2x320000xi32, #tpu.memory_space<hbm>> -> memref<1x4000xi32, #tpu.memory_space<hbm>>
        %dma_start3A_321 = tpu.memref_squeeze %dma_start3A_320 : memref<1x4000xi32, #tpu.memory_space<hbm>> -> memref<4000xi32, #tpu.memory_space<hbm>>
        tpu.enqueue_dma source(%dma_start3A_321 : memref<4000xi32, #tpu.memory_space<hbm>>) target(%arg17 : memref<4000xi32, #tpu.memory_space<vmem>>) target_semaphore(%run_scoped3A_318 : memref<!tpu.dma_semaphore, #tpu.memory_space<semaphore_mem>>)
        %dma_wait3A = tpu.memref_slice %arg2[%run_scoped3A, %add3A_310] : memref<2x320000xi32, #tpu.memory_space<hbm>> -> memref<1x4000xi32, #tpu.memory_space<hbm>>
        %dma_wait3A_322 = tpu.memref_squeeze %dma_wait3A : memref<1x4000xi32, #tpu.memory_space<hbm>> -> memref<4000xi32, #tpu.memory_space<hbm>>
        %dma_wait3A_323 = tpu.memref_slice %arg2[%run_scoped3A, %add3A_310] : memref<2x320000xi32, #tpu.memory_space<hbm>> -> memref<1x4000xi32, #tpu.memory_space<hbm>>
        %dma_wait3A_324 = tpu.memref_squeeze %dma_wait3A_323 : memref<1x4000xi32, #tpu.memory_space<hbm>> -> memref<4000xi32, #tpu.memory_space<hbm>>
        tpu.wait_dma2 semaphore(%run_scoped3A_318 : memref<!tpu.dma_semaphore, #tpu.memory_space<semaphore_mem>>) src(%dma_wait3A_324 : memref<4000xi32, #tpu.memory_space<hbm>>) dst(%arg17 : memref<4000xi32, #tpu.memory_space<vmem>>)
        tpu.yield
      }) : () -> ()
      %run_scoped3A_311 = arith.constant 1 : i32
      "tpu.region"() ({
        %run_scoped3A_318 = tpu.sem_alloc : memref<!tpu.dma_semaphore, #tpu.memory_space<semaphore_mem>>
        %dma_start3A = tpu.memref_slice %arg2[%run_scoped3A_311, %add3A_310] : memref<2x320000xi32, #tpu.memory_space<hbm>> -> memref<1x4000xi32, #tpu.memory_space<hbm>>
        %dma_start3A_319 = tpu.memref_squeeze %dma_start3A : memref<1x4000xi32, #tpu.memory_space<hbm>> -> memref<4000xi32, #tpu.memory_space<hbm>>
        %dma_start3A_320 = tpu.memref_slice %arg2[%run_scoped3A_311, %add3A_310] : memref<2x320000xi32, #tpu.memory_space<hbm>> -> memref<1x4000xi32, #tpu.memory_space<hbm>>
        %dma_start3A_321 = tpu.memref_squeeze %dma_start3A_320 : memref<1x4000xi32, #tpu.memory_space<hbm>> -> memref<4000xi32, #tpu.memory_space<hbm>>
        tpu.enqueue_dma source(%dma_start3A_321 : memref<4000xi32, #tpu.memory_space<hbm>>) target(%arg18 : memref<4000xi32, #tpu.memory_space<vmem>>) target_semaphore(%run_scoped3A_318 : memref<!tpu.dma_semaphore, #tpu.memory_space<semaphore_mem>>)
        %dma_wait3A = tpu.memref_slice %arg2[%run_scoped3A_311, %add3A_310] : memref<2x320000xi32, #tpu.memory_space<hbm>> -> memref<1x4000xi32, #tpu.memory_space<hbm>>
        %dma_wait3A_322 = tpu.memref_squeeze %dma_wait3A : memref<1x4000xi32, #tpu.memory_space<hbm>> -> memref<4000xi32, #tpu.memory_space<hbm>>
        %dma_wait3A_323 = tpu.memref_slice %arg2[%run_scoped3A_311, %add3A_310] : memref<2x320000xi32, #tpu.memory_space<hbm>> -> memref<1x4000xi32, #tpu.memory_space<hbm>>
        %dma_wait3A_324 = tpu.memref_squeeze %dma_wait3A_323 : memref<1x4000xi32, #tpu.memory_space<hbm>> -> memref<4000xi32, #tpu.memory_space<hbm>>
        tpu.wait_dma2 semaphore(%run_scoped3A_318 : memref<!tpu.dma_semaphore, #tpu.memory_space<semaphore_mem>>) src(%dma_wait3A_324 : memref<4000xi32, #tpu.memory_space<hbm>>) dst(%arg18 : memref<4000xi32, #tpu.memory_space<vmem>>)
        tpu.yield
      }) : () -> ()
      %scan3A_312 = arith.constant 0 : i32
      %scan3A_313 = arith.constant 0 : i32
      %scan3A_314 = arith.constant 250 : i32
      %scan3A_315 = arith.addi %scan3A_313, %scan3A_314 : i32
      %scan3A_316 = arith.constant 1 : i32
      scf.for %scan3A_318 = %scan3A_313 to %scan3A_315 step %scan3A_316  : i32 {
        %mul3A_319 = arith.constant 16 : i32
        %mul3A_320 = arith.muli %scan3A_318, %mul3A_319 : i32
        %get3A = arith.index_cast %mul3A_320 : i32 to index
        %get3A_321 = tpu.vector_load %arg17[%get3A] {strides = array<i32>} : memref<4000xi32, #tpu.memory_space<vmem>>, vector<16xi32>,
        %mul3A_322 = arith.constant 4 : i32
        %mul3A_323 = vector.broadcast %mul3A_322 : i32 to vector<16xi32>
        %mul3A_324 = arith.muli %get3A_321, %mul3A_323 : vector<16xi32>
        %mul3A_325 = arith.constant 16 : i32
        %mul3A_326 = arith.muli %scan3A_318, %mul3A_325 : i32
        %get3A_327 = arith.index_cast %mul3A_326 : i32 to index
        %get3A_328 = tpu.vector_load %arg18[%get3A_327] {strides = array<i32>} : memref<4000xi32, #tpu.memory_space<vmem>>, vector<16xi32>,
        %mul3A_329 = arith.constant 4 : i32
        %mul3A_330 = vector.broadcast %mul3A_329 : i32 to vector<16xi32>
        %mul3A_331 = arith.muli %get3A_328, %mul3A_330 : vector<16xi32>
        %mul3A_332 = arith.constant 16 : i32
        %mul3A_333 = arith.muli %scan3A_318, %mul3A_332 : i32
        %swap3A = arith.index_cast %mul3A_333 : i32 to index
        %swap3A_334 = tpu.vector_load %arg19[%swap3A] {strides = array<i32>} : memref<16000xi32, #tpu.memory_space<vmem>>, vector<16xi32>,
        tpu.vector_store %arg19[%swap3A], %mul3A_324 {strides = array<i32>} : memref<16000xi32, #tpu.memory_space<vmem>>, vector<16xi32>,
        %add3A_335 = arith.constant 1 : i32
        %add3A_336 = vector.broadcast %add3A_335 : i32 to vector<16xi32>
        %add3A_337 = arith.addi %mul3A_324, %add3A_336 : vector<16xi32>
        %mul3A_338 = arith.constant 16 : i32
        %mul3A_339 = arith.muli %scan3A_318, %mul3A_338 : i32
        %add3A_340 = arith.constant 4000 : i32
        %add3A_341 = arith.addi %add3A_340, %mul3A_339 : i32
        %swap3A_342 = arith.index_cast %add3A_341 : i32 to index
        %swap3A_343 = tpu.vector_load %arg19[%swap3A_342] {strides = array<i32>} : memref<16000xi32, #tpu.memory_space<vmem>>, vector<16xi32>,
        tpu.vector_store %arg19[%swap3A_342], %add3A_337 {strides = array<i32>} : memref<16000xi32, #tpu.memory_space<vmem>>, vector<16xi32>,
        %add3A_344 = arith.constant 2 : i32
        %add3A_345 = vector.broadcast %add3A_344 : i32 to vector<16xi32>
        %add3A_346 = arith.addi %mul3A_324, %add3A_345 : vector<16xi32>
        %mul3A_347 = arith.constant 16 : i32
        %mul3A_348 = arith.muli %scan3A_318, %mul3A_347 : i32
        %add3A_349 = arith.constant 8000 : i32
        %add3A_350 = arith.addi %add3A_349, %mul3A_348 : i32
        %swap3A_351 = arith.index_cast %add3A_350 : i32 to index
        %swap3A_352 = tpu.vector_load %arg19[%swap3A_351] {strides = array<i32>} : memref<16000xi32, #tpu.memory_space<vmem>>, vector<16xi32>,
        tpu.vector_store %arg19[%swap3A_351], %add3A_346 {strides = array<i32>} : memref<16000xi32, #tpu.memory_space<vmem>>, vector<16xi32>,
        %add3A_353 = arith.constant 3 : i32
        %add3A_354 = vector.broadcast %add3A_353 : i32 to vector<16xi32>
        %add3A_355 = arith.addi %mul3A_324, %add3A_354 : vector<16xi32>
        %mul3A_356 = arith.constant 16 : i32
        %mul3A_357 = arith.muli %scan3A_318, %mul3A_356 : i32
        %add3A_358 = arith.constant 12000 : i32
        %add3A_359 = arith.addi %add3A_358, %mul3A_357 : i32
        %swap3A_360 = arith.index_cast %add3A_359 : i32 to index
        %swap3A_361 = tpu.vector_load %arg19[%swap3A_360] {strides = array<i32>} : memref<16000xi32, #tpu.memory_space<vmem>>, vector<16xi32>,
        tpu.vector_store %arg19[%swap3A_360], %add3A_355 {strides = array<i32>} : memref<16000xi32, #tpu.memory_space<vmem>>, vector<16xi32>,
        %mul3A_362 = arith.constant 16 : i32
        %mul3A_363 = arith.muli %scan3A_318, %mul3A_362 : i32
        %swap3A_364 = arith.index_cast %mul3A_363 : i32 to index
        %swap3A_365 = tpu.vector_load %arg20[%swap3A_364] {strides = array<i32>} : memref<16000xi32, #tpu.memory_space<vmem>>, vector<16xi32>,
        tpu.vector_store %arg20[%swap3A_364], %mul3A_331 {strides = array<i32>} : memref<16000xi32, #tpu.memory_space<vmem>>, vector<16xi32>,
        %add3A_366 = arith.constant 1 : i32
        %add3A_367 = vector.broadcast %add3A_366 : i32 to vector<16xi32>
        %add3A_368 = arith.addi %mul3A_331, %add3A_367 : vector<16xi32>
        %mul3A_369 = arith.constant 16 : i32
        %mul3A_370 = arith.muli %scan3A_318, %mul3A_369 : i32
        %add3A_371 = arith.constant 4000 : i32
        %add3A_372 = arith.addi %add3A_371, %mul3A_370 : i32
        %swap3A_373 = arith.index_cast %add3A_372 : i32 to index
        %swap3A_374 = tpu.vector_load %arg20[%swap3A_373] {strides = array<i32>} : memref<16000xi32, #tpu.memory_space<vmem>>, vector<16xi32>,
        tpu.vector_store %arg20[%swap3A_373], %add3A_368 {strides = array<i32>} : memref<16000xi32, #tpu.memory_space<vmem>>, vector<16xi32>,
        %add3A_375 = arith.constant 2 : i32
        %add3A_376 = vector.broadcast %add3A_375 : i32 to vector<16xi32>
        %add3A_377 = arith.addi %mul3A_331, %add3A_376 : vector<16xi32>
        %mul3A_378 = arith.constant 16 : i32
        %mul3A_379 = arith.muli %scan3A_318, %mul3A_378 : i32
        %add3A_380 = arith.constant 8000 : i32
        %add3A_381 = arith.addi %add3A_380, %mul3A_379 : i32
        %swap3A_382 = arith.index_cast %add3A_381 : i32 to index
        %swap3A_383 = tpu.vector_load %arg20[%swap3A_382] {strides = array<i32>} : memref<16000xi32, #tpu.memory_space<vmem>>, vector<16xi32>,
        tpu.vector_store %arg20[%swap3A_382], %add3A_377 {strides = array<i32>} : memref<16000xi32, #tpu.memory_space<vmem>>, vector<16xi32>,
        %add3A_384 = arith.constant 3 : i32
        %add3A_385 = vector.broadcast %add3A_384 : i32 to vector<16xi32>
        %add3A_386 = arith.addi %mul3A_331, %add3A_385 : vector<16xi32>
        %mul3A_387 = arith.constant 16 : i32
        %mul3A_388 = arith.muli %scan3A_318, %mul3A_387 : i32
        %add3A_389 = arith.constant 12000 : i32
        %add3A_390 = arith.addi %add3A_389, %mul3A_388 : i32
        %swap3A_391 = arith.index_cast %add3A_390 : i32 to index
        %swap3A_392 = tpu.vector_load %arg20[%swap3A_391] {strides = array<i32>} : memref<16000xi32, #tpu.memory_space<vmem>>, vector<16xi32>,
        tpu.vector_store %arg20[%swap3A_391], %add3A_386 {strides = array<i32>} : memref<16000xi32, #tpu.memory_space<vmem>>, vector<16xi32>,
      }
      %scan3A_317 = arith.constant 250 : i32
      "tpu.region"() ({
        %run_scoped3A_318 = tpu.sem_alloc : memref<!tpu.dma_semaphore, #tpu.memory_space<semaphore_mem>>
        %dma_start3A = arith.constant 0 : i32
        %dma_start3A_319 = tpu.memref_slice %arg15[%dma_start3A] : memref<40960xf32, #tpu.memory_space<vmem_shared>> -> memref<40960xf32, #tpu.memory_space<vmem_shared>>
        tpu.enqueue_indirect_dma source(%dma_start3A_319 : memref<40960xf32, #tpu.memory_space<vmem_shared>>) target(%arg21 : memref<16000xf32, #tpu.memory_space<vmem>>) offsets(%arg19 : memref<16000xi32, #tpu.memory_space<vmem>>) semaphore(%run_scoped3A_318 : memref<!tpu.dma_semaphore, #tpu.memory_space<semaphore_mem>>)
        %dma_wait3A = arith.constant 0 : i32
        %dma_wait3A_320 = tpu.memref_slice %arg15[%dma_wait3A] : memref<40960xf32, #tpu.memory_space<vmem_shared>> -> memref<40960xf32, #tpu.memory_space<vmem_shared>>
        tpu.wait_indirect_dma semaphore(%run_scoped3A_318 : memref<!tpu.dma_semaphore, #tpu.memory_space<semaphore_mem>>) src(%dma_wait3A_320 : memref<40960xf32, #tpu.memory_space<vmem_shared>>) dst(%arg21 : memref<16000xf32, #tpu.memory_space<vmem>>)
        tpu.yield
      }) : () -> ()
      "tpu.region"() ({
        %run_scoped3A_318 = tpu.sem_alloc : memref<!tpu.dma_semaphore, #tpu.memory_space<semaphore_mem>>
        %dma_start3A = arith.constant 0 : i32
        %dma_start3A_319 = tpu.memref_slice %arg16[%dma_start3A] : memref<40960xf32, #tpu.memory_space<vmem_shared>> -> memref<40960xf32, #tpu.memory_space<vmem_shared>>
        tpu.enqueue_indirect_dma source(%arg21 : memref<16000xf32, #tpu.memory_space<vmem>>) target(%dma_start3A_319 : memref<40960xf32, #tpu.memory_space<vmem_shared>>) offsets(%arg20 : memref<16000xi32, #tpu.memory_space<vmem>>) semaphore(%run_scoped3A_318 : memref<!tpu.dma_semaphore, #tpu.memory_space<semaphore_mem>>) {add = true}
        %dma_wait3A = arith.constant 0 : i32
        %dma_wait3A_320 = tpu.memref_slice %arg16[%dma_wait3A] : memref<40960xf32, #tpu.memory_space<vmem_shared>> -> memref<40960xf32, #tpu.memory_space<vmem_shared>>
        tpu.wait_indirect_dma semaphore(%run_scoped3A_318 : memref<!tpu.dma_semaphore, #tpu.memory_space<semaphore_mem>>) src(%arg21 : memref<16000xf32, #tpu.memory_space<vmem>>) dst(%dma_wait3A_320 : memref<40960xf32, #tpu.memory_space<vmem_shared>>)
        tpu.yield
      }) : () -> ()
    }
    %scan3A_155 = arith.constant 5 : i32
    %barrier3A_156 = arith.constant 0 : index
    tpu.barrier barrier_id(%barrier3A_156)
    %mul3A_157 = arith.constant 4 : i32
    %mul3A_158 = arith.muli %mul3A_18, %mul3A_157 : i32
    "tpu.region"() ({
      %run_scoped3A = tpu.sem_alloc : memref<!tpu.dma_semaphore, #tpu.memory_space<semaphore_mem>>
      %dma_start3A = tpu.memref_slice %arg16[%mul3A_158] : memref<40960xf32, #tpu.memory_space<vmem_shared>> -> memref<2560xf32, #tpu.memory_space<vmem_shared>>
      %dma_start3A_305 = tpu.memref_slice %arg16[%mul3A_158] : memref<40960xf32, #tpu.memory_space<vmem_shared>> -> memref<2560xf32, #tpu.memory_space<vmem_shared>>
      tpu.enqueue_dma source(%dma_start3A_305 : memref<2560xf32, #tpu.memory_space<vmem_shared>>) target(%arg24 : memref<2560xf32, #tpu.memory_space<vmem>>) target_semaphore(%run_scoped3A : memref<!tpu.dma_semaphore, #tpu.memory_space<semaphore_mem>>)
      %dma_wait3A = tpu.memref_slice %arg16[%mul3A_158] : memref<40960xf32, #tpu.memory_space<vmem_shared>> -> memref<2560xf32, #tpu.memory_space<vmem_shared>>
      %dma_wait3A_306 = tpu.memref_slice %arg16[%mul3A_158] : memref<40960xf32, #tpu.memory_space<vmem_shared>> -> memref<2560xf32, #tpu.memory_space<vmem_shared>>
      tpu.wait_dma2 semaphore(%run_scoped3A : memref<!tpu.dma_semaphore, #tpu.memory_space<semaphore_mem>>) src(%dma_wait3A_306 : memref<2560xf32, #tpu.memory_space<vmem_shared>>) dst(%arg24 : memref<2560xf32, #tpu.memory_space<vmem>>)
      tpu.yield
    }) : () -> ()
    %gather3A_159 = tpu.vector_load_idx %arg33[%and3A_3] : memref<4xf32, #tpu.memory_space<vmem>>[vector<16xi32>], vector<16xf32>,
    %broadcast_in_dim3A_160 = arith.constant 0 : i32
    %broadcast_in_dim3A_161 = vector.broadcast %broadcast_in_dim3A_160 : i32 to vector<16xi32>
    %gather3A_162 = tpu.vector_load_idx %arg30[%broadcast_in_dim3A_161, %and3A_17] : memref<4x2xf32, #tpu.memory_space<vmem>>[vector<16xi32>, vector<16xi32>], vector<16xf32>,
    %broadcast_in_dim3A_163 = arith.constant 1 : i32
    %broadcast_in_dim3A_164 = vector.broadcast %broadcast_in_dim3A_163 : i32 to vector<16xi32>
    %gather3A_165 = tpu.vector_load_idx %arg30[%broadcast_in_dim3A_164, %and3A_17] : memref<4x2xf32, #tpu.memory_space<vmem>>[vector<16xi32>, vector<16xi32>], vector<16xf32>,
    %broadcast_in_dim3A_166 = arith.constant 2 : i32
    %broadcast_in_dim3A_167 = vector.broadcast %broadcast_in_dim3A_166 : i32 to vector<16xi32>
    %gather3A_168 = tpu.vector_load_idx %arg30[%broadcast_in_dim3A_167, %and3A_17] : memref<4x2xf32, #tpu.memory_space<vmem>>[vector<16xi32>, vector<16xi32>], vector<16xf32>,
    %broadcast_in_dim3A_169 = arith.constant 3 : i32
    %broadcast_in_dim3A_170 = vector.broadcast %broadcast_in_dim3A_169 : i32 to vector<16xi32>
    %gather3A_171 = tpu.vector_load_idx %arg30[%broadcast_in_dim3A_170, %and3A_17] : memref<4x2xf32, #tpu.memory_space<vmem>>[vector<16xi32>, vector<16xi32>], vector<16xf32>,
    %mul3A_172 = arith.mulf %gather3A_162, %select_n3A : vector<16xf32>
    %mul3A_173 = arith.mulf %gather3A_165, %select_n3A : vector<16xf32>
    %mul3A_174 = arith.mulf %gather3A_168, %select_n3A : vector<16xf32>
    %mul3A_175 = arith.mulf %gather3A_171, %select_n3A : vector<16xf32>
    %bitcast_convert_type3A_176 = tpu.bitcast %mul3A_172 : vector<16xf32> -> vector<16xi32>
    %add3A_177 = arith.constant 32767 : i32
    %add3A_178 = vector.broadcast %add3A_177 : i32 to vector<16xi32>
    %add3A_179 = arith.addi %bitcast_convert_type3A_176, %add3A_178 : vector<16xi32>
    %shift_right_logical3A_180 = arith.constant 16 : i32
    %shift_right_logical3A_181 = vector.broadcast %shift_right_logical3A_180 : i32 to vector<16xi32>
    %shift_right_logical3A_182 = arith.shrui %bitcast_convert_type3A_176, %shift_right_logical3A_181 : vector<16xi32>
    %and3A_183 = arith.constant 1 : i32
    %and3A_184 = vector.broadcast %and3A_183 : i32 to vector<16xi32>
    %and3A_185 = arith.andi %shift_right_logical3A_182, %and3A_184 : vector<16xi32>
    %add3A_186 = arith.addi %add3A_179, %and3A_185 : vector<16xi32>
    %and3A_187 = arith.constant -65536 : i32
    %and3A_188 = vector.broadcast %and3A_187 : i32 to vector<16xi32>
    %and3A_189 = arith.andi %add3A_186, %and3A_188 : vector<16xi32>
    %bitcast_convert_type3A_190 = tpu.bitcast %and3A_189 : vector<16xi32> -> vector<16xf32>
    %bitcast_convert_type3A_191 = tpu.bitcast %mul3A_173 : vector<16xf32> -> vector<16xi32>
    %add3A_192 = arith.constant 32767 : i32
    %add3A_193 = vector.broadcast %add3A_192 : i32 to vector<16xi32>
    %add3A_194 = arith.addi %bitcast_convert_type3A_191, %add3A_193 : vector<16xi32>
    %shift_right_logical3A_195 = arith.constant 16 : i32
    %shift_right_logical3A_196 = vector.broadcast %shift_right_logical3A_195 : i32 to vector<16xi32>
    %shift_right_logical3A_197 = arith.shrui %bitcast_convert_type3A_191, %shift_right_logical3A_196 : vector<16xi32>
    %and3A_198 = arith.constant 1 : i32
    %and3A_199 = vector.broadcast %and3A_198 : i32 to vector<16xi32>
    %and3A_200 = arith.andi %shift_right_logical3A_197, %and3A_199 : vector<16xi32>
    %add3A_201 = arith.addi %add3A_194, %and3A_200 : vector<16xi32>
    %and3A_202 = arith.constant -65536 : i32
    %and3A_203 = vector.broadcast %and3A_202 : i32 to vector<16xi32>
    %and3A_204 = arith.andi %add3A_201, %and3A_203 : vector<16xi32>
    %bitcast_convert_type3A_205 = tpu.bitcast %and3A_204 : vector<16xi32> -> vector<16xf32>
    %bitcast_convert_type3A_206 = tpu.bitcast %mul3A_174 : vector<16xf32> -> vector<16xi32>
    %add3A_207 = arith.constant 32767 : i32
    %add3A_208 = vector.broadcast %add3A_207 : i32 to vector<16xi32>
    %add3A_209 = arith.addi %bitcast_convert_type3A_206, %add3A_208 : vector<16xi32>
    %shift_right_logical3A_210 = arith.constant 16 : i32
    %shift_right_logical3A_211 = vector.broadcast %shift_right_logical3A_210 : i32 to vector<16xi32>
    %shift_right_logical3A_212 = arith.shrui %bitcast_convert_type3A_206, %shift_right_logical3A_211 : vector<16xi32>
    %and3A_213 = arith.constant 1 : i32
    %and3A_214 = vector.broadcast %and3A_213 : i32 to vector<16xi32>
    %and3A_215 = arith.andi %shift_right_logical3A_212, %and3A_214 : vector<16xi32>
    %add3A_216 = arith.addi %add3A_209, %and3A_215 : vector<16xi32>
    %and3A_217 = arith.constant -65536 : i32
    %and3A_218 = vector.broadcast %and3A_217 : i32 to vector<16xi32>
    %and3A_219 = arith.andi %add3A_216, %and3A_218 : vector<16xi32>
    %bitcast_convert_type3A_220 = tpu.bitcast %and3A_219 : vector<16xi32> -> vector<16xf32>
    %bitcast_convert_type3A_221 = tpu.bitcast %mul3A_175 : vector<16xf32> -> vector<16xi32>
    %add3A_222 = arith.constant 32767 : i32
    %add3A_223 = vector.broadcast %add3A_222 : i32 to vector<16xi32>
    %add3A_224 = arith.addi %bitcast_convert_type3A_221, %add3A_223 : vector<16xi32>
    %shift_right_logical3A_225 = arith.constant 16 : i32
    %shift_right_logical3A_226 = vector.broadcast %shift_right_logical3A_225 : i32 to vector<16xi32>
    %shift_right_logical3A_227 = arith.shrui %bitcast_convert_type3A_221, %shift_right_logical3A_226 : vector<16xi32>
    %and3A_228 = arith.constant 1 : i32
    %and3A_229 = vector.broadcast %and3A_228 : i32 to vector<16xi32>
    %and3A_230 = arith.andi %shift_right_logical3A_227, %and3A_229 : vector<16xi32>
    %add3A_231 = arith.addi %add3A_224, %and3A_230 : vector<16xi32>
    %and3A_232 = arith.constant -65536 : i32
    %and3A_233 = vector.broadcast %and3A_232 : i32 to vector<16xi32>
    %and3A_234 = arith.andi %add3A_231, %and3A_233 : vector<16xi32>
    %bitcast_convert_type3A_235 = tpu.bitcast %and3A_234 : vector<16xi32> -> vector<16xf32>
    %scan3A_236 = arith.constant 0 : i32
    %scan3A_237 = arith.constant 0 : i32
    %scan3A_238 = arith.constant 160 : i32
    %scan3A_239 = arith.addi %scan3A_237, %scan3A_238 : i32
    %scan3A_240 = arith.constant 1 : i32
    scf.for %scan3A_305 = %scan3A_237 to %scan3A_239 step %scan3A_240  : i32 {
      %mul3A_306 = arith.constant 16 : i32
      %mul3A_307 = arith.muli %scan3A_305, %mul3A_306 : i32
      %get3A = arith.index_cast %mul3A_307 : i32 to index
      %get3A_308 = tpu.vector_load %arg24[%get3A] {strides = array<i32>} : memref<2560xf32, #tpu.memory_space<vmem>>, vector<16xf32>,
      %mul3A_309 = arith.constant 4 : i32
      %mul3A_310 = arith.muli %scan3A_305, %mul3A_309 : i32
      %add3A_311 = arith.addi %mul3A_18, %mul3A_310 : i32
      %add3A_312 = vector.broadcast %add3A_311 : i32 to vector<16xi32>
      %add3A_313 = arith.addi %add3A_312, %shift_right_logical3A_1 : vector<16xi32>
      %gather3A_314 = tpu.vector_load_idx %arg22[%add3A_313] : memref<10240xf32, #tpu.memory_space<vmem>>[vector<16xi32>], vector<16xf32>,
      %mul3A_315 = arith.mulf %get3A_308, %gather3A_314 : vector<16xf32>
      %add3A_316 = arith.addf %mul3A_315, %gather3A_159 : vector<16xf32>
      %max3A = arith.constant -1.500000e+01 : f32
      %max3A_317 = vector.broadcast %max3A : f32 to vector<16xf32>
      %max3A_318 = arith.maximumf %add3A_316, %max3A_317 : vector<16xf32>
      %min3A = arith.constant 1.500000e+01 : f32
      %min3A_319 = vector.broadcast %min3A : f32 to vector<16xf32>
      %min3A_320 = arith.minimumf %max3A_318, %min3A_319 : vector<16xf32>
      %mul3A_321 = arith.constant 2.000000e+00 : f32
      %mul3A_322 = vector.broadcast %mul3A_321 : f32 to vector<16xf32>
      %mul3A_323 = arith.mulf %mul3A_322, %min3A_320 : vector<16xf32>
      %exp3A = math.exp %mul3A_323 : vector<16xf32>
      %add3A_324 = arith.constant 1.000000e+00 : f32
      %add3A_325 = vector.broadcast %add3A_324 : f32 to vector<16xf32>
      %add3A_326 = arith.addf %exp3A, %add3A_325 : vector<16xf32>
      %div3A = arith.constant 2.000000e+00 : f32
      %div3A_327 = vector.broadcast %div3A : f32 to vector<16xf32>
      %div3A_328 = arith.divf %div3A_327, %add3A_326 : vector<16xf32>
      %sub3A = arith.constant 1.000000e+00 : f32
      %sub3A_329 = vector.broadcast %sub3A : f32 to vector<16xf32>
      %sub3A_330 = arith.subf %sub3A_329, %div3A_328 : vector<16xf32>
      %bitcast_convert_type3A_331 = tpu.bitcast %sub3A_330 : vector<16xf32> -> vector<16xi32>
      %add3A_332 = arith.constant 32767 : i32
      %add3A_333 = vector.broadcast %add3A_332 : i32 to vector<16xi32>
      %add3A_334 = arith.addi %bitcast_convert_type3A_331, %add3A_333 : vector<16xi32>
      %shift_right_logical3A_335 = arith.constant 16 : i32
      %shift_right_logical3A_336 = vector.broadcast %shift_right_logical3A_335 : i32 to vector<16xi32>
      %shift_right_logical3A_337 = arith.shrui %bitcast_convert_type3A_331, %shift_right_logical3A_336 : vector<16xi32>
      %and3A_338 = arith.constant 1 : i32
      %and3A_339 = vector.broadcast %and3A_338 : i32 to vector<16xi32>
      %and3A_340 = arith.andi %shift_right_logical3A_337, %and3A_339 : vector<16xi32>
      %add3A_341 = arith.addi %add3A_334, %and3A_340 : vector<16xi32>
      %and3A_342 = arith.constant -65536 : i32
      %and3A_343 = vector.broadcast %and3A_342 : i32 to vector<16xi32>
      %and3A_344 = arith.andi %add3A_341, %and3A_343 : vector<16xi32>
      %bitcast_convert_type3A_345 = tpu.bitcast %and3A_344 : vector<16xi32> -> vector<16xf32>
      %swap3A = arith.constant 0 : index
      %swap3A_346 = tpu.vector_load %arg36[%swap3A] {strides = array<i32>} : memref<16xf32, #tpu.memory_space<vmem>>, vector<16xf32>,
      tpu.vector_store %arg36[%swap3A], %bitcast_convert_type3A_345 {strides = array<i32>} : memref<16xf32, #tpu.memory_space<vmem>>, vector<16xf32>,
      %gather3A_347 = tpu.vector_load_idx %arg36[%and3A_6] : memref<16xf32, #tpu.memory_space<vmem>>[vector<16xi32>], vector<16xf32>,
      %mul3A_348 = arith.mulf %gather3A_347, %bitcast_convert_type3A_190 : vector<16xf32>
      %add3A_349 = arith.constant 1 : i32
      %add3A_350 = vector.broadcast %add3A_349 : i32 to vector<16xi32>
      %add3A_351 = arith.addi %and3A_6, %add3A_350 : vector<16xi32>
      %gather3A_352 = tpu.vector_load_idx %arg36[%add3A_351] : memref<16xf32, #tpu.memory_space<vmem>>[vector<16xi32>], vector<16xf32>,
      %mul3A_353 = arith.mulf %gather3A_352, %bitcast_convert_type3A_205 : vector<16xf32>
      %add3A_354 = arith.addf %mul3A_348, %mul3A_353 : vector<16xf32>
      %add3A_355 = arith.constant 2 : i32
      %add3A_356 = vector.broadcast %add3A_355 : i32 to vector<16xi32>
      %add3A_357 = arith.addi %and3A_6, %add3A_356 : vector<16xi32>
      %gather3A_358 = tpu.vector_load_idx %arg36[%add3A_357] : memref<16xf32, #tpu.memory_space<vmem>>[vector<16xi32>], vector<16xf32>,
      %mul3A_359 = arith.mulf %gather3A_358, %bitcast_convert_type3A_220 : vector<16xf32>
      %add3A_360 = arith.addf %add3A_354, %mul3A_359 : vector<16xf32>
      %add3A_361 = arith.constant 3 : i32
      %add3A_362 = vector.broadcast %add3A_361 : i32 to vector<16xi32>
      %add3A_363 = arith.addi %and3A_6, %add3A_362 : vector<16xi32>
      %gather3A_364 = tpu.vector_load_idx %arg36[%add3A_363] : memref<16xf32, #tpu.memory_space<vmem>>[vector<16xi32>], vector<16xf32>,
      %mul3A_365 = arith.mulf %gather3A_364, %bitcast_convert_type3A_235 : vector<16xf32>
      %add3A_366 = arith.addf %add3A_360, %mul3A_365 : vector<16xf32>
      %mul3A_367 = arith.mulf %add3A_366, %gather3A_314 : vector<16xf32>
      %mul3A_368 = arith.constant 16 : i32
      %mul3A_369 = arith.muli %scan3A_305, %mul3A_368 : i32
      %swap3A_370 = arith.index_cast %mul3A_369 : i32 to index
      %swap3A_371 = tpu.vector_load %arg23[%swap3A_370] {strides = array<i32>} : memref<2560xf32, #tpu.memory_space<vmem>>, vector<16xf32>,
      tpu.vector_store %arg23[%swap3A_370], %mul3A_367 {strides = array<i32>} : memref<2560xf32, #tpu.memory_space<vmem>>, vector<16xf32>,
    }
    %scan3A_241 = arith.constant 160 : i32
    %mul3A_242 = arith.constant 4 : i32
    %mul3A_243 = arith.muli %mul3A_18, %mul3A_242 : i32
    "tpu.region"() ({
      %run_scoped3A = tpu.sem_alloc : memref<!tpu.dma_semaphore, #tpu.memory_space<semaphore_mem>>
      %dma_start3A = tpu.memref_slice %arg16[%mul3A_243] : memref<40960xf32, #tpu.memory_space<vmem_shared>> -> memref<2560xf32, #tpu.memory_space<vmem_shared>>
      %dma_start3A_305 = tpu.memref_slice %arg16[%mul3A_243] : memref<40960xf32, #tpu.memory_space<vmem_shared>> -> memref<2560xf32, #tpu.memory_space<vmem_shared>>
      tpu.enqueue_dma source(%arg23 : memref<2560xf32, #tpu.memory_space<vmem>>) target(%dma_start3A_305 : memref<2560xf32, #tpu.memory_space<vmem_shared>>) target_semaphore(%run_scoped3A : memref<!tpu.dma_semaphore, #tpu.memory_space<semaphore_mem>>)
      %dma_wait3A = tpu.memref_slice %arg16[%mul3A_243] : memref<40960xf32, #tpu.memory_space<vmem_shared>> -> memref<2560xf32, #tpu.memory_space<vmem_shared>>
      %dma_wait3A_306 = tpu.memref_slice %arg16[%mul3A_243] : memref<40960xf32, #tpu.memory_space<vmem_shared>> -> memref<2560xf32, #tpu.memory_space<vmem_shared>>
      tpu.wait_dma2 semaphore(%run_scoped3A : memref<!tpu.dma_semaphore, #tpu.memory_space<semaphore_mem>>) src(%arg23 : memref<2560xf32, #tpu.memory_space<vmem>>) dst(%dma_wait3A_306 : memref<2560xf32, #tpu.memory_space<vmem_shared>>)
      tpu.yield
    }) : () -> ()
    %mul3A_244 = arith.constant 4 : i32
    %mul3A_245 = arith.muli %mul3A_18, %mul3A_244 : i32
    "tpu.region"() ({
      %run_scoped3A = tpu.sem_alloc : memref<!tpu.dma_semaphore, #tpu.memory_space<semaphore_mem>>
      %dma_start3A = tpu.memref_slice %arg15[%mul3A_245] : memref<40960xf32, #tpu.memory_space<vmem_shared>> -> memref<2560xf32, #tpu.memory_space<vmem_shared>>
      %dma_start3A_305 = tpu.memref_slice %arg15[%mul3A_245] : memref<40960xf32, #tpu.memory_space<vmem_shared>> -> memref<2560xf32, #tpu.memory_space<vmem_shared>>
      tpu.enqueue_dma source(%arg23 : memref<2560xf32, #tpu.memory_space<vmem>>) target(%dma_start3A_305 : memref<2560xf32, #tpu.memory_space<vmem_shared>>) target_semaphore(%run_scoped3A : memref<!tpu.dma_semaphore, #tpu.memory_space<semaphore_mem>>)
      %dma_wait3A = tpu.memref_slice %arg15[%mul3A_245] : memref<40960xf32, #tpu.memory_space<vmem_shared>> -> memref<2560xf32, #tpu.memory_space<vmem_shared>>
      %dma_wait3A_306 = tpu.memref_slice %arg15[%mul3A_245] : memref<40960xf32, #tpu.memory_space<vmem_shared>> -> memref<2560xf32, #tpu.memory_space<vmem_shared>>
      tpu.wait_dma2 semaphore(%run_scoped3A : memref<!tpu.dma_semaphore, #tpu.memory_space<semaphore_mem>>) src(%arg23 : memref<2560xf32, #tpu.memory_space<vmem>>) dst(%dma_wait3A_306 : memref<2560xf32, #tpu.memory_space<vmem_shared>>)
      tpu.yield
    }) : () -> ()
    %barrier3A_246 = arith.constant 0 : index
    tpu.barrier barrier_id(%barrier3A_246)
    %scan3A_247 = arith.constant 0 : i32
    %scan3A_248 = arith.constant 0 : i32
    %scan3A_249 = arith.constant 5 : i32
    %scan3A_250 = arith.addi %scan3A_248, %scan3A_249 : i32
    %scan3A_251 = arith.constant 1 : i32
    scf.for %scan3A_305 = %scan3A_248 to %scan3A_250 step %scan3A_251  : i32 {
      %mul3A_306 = arith.constant 20000 : i32
      %mul3A_307 = arith.muli %arg1, %mul3A_306 : i32
      %mul3A_308 = arith.constant 4000 : i32
      %mul3A_309 = arith.muli %scan3A_305, %mul3A_308 : i32
      %add3A_310 = arith.addi %mul3A_307, %mul3A_309 : i32
      %run_scoped3A = arith.constant 0 : i32
      "tpu.region"() ({
        %run_scoped3A_318 = tpu.sem_alloc : memref<!tpu.dma_semaphore, #tpu.memory_space<semaphore_mem>>
        %dma_start3A = tpu.memref_slice %arg2[%run_scoped3A, %add3A_310] : memref<2x320000xi32, #tpu.memory_space<hbm>> -> memref<1x4000xi32, #tpu.memory_space<hbm>>
        %dma_start3A_319 = tpu.memref_squeeze %dma_start3A : memref<1x4000xi32, #tpu.memory_space<hbm>> -> memref<4000xi32, #tpu.memory_space<hbm>>
        %dma_start3A_320 = tpu.memref_slice %arg2[%run_scoped3A, %add3A_310] : memref<2x320000xi32, #tpu.memory_space<hbm>> -> memref<1x4000xi32, #tpu.memory_space<hbm>>
        %dma_start3A_321 = tpu.memref_squeeze %dma_start3A_320 : memref<1x4000xi32, #tpu.memory_space<hbm>> -> memref<4000xi32, #tpu.memory_space<hbm>>
        tpu.enqueue_dma source(%dma_start3A_321 : memref<4000xi32, #tpu.memory_space<hbm>>) target(%arg17 : memref<4000xi32, #tpu.memory_space<vmem>>) target_semaphore(%run_scoped3A_318 : memref<!tpu.dma_semaphore, #tpu.memory_space<semaphore_mem>>)
        %dma_wait3A = tpu.memref_slice %arg2[%run_scoped3A, %add3A_310] : memref<2x320000xi32, #tpu.memory_space<hbm>> -> memref<1x4000xi32, #tpu.memory_space<hbm>>
        %dma_wait3A_322 = tpu.memref_squeeze %dma_wait3A : memref<1x4000xi32, #tpu.memory_space<hbm>> -> memref<4000xi32, #tpu.memory_space<hbm>>
        %dma_wait3A_323 = tpu.memref_slice %arg2[%run_scoped3A, %add3A_310] : memref<2x320000xi32, #tpu.memory_space<hbm>> -> memref<1x4000xi32, #tpu.memory_space<hbm>>
        %dma_wait3A_324 = tpu.memref_squeeze %dma_wait3A_323 : memref<1x4000xi32, #tpu.memory_space<hbm>> -> memref<4000xi32, #tpu.memory_space<hbm>>
        tpu.wait_dma2 semaphore(%run_scoped3A_318 : memref<!tpu.dma_semaphore, #tpu.memory_space<semaphore_mem>>) src(%dma_wait3A_324 : memref<4000xi32, #tpu.memory_space<hbm>>) dst(%arg17 : memref<4000xi32, #tpu.memory_space<vmem>>)
        tpu.yield
      }) : () -> ()
      %run_scoped3A_311 = arith.constant 1 : i32
      "tpu.region"() ({
        %run_scoped3A_318 = tpu.sem_alloc : memref<!tpu.dma_semaphore, #tpu.memory_space<semaphore_mem>>
        %dma_start3A = tpu.memref_slice %arg2[%run_scoped3A_311, %add3A_310] : memref<2x320000xi32, #tpu.memory_space<hbm>> -> memref<1x4000xi32, #tpu.memory_space<hbm>>
        %dma_start3A_319 = tpu.memref_squeeze %dma_start3A : memref<1x4000xi32, #tpu.memory_space<hbm>> -> memref<4000xi32, #tpu.memory_space<hbm>>
        %dma_start3A_320 = tpu.memref_slice %arg2[%run_scoped3A_311, %add3A_310] : memref<2x320000xi32, #tpu.memory_space<hbm>> -> memref<1x4000xi32, #tpu.memory_space<hbm>>
        %dma_start3A_321 = tpu.memref_squeeze %dma_start3A_320 : memref<1x4000xi32, #tpu.memory_space<hbm>> -> memref<4000xi32, #tpu.memory_space<hbm>>
        tpu.enqueue_dma source(%dma_start3A_321 : memref<4000xi32, #tpu.memory_space<hbm>>) target(%arg18 : memref<4000xi32, #tpu.memory_space<vmem>>) target_semaphore(%run_scoped3A_318 : memref<!tpu.dma_semaphore, #tpu.memory_space<semaphore_mem>>)
        %dma_wait3A = tpu.memref_slice %arg2[%run_scoped3A_311, %add3A_310] : memref<2x320000xi32, #tpu.memory_space<hbm>> -> memref<1x4000xi32, #tpu.memory_space<hbm>>
        %dma_wait3A_322 = tpu.memref_squeeze %dma_wait3A : memref<1x4000xi32, #tpu.memory_space<hbm>> -> memref<4000xi32, #tpu.memory_space<hbm>>
        %dma_wait3A_323 = tpu.memref_slice %arg2[%run_scoped3A_311, %add3A_310] : memref<2x320000xi32, #tpu.memory_space<hbm>> -> memref<1x4000xi32, #tpu.memory_space<hbm>>
        %dma_wait3A_324 = tpu.memref_squeeze %dma_wait3A_323 : memref<1x4000xi32, #tpu.memory_space<hbm>> -> memref<4000xi32, #tpu.memory_space<hbm>>
        tpu.wait_dma2 semaphore(%run_scoped3A_318 : memref<!tpu.dma_semaphore, #tpu.memory_space<semaphore_mem>>) src(%dma_wait3A_324 : memref<4000xi32, #tpu.memory_space<hbm>>) dst(%arg18 : memref<4000xi32, #tpu.memory_space<vmem>>)
        tpu.yield
      }) : () -> ()
      %scan3A_312 = arith.constant 0 : i32
      %scan3A_313 = arith.constant 0 : i32
      %scan3A_314 = arith.constant 250 : i32
      %scan3A_315 = arith.addi %scan3A_313, %scan3A_314 : i32
      %scan3A_316 = arith.constant 1 : i32
      scf.for %scan3A_318 = %scan3A_313 to %scan3A_315 step %scan3A_316  : i32 {
        %mul3A_319 = arith.constant 16 : i32
        %mul3A_320 = arith.muli %scan3A_318, %mul3A_319 : i32
        %get3A = arith.index_cast %mul3A_320 : i32 to index
        %get3A_321 = tpu.vector_load %arg17[%get3A] {strides = array<i32>} : memref<4000xi32, #tpu.memory_space<vmem>>, vector<16xi32>,
        %mul3A_322 = arith.constant 4 : i32
        %mul3A_323 = vector.broadcast %mul3A_322 : i32 to vector<16xi32>
        %mul3A_324 = arith.muli %get3A_321, %mul3A_323 : vector<16xi32>
        %mul3A_325 = arith.constant 16 : i32
        %mul3A_326 = arith.muli %scan3A_318, %mul3A_325 : i32
        %get3A_327 = arith.index_cast %mul3A_326 : i32 to index
        %get3A_328 = tpu.vector_load %arg18[%get3A_327] {strides = array<i32>} : memref<4000xi32, #tpu.memory_space<vmem>>, vector<16xi32>,
        %mul3A_329 = arith.constant 4 : i32
        %mul3A_330 = vector.broadcast %mul3A_329 : i32 to vector<16xi32>
        %mul3A_331 = arith.muli %get3A_328, %mul3A_330 : vector<16xi32>
        %mul3A_332 = arith.constant 16 : i32
        %mul3A_333 = arith.muli %scan3A_318, %mul3A_332 : i32
        %swap3A = arith.index_cast %mul3A_333 : i32 to index
        %swap3A_334 = tpu.vector_load %arg19[%swap3A] {strides = array<i32>} : memref<16000xi32, #tpu.memory_space<vmem>>, vector<16xi32>,
        tpu.vector_store %arg19[%swap3A], %mul3A_324 {strides = array<i32>} : memref<16000xi32, #tpu.memory_space<vmem>>, vector<16xi32>,
        %add3A_335 = arith.constant 1 : i32
        %add3A_336 = vector.broadcast %add3A_335 : i32 to vector<16xi32>
        %add3A_337 = arith.addi %mul3A_324, %add3A_336 : vector<16xi32>
        %mul3A_338 = arith.constant 16 : i32
        %mul3A_339 = arith.muli %scan3A_318, %mul3A_338 : i32
        %add3A_340 = arith.constant 4000 : i32
        %add3A_341 = arith.addi %add3A_340, %mul3A_339 : i32
        %swap3A_342 = arith.index_cast %add3A_341 : i32 to index
        %swap3A_343 = tpu.vector_load %arg19[%swap3A_342] {strides = array<i32>} : memref<16000xi32, #tpu.memory_space<vmem>>, vector<16xi32>,
        tpu.vector_store %arg19[%swap3A_342], %add3A_337 {strides = array<i32>} : memref<16000xi32, #tpu.memory_space<vmem>>, vector<16xi32>,
        %add3A_344 = arith.constant 2 : i32
        %add3A_345 = vector.broadcast %add3A_344 : i32 to vector<16xi32>
        %add3A_346 = arith.addi %mul3A_324, %add3A_345 : vector<16xi32>
        %mul3A_347 = arith.constant 16 : i32
        %mul3A_348 = arith.muli %scan3A_318, %mul3A_347 : i32
        %add3A_349 = arith.constant 8000 : i32
        %add3A_350 = arith.addi %add3A_349, %mul3A_348 : i32
        %swap3A_351 = arith.index_cast %add3A_350 : i32 to index
        %swap3A_352 = tpu.vector_load %arg19[%swap3A_351] {strides = array<i32>} : memref<16000xi32, #tpu.memory_space<vmem>>, vector<16xi32>,
        tpu.vector_store %arg19[%swap3A_351], %add3A_346 {strides = array<i32>} : memref<16000xi32, #tpu.memory_space<vmem>>, vector<16xi32>,
        %add3A_353 = arith.constant 3 : i32
        %add3A_354 = vector.broadcast %add3A_353 : i32 to vector<16xi32>
        %add3A_355 = arith.addi %mul3A_324, %add3A_354 : vector<16xi32>
        %mul3A_356 = arith.constant 16 : i32
        %mul3A_357 = arith.muli %scan3A_318, %mul3A_356 : i32
        %add3A_358 = arith.constant 12000 : i32
        %add3A_359 = arith.addi %add3A_358, %mul3A_357 : i32
        %swap3A_360 = arith.index_cast %add3A_359 : i32 to index
        %swap3A_361 = tpu.vector_load %arg19[%swap3A_360] {strides = array<i32>} : memref<16000xi32, #tpu.memory_space<vmem>>, vector<16xi32>,
        tpu.vector_store %arg19[%swap3A_360], %add3A_355 {strides = array<i32>} : memref<16000xi32, #tpu.memory_space<vmem>>, vector<16xi32>,
        %mul3A_362 = arith.constant 16 : i32
        %mul3A_363 = arith.muli %scan3A_318, %mul3A_362 : i32
        %swap3A_364 = arith.index_cast %mul3A_363 : i32 to index
        %swap3A_365 = tpu.vector_load %arg20[%swap3A_364] {strides = array<i32>} : memref<16000xi32, #tpu.memory_space<vmem>>, vector<16xi32>,
        tpu.vector_store %arg20[%swap3A_364], %mul3A_331 {strides = array<i32>} : memref<16000xi32, #tpu.memory_space<vmem>>, vector<16xi32>,
        %add3A_366 = arith.constant 1 : i32
        %add3A_367 = vector.broadcast %add3A_366 : i32 to vector<16xi32>
        %add3A_368 = arith.addi %mul3A_331, %add3A_367 : vector<16xi32>
        %mul3A_369 = arith.constant 16 : i32
        %mul3A_370 = arith.muli %scan3A_318, %mul3A_369 : i32
        %add3A_371 = arith.constant 4000 : i32
        %add3A_372 = arith.addi %add3A_371, %mul3A_370 : i32
        %swap3A_373 = arith.index_cast %add3A_372 : i32 to index
        %swap3A_374 = tpu.vector_load %arg20[%swap3A_373] {strides = array<i32>} : memref<16000xi32, #tpu.memory_space<vmem>>, vector<16xi32>,
        tpu.vector_store %arg20[%swap3A_373], %add3A_368 {strides = array<i32>} : memref<16000xi32, #tpu.memory_space<vmem>>, vector<16xi32>,
        %add3A_375 = arith.constant 2 : i32
        %add3A_376 = vector.broadcast %add3A_375 : i32 to vector<16xi32>
        %add3A_377 = arith.addi %mul3A_331, %add3A_376 : vector<16xi32>
        %mul3A_378 = arith.constant 16 : i32
        %mul3A_379 = arith.muli %scan3A_318, %mul3A_378 : i32
        %add3A_380 = arith.constant 8000 : i32
        %add3A_381 = arith.addi %add3A_380, %mul3A_379 : i32
        %swap3A_382 = arith.index_cast %add3A_381 : i32 to index
        %swap3A_383 = tpu.vector_load %arg20[%swap3A_382] {strides = array<i32>} : memref<16000xi32, #tpu.memory_space<vmem>>, vector<16xi32>,
        tpu.vector_store %arg20[%swap3A_382], %add3A_377 {strides = array<i32>} : memref<16000xi32, #tpu.memory_space<vmem>>, vector<16xi32>,
        %add3A_384 = arith.constant 3 : i32
        %add3A_385 = vector.broadcast %add3A_384 : i32 to vector<16xi32>
        %add3A_386 = arith.addi %mul3A_331, %add3A_385 : vector<16xi32>
        %mul3A_387 = arith.constant 16 : i32
        %mul3A_388 = arith.muli %scan3A_318, %mul3A_387 : i32
        %add3A_389 = arith.constant 12000 : i32
        %add3A_390 = arith.addi %add3A_389, %mul3A_388 : i32
        %swap3A_391 = arith.index_cast %add3A_390 : i32 to index
        %swap3A_392 = tpu.vector_load %arg20[%swap3A_391] {strides = array<i32>} : memref<16000xi32, #tpu.memory_space<vmem>>, vector<16xi32>,
        tpu.vector_store %arg20[%swap3A_391], %add3A_386 {strides = array<i32>} : memref<16000xi32, #tpu.memory_space<vmem>>, vector<16xi32>,
      }
      %scan3A_317 = arith.constant 250 : i32
      "tpu.region"() ({
        %run_scoped3A_318 = tpu.sem_alloc : memref<!tpu.dma_semaphore, #tpu.memory_space<semaphore_mem>>
        %dma_start3A = arith.constant 0 : i32
        %dma_start3A_319 = tpu.memref_slice %arg15[%dma_start3A] : memref<40960xf32, #tpu.memory_space<vmem_shared>> -> memref<40960xf32, #tpu.memory_space<vmem_shared>>
        tpu.enqueue_indirect_dma source(%dma_start3A_319 : memref<40960xf32, #tpu.memory_space<vmem_shared>>) target(%arg21 : memref<16000xf32, #tpu.memory_space<vmem>>) offsets(%arg19 : memref<16000xi32, #tpu.memory_space<vmem>>) semaphore(%run_scoped3A_318 : memref<!tpu.dma_semaphore, #tpu.memory_space<semaphore_mem>>)
        %dma_wait3A = arith.constant 0 : i32
        %dma_wait3A_320 = tpu.memref_slice %arg15[%dma_wait3A] : memref<40960xf32, #tpu.memory_space<vmem_shared>> -> memref<40960xf32, #tpu.memory_space<vmem_shared>>
        tpu.wait_indirect_dma semaphore(%run_scoped3A_318 : memref<!tpu.dma_semaphore, #tpu.memory_space<semaphore_mem>>) src(%dma_wait3A_320 : memref<40960xf32, #tpu.memory_space<vmem_shared>>) dst(%arg21 : memref<16000xf32, #tpu.memory_space<vmem>>)
        tpu.yield
      }) : () -> ()
      "tpu.region"() ({
        %run_scoped3A_318 = tpu.sem_alloc : memref<!tpu.dma_semaphore, #tpu.memory_space<semaphore_mem>>
        %dma_start3A = arith.constant 0 : i32
        %dma_start3A_319 = tpu.memref_slice %arg16[%dma_start3A] : memref<40960xf32, #tpu.memory_space<vmem_shared>> -> memref<40960xf32, #tpu.memory_space<vmem_shared>>
        tpu.enqueue_indirect_dma source(%arg21 : memref<16000xf32, #tpu.memory_space<vmem>>) target(%dma_start3A_319 : memref<40960xf32, #tpu.memory_space<vmem_shared>>) offsets(%arg20 : memref<16000xi32, #tpu.memory_space<vmem>>) semaphore(%run_scoped3A_318 : memref<!tpu.dma_semaphore, #tpu.memory_space<semaphore_mem>>) {add = true}
        %dma_wait3A = arith.constant 0 : i32
        %dma_wait3A_320 = tpu.memref_slice %arg16[%dma_wait3A] : memref<40960xf32, #tpu.memory_space<vmem_shared>> -> memref<40960xf32, #tpu.memory_space<vmem_shared>>
        tpu.wait_indirect_dma semaphore(%run_scoped3A_318 : memref<!tpu.dma_semaphore, #tpu.memory_space<semaphore_mem>>) src(%arg21 : memref<16000xf32, #tpu.memory_space<vmem>>) dst(%dma_wait3A_320 : memref<40960xf32, #tpu.memory_space<vmem_shared>>)
        tpu.yield
      }) : () -> ()
    }
    %scan3A_252 = arith.constant 5 : i32
    %barrier3A_253 = arith.constant 0 : index
    tpu.barrier barrier_id(%barrier3A_253)
    %mul3A_254 = arith.constant 4 : i32
    %mul3A_255 = arith.muli %mul3A_18, %mul3A_254 : i32
    "tpu.region"() ({
      %run_scoped3A = tpu.sem_alloc : memref<!tpu.dma_semaphore, #tpu.memory_space<semaphore_mem>>
      %dma_start3A = tpu.memref_slice %arg16[%mul3A_255] : memref<40960xf32, #tpu.memory_space<vmem_shared>> -> memref<2560xf32, #tpu.memory_space<vmem_shared>>
      %dma_start3A_305 = tpu.memref_slice %arg16[%mul3A_255] : memref<40960xf32, #tpu.memory_space<vmem_shared>> -> memref<2560xf32, #tpu.memory_space<vmem_shared>>
      tpu.enqueue_dma source(%dma_start3A_305 : memref<2560xf32, #tpu.memory_space<vmem_shared>>) target(%arg24 : memref<2560xf32, #tpu.memory_space<vmem>>) target_semaphore(%run_scoped3A : memref<!tpu.dma_semaphore, #tpu.memory_space<semaphore_mem>>)
      %dma_wait3A = tpu.memref_slice %arg16[%mul3A_255] : memref<40960xf32, #tpu.memory_space<vmem_shared>> -> memref<2560xf32, #tpu.memory_space<vmem_shared>>
      %dma_wait3A_306 = tpu.memref_slice %arg16[%mul3A_255] : memref<40960xf32, #tpu.memory_space<vmem_shared>> -> memref<2560xf32, #tpu.memory_space<vmem_shared>>
      tpu.wait_dma2 semaphore(%run_scoped3A : memref<!tpu.dma_semaphore, #tpu.memory_space<semaphore_mem>>) src(%dma_wait3A_306 : memref<2560xf32, #tpu.memory_space<vmem_shared>>) dst(%arg24 : memref<2560xf32, #tpu.memory_space<vmem>>)
      tpu.yield
    }) : () -> ()
    %gather3A_256 = tpu.vector_load_idx %arg34[%and3A_17] : memref<2xf32, #tpu.memory_space<vmem>>[vector<16xi32>], vector<16xf32>,
    %mul3A_257 = arith.mulf %gather3A_256, %select_n3A : vector<16xf32>
    %gather3A_258 = tpu.vector_load_idx %arg35[%and3A_3] : memref<4xf32, #tpu.memory_space<vmem>>[vector<16xi32>], vector<16xf32>,
    %broadcast_in_dim3A_259 = arith.constant 0 : i32
    %broadcast_in_dim3A_260 = vector.broadcast %broadcast_in_dim3A_259 : i32 to vector<16xi32>
    %gather3A_261 = tpu.vector_load_idx %arg31[%broadcast_in_dim3A_260, %and3A_3] : memref<2x4xf32, #tpu.memory_space<vmem>>[vector<16xi32>, vector<16xi32>], vector<16xf32>,
    %bitcast_convert_type3A_262 = tpu.bitcast %gather3A_261 : vector<16xf32> -> vector<16xi32>
    %add3A_263 = arith.constant 32767 : i32
    %add3A_264 = vector.broadcast %add3A_263 : i32 to vector<16xi32>
    %add3A_265 = arith.addi %bitcast_convert_type3A_262, %add3A_264 : vector<16xi32>
    %shift_right_logical3A_266 = arith.constant 16 : i32
    %shift_right_logical3A_267 = vector.broadcast %shift_right_logical3A_266 : i32 to vector<16xi32>
    %shift_right_logical3A_268 = arith.shrui %bitcast_convert_type3A_262, %shift_right_logical3A_267 : vector<16xi32>
    %and3A_269 = arith.constant 1 : i32
    %and3A_270 = vector.broadcast %and3A_269 : i32 to vector<16xi32>
    %and3A_271 = arith.andi %shift_right_logical3A_268, %and3A_270 : vector<16xi32>
    %add3A_272 = arith.addi %add3A_265, %and3A_271 : vector<16xi32>
    %and3A_273 = arith.constant -65536 : i32
    %and3A_274 = vector.broadcast %and3A_273 : i32 to vector<16xi32>
    %and3A_275 = arith.andi %add3A_272, %and3A_274 : vector<16xi32>
    %bitcast_convert_type3A_276 = tpu.bitcast %and3A_275 : vector<16xi32> -> vector<16xf32>
    %broadcast_in_dim3A_277 = arith.constant 1 : i32
    %broadcast_in_dim3A_278 = vector.broadcast %broadcast_in_dim3A_277 : i32 to vector<16xi32>
    %gather3A_279 = tpu.vector_load_idx %arg31[%broadcast_in_dim3A_278, %and3A_3] : memref<2x4xf32, #tpu.memory_space<vmem>>[vector<16xi32>, vector<16xi32>], vector<16xf32>,
    %bitcast_convert_type3A_280 = tpu.bitcast %gather3A_279 : vector<16xf32> -> vector<16xi32>
    %add3A_281 = arith.constant 32767 : i32
    %add3A_282 = vector.broadcast %add3A_281 : i32 to vector<16xi32>
    %add3A_283 = arith.addi %bitcast_convert_type3A_280, %add3A_282 : vector<16xi32>
    %shift_right_logical3A_284 = arith.constant 16 : i32
    %shift_right_logical3A_285 = vector.broadcast %shift_right_logical3A_284 : i32 to vector<16xi32>
    %shift_right_logical3A_286 = arith.shrui %bitcast_convert_type3A_280, %shift_right_logical3A_285 : vector<16xi32>
    %and3A_287 = arith.constant 1 : i32
    %and3A_288 = vector.broadcast %and3A_287 : i32 to vector<16xi32>
    %and3A_289 = arith.andi %shift_right_logical3A_286, %and3A_288 : vector<16xi32>
    %add3A_290 = arith.addi %add3A_283, %and3A_289 : vector<16xi32>
    %and3A_291 = arith.constant -65536 : i32
    %and3A_292 = vector.broadcast %and3A_291 : i32 to vector<16xi32>
    %and3A_293 = arith.andi %add3A_290, %and3A_292 : vector<16xi32>
    %bitcast_convert_type3A_294 = tpu.bitcast %and3A_293 : vector<16xi32> -> vector<16xf32>
    %scan3A_295 = arith.constant 0 : i32
    %scan3A_296 = arith.constant 0 : i32
    %scan3A_297 = arith.constant 160 : i32
    %scan3A_298 = arith.addi %scan3A_296, %scan3A_297 : i32
    %scan3A_299 = arith.constant 1 : i32
    scf.for %scan3A_305 = %scan3A_296 to %scan3A_298 step %scan3A_299  : i32 {
      %mul3A_306 = arith.constant 16 : i32
      %mul3A_307 = arith.muli %scan3A_305, %mul3A_306 : i32
      %get3A = arith.index_cast %mul3A_307 : i32 to index
      %get3A_308 = tpu.vector_load %arg24[%get3A] {strides = array<i32>} : memref<2560xf32, #tpu.memory_space<vmem>>, vector<16xf32>,
      %mul3A_309 = arith.constant 4 : i32
      %mul3A_310 = arith.muli %scan3A_305, %mul3A_309 : i32
      %add3A_311 = arith.addi %mul3A_18, %mul3A_310 : i32
      %add3A_312 = vector.broadcast %add3A_311 : i32 to vector<16xi32>
      %add3A_313 = arith.addi %add3A_312, %shift_right_logical3A_1 : vector<16xi32>
      %gather3A_314 = tpu.vector_load_idx %arg22[%add3A_313] : memref<10240xf32, #tpu.memory_space<vmem>>[vector<16xi32>], vector<16xf32>,
      %mul3A_315 = arith.mulf %get3A_308, %gather3A_314 : vector<16xf32>
      %add3A_316 = arith.addf %mul3A_315, %mul3A_257 : vector<16xf32>
      %bitcast_convert_type3A_317 = tpu.bitcast %add3A_316 : vector<16xf32> -> vector<16xi32>
      %add3A_318 = arith.constant 32767 : i32
      %add3A_319 = vector.broadcast %add3A_318 : i32 to vector<16xi32>
      %add3A_320 = arith.addi %bitcast_convert_type3A_317, %add3A_319 : vector<16xi32>
      %shift_right_logical3A_321 = arith.constant 16 : i32
      %shift_right_logical3A_322 = vector.broadcast %shift_right_logical3A_321 : i32 to vector<16xi32>
      %shift_right_logical3A_323 = arith.shrui %bitcast_convert_type3A_317, %shift_right_logical3A_322 : vector<16xi32>
      %and3A_324 = arith.constant 1 : i32
      %and3A_325 = vector.broadcast %and3A_324 : i32 to vector<16xi32>
      %and3A_326 = arith.andi %shift_right_logical3A_323, %and3A_325 : vector<16xi32>
      %add3A_327 = arith.addi %add3A_320, %and3A_326 : vector<16xi32>
      %and3A_328 = arith.constant -65536 : i32
      %and3A_329 = vector.broadcast %and3A_328 : i32 to vector<16xi32>
      %and3A_330 = arith.andi %add3A_327, %and3A_329 : vector<16xi32>
      %bitcast_convert_type3A_331 = tpu.bitcast %and3A_330 : vector<16xi32> -> vector<16xf32>
      %swap3A = arith.constant 0 : index
      %swap3A_332 = tpu.vector_load %arg36[%swap3A] {strides = array<i32>} : memref<16xf32, #tpu.memory_space<vmem>>, vector<16xf32>,
      tpu.vector_store %arg36[%swap3A], %bitcast_convert_type3A_331 {strides = array<i32>} : memref<16xf32, #tpu.memory_space<vmem>>, vector<16xf32>,
      %gather3A_333 = tpu.vector_load_idx %arg36[%and3A_6] : memref<16xf32, #tpu.memory_space<vmem>>[vector<16xi32>], vector<16xf32>,
      %mul3A_334 = arith.mulf %gather3A_333, %bitcast_convert_type3A_276 : vector<16xf32>
      %add3A_335 = arith.constant 1 : i32
      %add3A_336 = vector.broadcast %add3A_335 : i32 to vector<16xi32>
      %add3A_337 = arith.addi %and3A_6, %add3A_336 : vector<16xi32>
      %gather3A_338 = tpu.vector_load_idx %arg36[%add3A_337] : memref<16xf32, #tpu.memory_space<vmem>>[vector<16xi32>], vector<16xf32>,
      %mul3A_339 = arith.mulf %gather3A_338, %bitcast_convert_type3A_294 : vector<16xf32>
      %add3A_340 = arith.addf %mul3A_334, %mul3A_339 : vector<16xf32>
      %add3A_341 = arith.addf %add3A_340, %gather3A_258 : vector<16xf32>
      %mul3A_342 = arith.constant 16 : i32
      %mul3A_343 = arith.muli %scan3A_305, %mul3A_342 : i32
      %swap3A_344 = arith.index_cast %mul3A_343 : i32 to index
      %swap3A_345 = tpu.vector_load %arg23[%swap3A_344] {strides = array<i32>} : memref<2560xf32, #tpu.memory_space<vmem>>, vector<16xf32>,
      tpu.vector_store %arg23[%swap3A_344], %add3A_341 {strides = array<i32>} : memref<2560xf32, #tpu.memory_space<vmem>>, vector<16xf32>,
      %mul3A_346 = arith.constant 4 : i32
      %mul3A_347 = arith.muli %scan3A_305, %mul3A_346 : i32
      %add3A_348 = vector.broadcast %mul3A_347 : i32 to vector<16xi32>
      %add3A_349 = arith.addi %add3A_348, %shift_right_logical3A_1 : vector<16xi32>
      %mul3A_350 = arith.constant 2 : i32
      %mul3A_351 = vector.broadcast %mul3A_350 : i32 to vector<16xi32>
      %mul3A_352 = arith.muli %add3A_349, %mul3A_351 : vector<16xi32>
      %add3A_353 = arith.addi %mul3A_352, %and3A_17 : vector<16xi32>
      %lt3A_354 = arith.constant 2 : i32
      %lt3A_355 = vector.broadcast %lt3A_354 : i32 to vector<16xi32>
      %lt3A_356 = arith.cmpi slt, %and3A_3, %lt3A_355 : vector<16xi32>
      tpu.vector_store_idx %arg25[%add3A_353], %add3A_316 masked %lt3A_356 : memref<1280xf32, #tpu.memory_space<vmem>>[vector<16xi32>], vector<16xf32>, vector<16xi1>
    }
    %scan3A_300 = arith.constant 160 : i32
    %mul3A_301 = arith.constant 4 : i32
    %mul3A_302 = arith.muli %mul3A_18, %mul3A_301 : i32
    "tpu.region"() ({
      %run_scoped3A = tpu.sem_alloc : memref<!tpu.dma_semaphore, #tpu.memory_space<semaphore_mem>>
      %dma_start3A = tpu.memref_slice %arg12[%mul3A_302] : memref<40960xf32, #tpu.memory_space<hbm>> -> memref<2560xf32, #tpu.memory_space<hbm>>
      %dma_start3A_305 = tpu.memref_slice %arg12[%mul3A_302] : memref<40960xf32, #tpu.memory_space<hbm>> -> memref<2560xf32, #tpu.memory_space<hbm>>
      tpu.enqueue_dma source(%arg23 : memref<2560xf32, #tpu.memory_space<vmem>>) target(%dma_start3A_305 : memref<2560xf32, #tpu.memory_space<hbm>>) target_semaphore(%run_scoped3A : memref<!tpu.dma_semaphore, #tpu.memory_space<semaphore_mem>>)
      %dma_wait3A = tpu.memref_slice %arg12[%mul3A_302] : memref<40960xf32, #tpu.memory_space<hbm>> -> memref<2560xf32, #tpu.memory_space<hbm>>
      %dma_wait3A_306 = tpu.memref_slice %arg12[%mul3A_302] : memref<40960xf32, #tpu.memory_space<hbm>> -> memref<2560xf32, #tpu.memory_space<hbm>>
      tpu.wait_dma2 semaphore(%run_scoped3A : memref<!tpu.dma_semaphore, #tpu.memory_space<semaphore_mem>>) src(%arg23 : memref<2560xf32, #tpu.memory_space<vmem>>) dst(%dma_wait3A_306 : memref<2560xf32, #tpu.memory_space<hbm>>)
      tpu.yield
    }) : () -> ()
    %mul3A_303 = arith.constant 2 : i32
    %mul3A_304 = arith.muli %mul3A_18, %mul3A_303 : i32
    "tpu.region"() ({
      %run_scoped3A = tpu.sem_alloc : memref<!tpu.dma_semaphore, #tpu.memory_space<semaphore_mem>>
      %dma_start3A = tpu.memref_slice %arg13[%mul3A_304] : memref<20480xf32, #tpu.memory_space<hbm>> -> memref<1280xf32, #tpu.memory_space<hbm>>
      %dma_start3A_305 = tpu.memref_slice %arg13[%mul3A_304] : memref<20480xf32, #tpu.memory_space<hbm>> -> memref<1280xf32, #tpu.memory_space<hbm>>
      tpu.enqueue_dma source(%arg25 : memref<1280xf32, #tpu.memory_space<vmem>>) target(%dma_start3A_305 : memref<1280xf32, #tpu.memory_space<hbm>>) target_semaphore(%run_scoped3A : memref<!tpu.dma_semaphore, #tpu.memory_space<semaphore_mem>>)
      %dma_wait3A = tpu.memref_slice %arg13[%mul3A_304] : memref<20480xf32, #tpu.memory_space<hbm>> -> memref<1280xf32, #tpu.memory_space<hbm>>
      %dma_wait3A_306 = tpu.memref_slice %arg13[%mul3A_304] : memref<20480xf32, #tpu.memory_space<hbm>> -> memref<1280xf32, #tpu.memory_space<hbm>>
      tpu.wait_dma2 semaphore(%run_scoped3A : memref<!tpu.dma_semaphore, #tpu.memory_space<semaphore_mem>>) src(%arg25 : memref<1280xf32, #tpu.memory_space<vmem>>) dst(%dma_wait3A_306 : memref<1280xf32, #tpu.memory_space<hbm>>)
      tpu.yield
    }) : () -> ()
    return
  }
}

</mosaic_0001>

<sc_bundles>
// kernel: kernel.3.cloned.1.call-start
scs
__scs_entry_jumppad:
0x0: {  	(pc) =	sbr.rel $0x88, $3  }
0x1: {  	(tag) =	ssettag $0x0;
	lr =	simm.s32 $0x1  }
0x2: {  	[smem:$0x3F97] =	sst lr;
	_ =	strace $0xD0000000  }
0x3: {  	_ = 	snop  }
0x4: {  	_ = 	snop  }
0x5: {  	_ = 	snop  }
0x6: {  	_ = 	snop  }
0x7: {  	_ = 	snop  }
__scs_overlays_trampoline_lowered:
0x8: {  	[smem:$0x3FA6] =	sst s0  }
0x9: {  	[smem:$0x3FA7] =	sst s1  }
0xa: {  	[smem:$0x3FA8] =	sst s2  }
0xb: {  	[smem:$0x3FA9] =	sst s3  }
0xc: {  	[smem:$0x3FAA] =	sst s4  }
0xd: {  	[smem:$0x3FAB] =	sst s5  }
0xe: {  	[smem:$0x3FAC] =	sst s6  }
0xf: {  	[smem:$0x3FAD] =	sst s7  }
0x10: {  	[smem:$0x3FAE] =	sst s8  }
0x11: {  	[smem:$0x3FAF] =	sst s9;
	s0 =	simm.s32 @!p0 $0x0  }
0x12: {  	s1 =	sld [smem:$0x3F95];
	s0 =	simm.s32 @p0 $0x1  }
0x13: {  	[smem:$0x3FB0] =	sst s0;
	s0 =	simm.s32 @!p1 $0x0  }
0x14: {  	s2 =	sld [smem:$0x3F94];
	s0 =	simm.s32 @p1 $0x1  }
0x15: {  	[smem:$0x3FB1] =	sst s0;
	s0 =	simm.s32 @!p2 $0x0  }
0x16: {  	s3 =	sld [smem:$0x3FDB];
	s0 =	simm.s32 @p2 $0x1  }
0x17: {  	s4 =	simm.s32 $0x1BF5;
	[smem:$0x3FB3] =	sst s0  }
0x18: {  	s0 =	sld [smem:$0x3F96];
	_ =	swait.ge [sflag:s4], $0x0  }
0x19: {  	s7 =	sld [smem:$0x3F97]  }
0x1a: {  	s8 =	sadd.s32 $0xFFFFE003, lr  }
0x1b: {  	s9 =	sadd.s32 $0xFFFFFEF7, lr;
	s5 =	simm.s32 $0xFFFFFFFF;
	p2 =	slt.u32 s8, $0xFFFFF086  }
0x1c: {  	p1 =	slt.u32 s9, $0xF7A;
	s5 =	simm.s32 @!p2 $0x0  }
0x1d: {  	s5 =	simm.s32 @p1 $0x1;
	p0 =	seq.s32 s7, s2  }
0x1e: {  	s7 =	smul.u32 @!p0 $0xF7A, s2;
	p2 =	seq.s32 @!p0 s5, $0x0  }
0x1f: {  	s9 =	smul.u32 $0xF7A, s1;
	s8 =	simm.s32 @!p0 $0x1BF5;
	p2 =	por !p2, p0  }
0x20: {  	[sflag:s8] =	ssyncset.s32 @!p0 $0xFFFFF086;
	s6 =	sadd.s32 @!p0 s3, s7;
	s7 =	simm.s32 @!p0 $0x108  }
0x21: {  	s3 =	sadd.s32 s3, s9;
	s6 =	sadd.s32 @!p0 $0x88, s6;
	s7 =	simm.s32 @p2 $0x1082  }
0x22: {  	[simem:s7], [sflag:s8] =	dma.local @!p0 [hbm:s6], $0xF7A  }
0x23: {  	s9 =	sor.u32 $0xD0000000, s2;
	s6 =	simm.s32 $0x108;
	_ =	swait.ge @!p0 [sflag:s8], $0x0  }
0x24: {  	s3 =	sadd.s32 $0x88, s3;
	s6 =	simm.s32 @!p1 $0x1082;
	[sflag:s4] =	ssyncset.s32 $0xFFFFF086  }
0x25: {  	[simem:s6], [sflag:s4] =	dma.local [hbm:s3], $0xF7A  }
0x26: {  	[smem:$0x3F97] =	sst s1;
	(tag) =	ssettag s2;
	_ =	strace s9  }
0x27: {  	s1 =	sld [smem:$0x3FA7]  }
0x28: {  	s2 =	sld [smem:$0x3FA8]  }
0x29: {  	s4 =	sld [smem:$0x3FAA]  }
0x2a: {  	p0 =	seq.s32 s5, $0x0;
	s5 =	sld [smem:$0x3FAB]  }
0x2b: {  	s6 =	sld [smem:$0x3FAC]  }
0x2c: {  	s7 =	sld [smem:$0x3FAD]  }
0x2d: {  	s3 =	simm.s32 $0x108;
	s8 =	sld [smem:$0x3FAE]  }
0x2e: {  	s3 =	simm.s32 @!p0 $0x1082;
	s9 =	sld [smem:$0x3FAF]  }
0x2f: {  	lr =	sadd.s32 s0, s3;
	s0 =	sld [smem:$0x3FA6]  }
0x30: {  	s3 =	sld [smem:$0x3FA9]  }
0x31: {  	[smem:$0x3FB2] =	sst s10  }
0x32: {  	s10 =	sld [smem:$0x3FB0];
	_ =	sdelay $0x3  }
0x33: {  	p0 =	seq.s32 s10, $0x1;
	s10 =	sld [smem:$0x3FB2];
	_ =	sdelay $0x3  }
0x34: {  	[smem:$0x3FB2] =	sst s10  }
0x35: {  	s10 =	sld [smem:$0x3FB1];
	_ =	sdelay $0x3  }
0x36: {  	p1 =	seq.s32 s10, $0x1;
	s10 =	sld [smem:$0x3FB2];
	_ =	sdelay $0x3  }
0x37: {  	[smem:$0x3FB2] =	sst s10  }
0x38: {  	s10 =	sld [smem:$0x3FB3]  }
0x39: {  	_ = 	snop;
	(pc) =	sbr.ind lr, $3  }
0x3a: {  	_ = 	snop  }
0x3b: {  	_ = 	snop  }
0x3c: {  	p2 =	seq.s32 s10, $0x1;
	s10 =	sld [smem:$0x3FB2]  }
0x3d: {  	_ =	shalt  }
0x3e: {  	_ =	shalt  }
0x3f: {  	_ =	shalt  }
0x40: {  	_ =	shalt  }
0x41: {  	_ =	shalt  }
0x42: {  	_ =	shalt  }
0x43: {  	_ =	shalt  }
0x44: {  	_ =	shalt  }
0x45: {  	_ =	shalt  }
0x46: {  	_ =	shalt  }
0x47: {  	_ =	shalt  }
0x48: {  	_ =	shalt  }
0x49: {  	_ =	shalt  }
0x4a: {  	_ =	shalt  }
0x4b: {  	_ =	shalt  }
0x4c: {  	_ =	shalt  }
0x4d: {  	_ =	shalt  }
0x4e: {  	_ =	shalt  }
0x4f: {  	_ =	shalt  }
0x50: {  	_ =	shalt  }
0x51: {  	_ =	shalt  }
0x52: {  	_ =	shalt  }
0x53: {  	_ =	shalt  }
0x54: {  	_ =	shalt  }
0x55: {  	_ =	shalt  }
0x56: {  	_ =	shalt  }
0x57: {  	_ =	shalt  }
0x58: {  	_ =	shalt  }
0x59: {  	_ =	shalt  }
0x5a: {  	_ =	shalt  }
0x5b: {  	_ =	shalt  }
0x5c: {  	_ =	shalt  }
0x5d: {  	_ =	shalt  }
0x5e: {  	_ =	shalt  }
0x5f: {  	_ =	shalt  }
0x60: {  	_ =	shalt  }
0x61: {  	_ =	shalt  }
0x62: {  	_ =	shalt  }
0x63: {  	_ =	shalt  }
0x64: {  	_ =	shalt  }
0x65: {  	_ =	shalt  }
0x66: {  	_ =	shalt  }
0x67: {  	_ =	shalt  }
0x68: {  	_ =	shalt  }
0x69: {  	_ =	shalt  }
0x6a: {  	_ =	shalt  }
0x6b: {  	_ =	shalt  }
0x6c: {  	_ =	shalt  }
0x6d: {  	_ =	shalt  }
0x6e: {  	_ =	shalt  }
0x6f: {  	_ =	shalt  }
0x70: {  	_ =	shalt  }
0x71: {  	_ =	shalt  }
0x72: {  	_ =	shalt  }
0x73: {  	_ =	shalt  }
0x74: {  	_ =	shalt  }
0x75: {  	_ =	shalt  }
0x76: {  	_ =	shalt  }
0x77: {  	_ =	shalt  }
0x78: {  	_ =	shalt  }
0x79: {  	_ =	shalt  }
0x7a: {  	_ =	shalt  }
0x7b: {  	_ =	shalt  }
0x7c: {  	_ =	shalt  }
0x7d: {  	_ =	shalt  }
0x7e: {  	_ =	shalt  }
0x7f: {  	_ =	shalt  }
0x80: {  	_ =	shalt  }
0x81: {  	_ =	shalt  }
0x82: {  	_ =	shalt  }
0x83: {  	_ =	shalt  }
0x84: {  	_ =	shalt  }
0x85: {  	_ =	shalt  }
0x86: {  	_ =	shalt  }
0x87: {  	_ =	shalt  }
.Lfunc_end0:
.L_simem_size_0:
called_computation_lowered:
.L_overlay_start_0:
0x88: {  	s0 =	sld [smem:$0x3FD9]  }
0x89: {  	s1 =	sld [smem:$0x3FFE];
	_ =	sdelay $0x3  }
0x8a: {  	s0 =	sadd.s32 s1, s0  }
0x8b: {  	[smem:$0x3FBE] =	sst s0  }
0x8c: {  	_ = 	snop  }
0x8d: {  	s0 =	sld [smem:$0x3FC9]  }
0x8e: {  	s13 =	sld [smem:$0x3FC6]  }
0x8f: {  	s2 =	sld [smem:$0x3FD0]  }
0x90: {  	s3 =	sld [smem:$0x3FC4]  }
0x91: {  	s4 =	sld [smem:$0x3FC2]  }
0x92: {  	s6 =	simm.s32 $0xA;
	s7 =	simm.s32 $0x10;
	s5 =	sld [smem:$0x3FC0]  }
0x93: {  	[smem:s7], [sflag:s6] =	dma.local [hbm:s2], $0x1  }
0x94: {  	_ =	swait.eq [sflag:s6], $0x1  }
0x95: {  	[sflag:s6] =	ssyncset.done $0x0  }
0x96: {  	s14 =	sld [smem:$0x10];
	[sflag:s6] =	ssyncadd.s32 $0xFFFFFFFF  }
0x97: {  	s15 =	sld [smem:$0x11];
	(tm) =	ssettm $0x1  }
0x98: {  	s16 =	sld [smem:$0x3FFB];
	_ =	sdelay $0x3  }
0x99: {  	_ =	strace s16  }
0x9a: {  	s7 =	sld [smem:$0x3FFC];
	_ =	sdelay $0x3  }
0x9b: {  	_ =	strace s7  }
0x9c: {  	s7 =	sld [smem:$0x3FFD];
	_ =	sdelay $0x3  }
0x9d: {  	_ =	strace s7  }
0x9e: {  	_ =	strace $0x8FFFFFFF  }
0x9f: {  	s17 =	sld [smem:$0x3FDB];
	_ =	sdelay $0x1  }
0xa0: {  	s8 =	simm.s32 $_scs_section_size  }
0xa1: {  	s9 =	simm.s32 $_size__tile_overlayer_lowered;
	s10 =	simm.s32 $_tile_overlayer_lowered  }
0xa2: {  	s20 =	simm.s32 $0x1BFF;
	s19 =	sshll.u32 s10, $0x1;
	s7 =	sadd.s32 s8, s17  }
0xa3: {  	s11 =	simm.s32 $0x0;
	s18 =	sshll.u32 s9, $0x1;
	s9 =	sadd.s32 s19, s7  }
0xa4: {  	[timem:s11], [sflag:s20] =	dma.local [hbm:s9], s18  }
0xa5: {  	_ =	swait.ge [sflag:s20], s18  }
0xa6: {  	s8 =	ssub.s32 $0x0, s18;
	[sflag:s20] =	ssyncset.done $0x0  }
0xa7: {  	[sflag:s20] =	ssyncadd.s32 s8;
	_ =	sdelay $0x1  }
0xa8: {  	s21 =	simm.s32 $0x1B8B  }
0xa9: {  	_ =	swait.ge [sflag:s21], $0x1  }
0xaa: {  	[sflag:s21] =	ssyncset.done $0x0  }
0xab: {  	s23 =	simm.s32 $0x1B8E;
	s22 =	sld [smem:$0x3FFE];
	[sflag:s21] =	ssyncadd.s32 $0xFFFFFFFF  }
0xac: {  	s24 =	simm.s32 $execute0_lowered;
	[smem:$0x3FD2] =	sst s23  }
0xad: {  	s9 =	sshll.u32 s24, $0x1;
	_ =	strace $0x80000046;
	[dreg:$0x1] =	wrdreg $0xFFFFFFFF  }
0xae: {  	s25 =	simm.s32 $_size_execute0_lowered;
	s7 =	sadd.s32 s7, s9;
	[dreg:$0x0] =	wrdreg $0x0  }
0xaf: {  	s9 =	sshll.u32 s25, $0x1;
	[dreg:$0x2] =	wrdreg s7  }
0xb0: {  	[dreg:$0x3] =	wrdreg s9  }
0xb1: {  	[dreg:$0x4] =	wrdreg $0xC0  }
0xb2: {  	_ =	task [dreg:s11], $0x5FFFF  }
0xb3: {  	[dreg:$0x1] =	wrdreg $0xFFFFFFFF  }
0xb4: {  	[dreg:$0x0] =	wrdreg $0x60  }
0xb5: {  	[dreg:$0x2] =	wrdreg s22  }
0xb6: {  	[dreg:$0x3] =	wrdreg s0  }
0xb7: {  	[dreg:$0x4] =	wrdreg s15  }
0xb8: {  	[dreg:$0x5] =	wrdreg s13  }
0xb9: {  	[dreg:$0x6] =	wrdreg s14  }
0xba: {  	[dreg:$0x7] =	wrdreg s3  }
0xbb: {  	[dreg:$0x8] =	wrdreg s4  }
0xbc: {  	[dreg:$0x9] =	wrdreg s5  }
0xbd: {  	[dreg:$0xa] =	wrdreg $0x0  }
0xbe: {  	[dreg:$0xb] =	wrdreg $0x2800  }
0xbf: {  	[dreg:$0xc] =	wrdreg $0xC800  }
0xc0: {  	[dreg:$0xd] =	wrdreg $0x9  }
0xc1: {  	_ =	task.clear_ibuf [dreg:s11], $0xEFFFF;
	_ =	strace $0x90000046  }
0xc2: {  	s26 =	simm.s32 $0x9;
	_ =	strace $0x80000048  }
0xc3: {  	_ =	swait.ge [sflag:s26], $0x1  }
0xc4: {  	[sflag:s26] =	ssyncadd.s32 $0xFFFFFFFF  }
0xc5: {  	_ =	strace $0x90000048  }
0xc6: {  	_ =	sfence  }
0xc7: {  	s28 =	sld [smem:$0x0];
	_ =	sdelay $0x1  }
0xc8: {  	s29 =	srdreg.scid  }
0xc9: {  	s30 =	sshll.u32 s29, $0xD;
	s31 =	sshrl.u32 s29, $0x2  }
0xca: {  	s1 =	sand.u32 $0x1, s29;
	s2 =	sand.u32 $0x4000, s30;
	s0 =	sadd.s32 s31, s28  }
0xcb: {  	s1 =	sor.u32 s2, s1;
	s0 =	sshll.u32 s0, $0x11  }
0xcc: {  	s0 =	sor.u32 s0, s1  }
0xcd: {  	s0 =	sadd.s32 $0x8F2B, s0  }
0xce: {  	[sflag:s0] =	ssyncadd.remote.s32 $0x1  }
0xcf: {  	_ =	sfence.sel $0xFFFF  }
0xd0: {  	[dreg:$0x0] =	wrdreg $0xFFFFFFFF;
	(pc) =	sbr.abs _section_cstart, $3  }
0xd1: {  	[dreg:$0x1] =	wrdreg $0xFFFFFFFF  }
0xd2: {  	_ =	task.clear_ibuf [dreg:s11], $0x2FFFF;
	_ =	strace $0x9FFFFFFF  }
0xd3: {  	(tm) =	ssettm $0x7FFFFFFF  }
tec
execute0_lowered:
.L_overlay_start_1:
0x0: {  	(tag) =	ssettag $0x1  }
0x1: {  	s1 =	rddreg [dreg:$0x0]  }
0x2: {  	s9 =	rddreg [dreg:$0x1]  }
0x3: {  	s2 =	rddreg [dreg:$0x2]  }
0x4: {  	s3 =	rddreg [dreg:$0x3]  }
0x5: {  	s6 =	rddreg [dreg:$0x4]  }
0x6: {  	s8 =	rddreg [dreg:$0x5]  }
0x7: {  	s10 =	rddreg [dreg:$0x6]  }
0x8: {  	s12 =	rddreg [dreg:$0x7]  }
0x9: {  	s11 =	rddreg [dreg:$0x8]  }
0xa: {  	s4 =	rddreg [dreg:$0x9]  }
0xb: {  	s5 =	rddreg [dreg:$0xa]  }
0xc: {  	s0 =	rddreg [dreg:$0xb];
	s13 =	simm.s32 $0x0  }
0xd: {  	[smem:$0x7FF] =	sst s13  }
0xe: {  	s7 =	simm.s32 $0x17A40;
	s21 =	simm.s32 $0x1;
	_ =	strace $0x80000047  }
0xf: {  	[tilespmem:s7], [sflag:$0x1] =	stream.linear.gather [hbm4b:s2+s13], $0x400, $0x38;
	[tilespmem:$0x17EC0] =	vst v63  }
0x10: {  	_ =	swait.ge [sflag:s21], $0x400  }
0x11: {  	[sflag:s21] =	ssyncset.done $0x0  }
0x12: {  	s14 =	simm.s32 $0x17E40;
	[sflag:s21] =	ssyncadd.s32 $0xFFFFFC00  }
0x13: {  	[tilespmem:s14], [sflag:$0x1] =	stream.linear.gather [hbm4b:s6+s13], $0x20, $0x38;
	[tilespmem:$0x17EC0] =	vst v63  }
0x14: {  	_ =	swait.ge [sflag:s21], $0x20  }
0x15: {  	[sflag:s21] =	ssyncset.done $0x0  }
0x16: {  	s23 =	simm.s32 $0x17E60;
	s22 =	sadd.s32 $0xC00, s1;
	[sflag:s21] =	ssyncadd.s32 $0xFFFFFFE0  }
0x17: {  	[tilespmem:s23], [sflag:$0x1] =	stream.linear.gather [hbm4b:s22+s13], $0x20, $0x38;
	[tilespmem:$0x17EC0] =	vst v63  }
0x18: {  	_ =	swait.ge [sflag:s21], $0x20  }
0x19: {  	[sflag:s21] =	ssyncset.done $0x0  }
0x1a: {  	s25 =	simm.s32 $0x17E80;
	s24 =	sadd.s32 $0xA00, s1;
	[sflag:s21] =	ssyncadd.s32 $0xFFFFFFE0  }
0x1b: {  	[tilespmem:s25], [sflag:$0x1] =	stream.linear.gather [hbm4b:s24+s13], $0x10, $0x38;
	[tilespmem:$0x17EC0] =	vst v63  }
0x1c: {  	_ =	swait.ge [sflag:s21], $0x10  }
0x1d: {  	[sflag:s21] =	ssyncset.done $0x0  }
0x1e: {  	s26 =	simm.s32 $0x17E90;
	[sflag:s21] =	ssyncadd.s32 $0xFFFFFFF0  }
0x1f: {  	[tilespmem:s26], [sflag:$0x1] =	stream.linear.gather [hbm4b:s3+s13], $0x8, $0x38;
	[tilespmem:$0x17EC0] =	vst v63  }
0x20: {  	_ =	swait.ge [sflag:s21], $0x8  }
0x21: {  	[sflag:s21] =	ssyncset.done $0x0  }
0x22: {  	s28 =	simm.s32 $0x17E98;
	[sflag:s21] =	ssyncadd.s32 $0xFFFFFFF8  }
0x23: {  	[tilespmem:s28], [sflag:$0x1] =	stream.linear.gather [hbm4b:s8+s13], $0x8, $0x38;
	[tilespmem:$0x17EC0] =	vst v63  }
0x24: {  	_ =	swait.ge [sflag:s21], $0x8  }
0x25: {  	[sflag:s21] =	ssyncset.done $0x0  }
0x26: {  	s29 =	simm.s32 $0x17EA0;
	[sflag:s21] =	ssyncadd.s32 $0xFFFFFFF8  }
0x27: {  	[tilespmem:s29], [sflag:$0x1] =	stream.linear.gather [hbm4b:s10+s13], $0x8, $0x38;
	[tilespmem:$0x17EC0] =	vst v63  }
0x28: {  	_ =	swait.ge [sflag:s21], $0x8  }
0x29: {  	s30 =	simm.s32 $0x0;
	[sflag:s21] =	ssyncset.done $0x0  }
0x2a: {  	s31 =	simm.s32 $0x17EA8;
	v0 =	vmov s30;
	[sflag:s21] =	ssyncadd.s32 $0xFFFFFFF8  }
0x2b: {  	[tilespmem:s31], [sflag:$0x1] =	stream.linear.gather [hbm4b:s12+s13], $0x8, $0x38;
	[tilespmem:$0x17EC0] =	vst v63  }
0x2c: {  	_ =	swait.ge [sflag:s21], $0x8  }
0x2d: {  	[sflag:s21] =	ssyncset.done $0x0  }
0x2e: {  	[sflag:s21] =	ssyncadd.s32 $0xFFFFFFF8  }
0x2f: {  	v1 =	vld.idx.msk [tilespmem:v0+s7+$0x0], $0xffff;
	_ =	sdelay $0x4  }
0x30: {  	v2 =	vshrl.u32 v1, $0x10  }
0x31: {  	v3 =	vor.u32 $0x1, v0;
	v2 =	vand.u32 $0x1, v2  }
0x32: {  	v1 =	vadd.s32 v2, v1  }
0x33: {  	v1 =	vadd.s32 $0x7FFF, v1  }
0x34: {  	s8 =	simm.s32 $0x15A60;
	v1 =	vand.u32 $0xFFFF0000, v1  }
0x35: {  	[tilespmem:s8+$0xFFFFFFE0] =	vst v1  }
0x36: {  	v1 =	vld.idx.msk [tilespmem:v3+s7+$0x0], $0xffff;
	_ =	sdelay $0x4  }
0x37: {  	v2 =	vshrl.u32 v1, $0x10  }
0x38: {  	v3 =	vor.u32 $0x2, v0;
	v2 =	vand.u32 $0x1, v2  }
0x39: {  	v1 =	vadd.s32 v2, v1  }
0x3a: {  	v1 =	vadd.s32 $0x7FFF, v1  }
0x3b: {  	v1 =	vand.u32 $0xFFFF0000, v1  }
0x3c: {  	[tilespmem:s8+$0xFFFFFFF0] =	vst v1  }
0x3d: {  	v1 =	vld.idx.msk [tilespmem:v3+s7+$0x0], $0xffff;
	_ =	sdelay $0x4  }
0x3e: {  	v2 =	vshrl.u32 v1, $0x10  }
0x3f: {  	v0 =	vor.u32 $0x3, v0;
	v2 =	vand.u32 $0x1, v2  }
0x40: {  	v1 =	vadd.s32 v2, v1  }
0x41: {  	v1 =	vadd.s32 $0x7FFF, v1  }
0x42: {  	v1 =	vand.u32 $0xFFFF0000, v1  }
0x43: {  	[tilespmem:s8+$0x0] =	vst v1  }
0x44: {  	v0 =	vld.idx.msk [tilespmem:v0+s7+$0x0], $0xffff;
	_ =	sdelay $0x3  }
0x45: {  	s2 =	sadd.s32 $0x15C00, s1;
	s6 =	sadd.s32 $0xE00, s1;
	s3 =	sadd.s32 $0x14800, s1  }
0x46: {  	s1 =	stileid.u32;
	s10 =	simm.s32 $0x2;
	s12 =	simm.s32 $0x8;
	v1 =	vshrl.u32 v0, $0x10  }
.LBB2_1:
0x47: {  	p0 =	sne.s32 s10, $0x7F;
	v2 =	vmov s12;
	v1 =	vand.u32 $0x1, v1  }
0x48: {  	v0 =	vadd.s32 v1, v0  }
0x49: {  	v0 =	vadd.s32 $0x7FFF, v0  }
0x4a: {  	v0 =	vand.u32 $0xFFFF0000, v0  }
0x4b: {  	[tilespmem:s8+$0x10] =	vst v0  }
0x4c: {  	v0 =	vld.idx.msk [tilespmem:v2+s7+$0x0], $0xffff;
	_ =	sdelay $0x5  }
0x4d: {  	v1 =	vshrl.u32 v0, $0x10  }
0x4e: {  	v3 =	vor.u32 $0x1, v2;
	v1 =	vand.u32 $0x1, v1  }
0x4f: {  	v0 =	vadd.s32 v1, v0  }
0x50: {  	v0 =	vadd.s32 $0x7FFF, v0  }
0x51: {  	s8 =	sadd.s32 $0x40, s8;
	v0 =	vand.u32 $0xFFFF0000, v0  }
0x52: {  	[tilespmem:s8+$0xFFFFFFE0] =	vst v0  }
0x53: {  	v0 =	vld.idx.msk [tilespmem:v3+s7+$0x0], $0xffff;
	_ =	sdelay $0x5  }
0x54: {  	v1 =	vshrl.u32 v0, $0x10  }
0x55: {  	v3 =	vor.u32 $0x2, v2;
	v1 =	vand.u32 $0x1, v1  }
0x56: {  	v0 =	vadd.s32 v1, v0  }
0x57: {  	v0 =	vadd.s32 $0x7FFF, v0  }
0x58: {  	v0 =	vand.u32 $0xFFFF0000, v0  }
0x59: {  	[tilespmem:s8+$0xFFFFFFF0] =	vst v0  }
0x5a: {  	v0 =	vld.idx.msk [tilespmem:v3+s7+$0x0], $0xffff;
	_ =	sdelay $0x5  }
0x5b: {  	v1 =	vshrl.u32 v0, $0x10  }
0x5c: {  	v2 =	vor.u32 $0x3, v2;
	v1 =	vand.u32 $0x1, v1  }
0x5d: {  	v0 =	vadd.s32 v1, v0  }
0x5e: {  	v0 =	vadd.s32 $0x7FFF, v0  }
0x5f: {  	v0 =	vand.u32 $0xFFFF0000, v0  }
0x60: {  	[tilespmem:s8+$0x0] =	vst v0  }
0x61: {  	v0 =	vld.idx.msk [tilespmem:v2+s7+$0x0], $0xffff;
	_ =	sdelay $0x1  }
.Ltmp0:
0x62: {  	(pc) =	sbr.rel @p0 .LBB2_1-.Ltmp0, $2  }
0x63: {  	_ =	sdelay $0x2  }
0x64: {  	s12 =	sshll.u32 s10, $0x3;
	s10 =	sadd.s32 $0x1, s10;
	v1 =	vshrl.u32 v0, $0x10  }
0x65: {  	v2 =	vmov s12;
	v1 =	vand.u32 $0x1, v1  }
0x66: {  	v0 =	vadd.s32 v1, v0  }
0x67: {  	v0 =	vadd.s32 $0x7FFF, v0  }
0x68: {  	v0 =	vand.u32 $0xFFFF0000, v0  }
0x69: {  	[tilespmem:s8+$0x10] =	vst v0  }
0x6a: {  	v0 =	vld.idx.msk [tilespmem:v2+s7+$0x0], $0xffff;
	_ =	sdelay $0x4  }
0x6b: {  	v1 =	vshrl.u32 v0, $0x10  }
0x6c: {  	v3 =	vor.u32 $0x1, v2;
	v1 =	vand.u32 $0x1, v1  }
0x6d: {  	v0 =	vadd.s32 v1, v0  }
0x6e: {  	v0 =	vadd.s32 $0x7FFF, v0  }
0x6f: {  	s31 =	sadd.s32 $0x40, s8;
	v0 =	vand.u32 $0xFFFF0000, v0  }
0x70: {  	[tilespmem:s31+$0xFFFFFFE0] =	vst v0  }
0x71: {  	v0 =	vld.idx.msk [tilespmem:v3+s7+$0x0], $0xffff;
	_ =	sdelay $0x4  }
0x72: {  	v1 =	vshrl.u32 v0, $0x10  }
0x73: {  	v3 =	vor.u32 $0x2, v2;
	v1 =	vand.u32 $0x1, v1  }
0x74: {  	v0 =	vadd.s32 v1, v0  }
0x75: {  	v0 =	vadd.s32 $0x7FFF, v0  }
0x76: {  	v0 =	vand.u32 $0xFFFF0000, v0  }
0x77: {  	[tilespmem:s31+$0xFFFFFFF0] =	vst v0  }
0x78: {  	v0 =	vld.idx.msk [tilespmem:v3+s7+$0x0], $0xffff;
	_ =	sdelay $0x4  }
0x79: {  	v1 =	vshrl.u32 v0, $0x10  }
0x7a: {  	v2 =	vor.u32 $0x3, v2;
	v1 =	vand.u32 $0x1, v1  }
0x7b: {  	v0 =	vadd.s32 v1, v0  }
0x7c: {  	v0 =	vadd.s32 $0x7FFF, v0  }
0x7d: {  	v0 =	vand.u32 $0xFFFF0000, v0  }
0x7e: {  	[tilespmem:s31+$0x0] =	vst v0  }
0x7f: {  	v0 =	vld.idx.msk [tilespmem:v2+s7+$0x0], $0xffff;
	_ =	sdelay $0x4  }
0x80: {  	v1 =	vshrl.u32 v0, $0x10  }
0x81: {  	v1 =	vand.u32 $0x1, v1  }
0x82: {  	v0 =	vadd.s32 v1, v0  }
0x83: {  	v0 =	vadd.s32 $0x7FFF, v0  }
0x84: {  	v0 =	vand.u32 $0xFFFF0000, v0  }
0x85: {  	s8 =	simm.s32 $0x0;
	s7 =	simm.s32 $0x40;
	[tilespmem:s31+$0x10] =	vst v0;
	v0 =	vimm.f32 $1.000000000e+00  }
.LBB2_3:
0x86: {  	p0 =	sne.s32 s7, $0x3E40;
	[tilespmem:s8+$0xB2C0] =	vst v0;
	s8 =	smov.u32 s7;
	s7 =	sadd.s32 $0x40, s7  }
.Ltmp1:
0x87: {  	(pc) =	sbr.rel @p0 .LBB2_3-.Ltmp1, $2  }
0x88: {  	_ =	sdelay $0x2  }
0x89: {  	s8 =	sshra.s32 s8, $0x2  }
0x8a: {  	[tilespmem:s8+$0xB2C0] =	vst v0;
	v63 =	vimm.f32 $0.0e+00  }
0x8b: {  	[tilespmem:$0x11940] =	vst v63  }
0x8c: {  	[tilespmem:$0x11950] =	vst v63  }
0x8d: {  	[tilespmem:$0x11960] =	vst v63  }
0x8e: {  	[tilespmem:$0x11970] =	vst v63  }
0x8f: {  	[tilespmem:$0x11980] =	vst v63  }
0x90: {  	[tilespmem:$0x11990] =	vst v63  }
0x91: {  	[tilespmem:$0x119A0] =	vst v63  }
0x92: {  	[tilespmem:$0x119B0] =	vst v63  }
0x93: {  	[tilespmem:$0x119C0] =	vst v63  }
0x94: {  	[tilespmem:$0x119D0] =	vst v63  }
0x95: {  	[tilespmem:$0x119E0] =	vst v63  }
0x96: {  	[tilespmem:$0x119F0] =	vst v63  }
0x97: {  	[tilespmem:$0x11A00] =	vst v63  }
0x98: {  	[tilespmem:$0x11A10] =	vst v63  }
0x99: {  	[tilespmem:$0x11A20] =	vst v63  }
0x9a: {  	[tilespmem:$0x11A30] =	vst v63  }
0x9b: {  	[tilespmem:$0x11A40] =	vst v63  }
0x9c: {  	[tilespmem:$0x11A50] =	vst v63  }
0x9d: {  	[tilespmem:$0x11A60] =	vst v63  }
0x9e: {  	[tilespmem:$0x11A70] =	vst v63  }
0x9f: {  	[tilespmem:$0x11A80] =	vst v63  }
0xa0: {  	[tilespmem:$0x11A90] =	vst v63  }
0xa1: {  	[tilespmem:$0x11AA0] =	vst v63  }
0xa2: {  	[tilespmem:$0x11AB0] =	vst v63  }
0xa3: {  	[tilespmem:$0x11AC0] =	vst v63  }
0xa4: {  	[tilespmem:$0x11AD0] =	vst v63  }
0xa5: {  	[tilespmem:$0x11AE0] =	vst v63  }
0xa6: {  	[tilespmem:$0x11AF0] =	vst v63  }
0xa7: {  	[tilespmem:$0x11B00] =	vst v63  }
0xa8: {  	[tilespmem:$0x11B10] =	vst v63  }
0xa9: {  	[tilespmem:$0x11B20] =	vst v63  }
0xaa: {  	[tilespmem:$0x11B30] =	vst v63  }
0xab: {  	[tilespmem:$0x11B40] =	vst v63  }
0xac: {  	[tilespmem:$0x11B50] =	vst v63  }
0xad: {  	[tilespmem:$0x11B60] =	vst v63  }
0xae: {  	[tilespmem:$0x11B70] =	vst v63  }
0xaf: {  	[tilespmem:$0x11B80] =	vst v63  }
0xb0: {  	s7 =	smul.u32 $0x280, s1;
	[tilespmem:$0x11B90] =	vst v63  }
0xb1: {  	s10 =	simm.s32 $0x11940;
	[tilespmem:$0x11BA0] =	vst v63  }
0xb2: {  	s12 =	simm.s32 $0x1;
	s8 =	smul.u32 $0x4E20, s1;
	[tilespmem:$0x11BB0] =	vst v63;
	s25 =	sadd.s32 s7, s11  }
0xb3: {  	[spmem:s25] =	stream.linear.scatter [tilespmem:s10], [sflag:$0x1], $0x280, $0x38;
	[tilespmem:$0x17EC0] =	vst v63  }
0xb4: {  	_ =	swait.ge [sflag:s12], $0x280  }
0xb5: {  	s26 =	sshrl.u32 s8, $0x3;
	[sflag:s12] =	ssyncset.done $0x0  }
0xb6: {  	s15 =	simm.s32 $0x2620;
	s13 =	sadd.s32 s6, s26;
	[sflag:s12] =	ssyncadd.s32 $0xFFFFFD80  }
0xb7: {  	s10 =	simm.s32 $0x0;
	s14 =	sadd.s32 $0x9C40, s13;
	[bflag:$0x0] =	sbarrier.arrive $0xFFFF  }
0xb8: {  	[tilespmem:s15], [sflag:$0x1] =	stream.linear.gather [hbm4b:s14+s10], $0xFA0, $0x38;
	[tilespmem:$0x17EC0] =	vst v63  }
0xb9: {  	_ =	swait.ge [sflag:s12], $0xFA0  }
0xba: {  	[sflag:s12] =	ssyncset.done $0x0  }
0xbb: {  	s28 =	simm.s32 $0xFA0;
	s16 =	simm.s32 $0xB2C0;
	[sflag:s12] =	ssyncadd.s32 $0xFFFFF060  }
0xbc: {  	[spmem:s11] =	stream.indirect.scatter.add.f32 [tilespmem:s16], [sflag:$0x1], $0x1, s15, s28, $0xb8;
	[tilespmem:$0x17EC0] =	vst v63  }
0xbd: {  	_ =	swait.ge [sflag:s12], $0xFA0  }
0xbe: {  	[sflag:s12] =	ssyncset.done $0x0  }
0xbf: {  	s17 =	sadd.s32 $0x9E34, s13;
	[sflag:s12] =	ssyncadd.s32 $0xFFFFF060  }
0xc0: {  	[tilespmem:s15], [sflag:$0x1] =	stream.linear.gather [hbm4b:s17+s10], $0xFA0, $0x38;
	[tilespmem:$0x17EC0] =	vst v63  }
0xc1: {  	_ =	swait.ge [sflag:s12], $0xFA0  }
0xc2: {  	[sflag:s12] =	ssyncset.done $0x0  }
0xc3: {  	[sflag:s12] =	ssyncadd.s32 $0xFFFFF060  }
0xc4: {  	[spmem:s11] =	stream.indirect.scatter.add.f32 [tilespmem:s16], [sflag:$0x1], $0x1, s15, s28, $0xb8;
	[tilespmem:$0x17EC0] =	vst v63  }
0xc5: {  	_ =	swait.ge [sflag:s12], $0xFA0  }
0xc6: {  	[sflag:s12] =	ssyncset.done $0x0  }
0xc7: {  	s29 =	sadd.s32 $0xA028, s13;
	[sflag:s12] =	ssyncadd.s32 $0xFFFFF060  }
0xc8: {  	[tilespmem:s15], [sflag:$0x1] =	stream.linear.gather [hbm4b:s29+s10], $0xFA0, $0x38;
	[tilespmem:$0x17EC0] =	vst v63  }
0xc9: {  	_ =	swait.ge [sflag:s12], $0xFA0  }
0xca: {  	[sflag:s12] =	ssyncset.done $0x0  }
0xcb: {  	[sflag:s12] =	ssyncadd.s32 $0xFFFFF060  }
0xcc: {  	[spmem:s11] =	stream.indirect.scatter.add.f32 [tilespmem:s16], [sflag:$0x1], $0x1, s15, s28, $0xb8;
	[tilespmem:$0x17EC0] =	vst v63  }
0xcd: {  	_ =	swait.ge [sflag:s12], $0xFA0  }
0xce: {  	[sflag:s12] =	ssyncset.done $0x0  }
0xcf: {  	s30 =	sadd.s32 $0xA21C, s13;
	[sflag:s12] =	ssyncadd.s32 $0xFFFFF060  }
0xd0: {  	[tilespmem:s15], [sflag:$0x1] =	stream.linear.gather [hbm4b:s30+s10], $0xFA0, $0x38;
	[tilespmem:$0x17EC0] =	vst v63  }
0xd1: {  	_ =	swait.ge [sflag:s12], $0xFA0  }
0xd2: {  	[sflag:s12] =	ssyncset.done $0x0  }
0xd3: {  	[sflag:s12] =	ssyncadd.s32 $0xFFFFF060  }
0xd4: {  	[spmem:s11] =	stream.indirect.scatter.add.f32 [tilespmem:s16], [sflag:$0x1], $0x1, s15, s28, $0xb8;
	[tilespmem:$0x17EC0] =	vst v63  }
0xd5: {  	_ =	swait.ge [sflag:s12], $0xFA0  }
0xd6: {  	[sflag:s12] =	ssyncset.done $0x0  }
0xd7: {  	s13 =	sadd.s32 $0xA410, s13;
	[sflag:s12] =	ssyncadd.s32 $0xFFFFF060  }
0xd8: {  	[tilespmem:s15], [sflag:$0x1] =	stream.linear.gather [hbm4b:s13+s10], $0xFA0, $0x38;
	[tilespmem:$0x17EC0] =	vst v63  }
0xd9: {  	_ =	swait.ge [sflag:s12], $0xFA0  }
0xda: {  	[sflag:s12] =	ssyncset.done $0x0  }
0xdb: {  	[sflag:s12] =	ssyncadd.s32 $0xFFFFF060  }
0xdc: {  	[spmem:s11] =	stream.indirect.scatter.add.f32 [tilespmem:s16], [sflag:$0x1], $0x1, s15, s28, $0xb8;
	[tilespmem:$0x17EC0] =	vst v63  }
0xdd: {  	_ =	swait.ge [sflag:s12], $0xFA0  }
0xde: {  	[sflag:s12] =	ssyncset.done $0x0  }
0xdf: {  	[sflag:s12] =	ssyncadd.s32 $0xFFFFF060  }
0xe0: {  	s31 =	simm.s32 $0xF140;
	[bflag:$0x0] =	sbarrier.arrive $0xFFFF  }
0xe1: {  	[tilespmem:s31], [sflag:$0x1] =	stream.linear.gather [spmem:s11], $0x2800, $0x38;
	[tilespmem:$0x17EC0] =	vst v63  }
0xe2: {  	_ =	swait.ge [sflag:s12], $0x2800  }
0xe3: {  	[sflag:s12] =	ssyncset.done $0x0  }
0xe4: {  	s13 =	simm.s32 $0x0;
	s11 =	simm.s32 $0x40;
	[sflag:s12] =	ssyncadd.s32 $0xFFFFD800  }
.LBB2_5:
0xe5: {  	p0 =	sne.s32 s11, $0x9FC0;
	v0 =	vld [tilespmem:s13+$0xF140];
	_ =	sdelay $0x4  }
0xe6: {  	v0 =	vadd.f32 $1.000000000e+00, v0;
	_ =	sdelay $0x1  }
0xe7: {  	v0 =	vmax.f32 v0, $2.500000000e-01  }
0xe8: {  	v1 =	vshrl.u32 v0, $0x1;
	v0 =	vmul.f32 $5.000000000e-01, v0  }
0xe9: {  	v1 =	vsub.s32 $0x5F3759DF, v1  }
0xea: {  	v2 =	vmul.f32 v1, v0;
	_ =	sdelay $0x1  }
0xeb: {  	v2 =	vmul.f32 v1, v2;
	_ =	sdelay $0x1  }
0xec: {  	v2 =	vsub.f32 $1.500000000e+00, v2;
	_ =	sdelay $0x1  }
0xed: {  	v1 =	vmul.f32 v1, v2;
	_ =	sdelay $0x1  }
0xee: {  	v2 =	vmul.f32 v1, v0;
	_ =	sdelay $0x1  }
0xef: {  	v2 =	vmul.f32 v2, v1;
	_ =	sdelay $0x1  }
0xf0: {  	v2 =	vsub.f32 $1.500000000e+00, v2;
	_ =	sdelay $0x1  }
0xf1: {  	v1 =	vmul.f32 v2, v1;
	_ =	sdelay $0x1  }
0xf2: {  	v0 =	vmul.f32 v1, v0;
	_ =	sdelay $0x1  }
0xf3: {  	v0 =	vmul.f32 v0, v1;
	_ =	sdelay $0x1  }
.Ltmp2:
0xf4: {  	v0 =	vsub.f32 $1.500000000e+00, v0;
	(pc) =	sbr.rel @p0 .LBB2_5-.Ltmp2, $3  }
0xf5: {  	_ = 	snop  }
0xf6: {  	v0 =	vmul.f32 v0, v1;
	_ =	sdelay $0x1  }
0xf7: {  	[tilespmem:s13+$0xF140] =	vst v0;
	s13 =	sshra.s32 s11, $0x2;
	s11 =	sadd.s32 $0x40, s11  }
0xf8: {  	v0 =	vld [tilespmem:s13+$0xF140];
	_ =	sdelay $0x4  }
0xf9: {  	v0 =	vadd.f32 $1.000000000e+00, v0;
	_ =	sdelay $0x1  }
0xfa: {  	v0 =	vmax.f32 v0, $2.500000000e-01  }
0xfb: {  	v1 =	vshrl.u32 v0, $0x1;
	v0 =	vmul.f32 $5.000000000e-01, v0  }
0xfc: {  	v1 =	vsub.s32 $0x5F3759DF, v1  }
0xfd: {  	v2 =	vmul.f32 v1, v0;
	_ =	sdelay $0x1  }
0xfe: {  	v2 =	vmul.f32 v1, v2;
	_ =	sdelay $0x1  }
0xff: {  	v2 =	vsub.f32 $1.500000000e+00, v2;
	_ =	sdelay $0x1  }
0x100: {  	v1 =	vmul.f32 v1, v2;
	_ =	sdelay $0x1  }
0x101: {  	v2 =	vmul.f32 v1, v0;
	_ =	sdelay $0x1  }
0x102: {  	v2 =	vmul.f32 v2, v1;
	_ =	sdelay $0x1  }
0x103: {  	v2 =	vsub.f32 $1.500000000e+00, v2;
	_ =	sdelay $0x1  }
0x104: {  	v1 =	vmul.f32 v2, v1;
	_ =	sdelay $0x1  }
0x105: {  	v0 =	vmul.f32 v1, v0;
	_ =	sdelay $0x1  }
0x106: {  	v0 =	vmul.f32 v0, v1;
	_ =	sdelay $0x1  }
0x107: {  	v2 =	vsub.f32 $1.500000000e+00, v0;
	v0 =	vlaneseq.u32  }
0x108: {  	v17 =	vimm.f32 $0.0e+00;
	v3 =	vor.u32 $0x10, v0;
	v4 =	vor.u32 $0x20, v0  }
.Ltmp3:
0x109: {  	v5 =	vmul.u32 $0x4, v0;
	v6 =	vor.u32 $0x30, v0;
	v16 =	vor.u32 $0x40, v0;
	(pc) =	sbr.rel .LBB2_7-.Ltmp3, $4  }
0x10a: {  	v15 =	vmul.f32 v2, v1;
	v1 =	vor.u32 $0xFFFFFFC8, v0;
	v2 =	vmul.u32 $0x80, v0  }
0x10b: {  	v11 =	vor.u32 $0x100, v5;
	v12 =	vor.u32 $0xC0, v5;
	v13 =	vor.u32 $0x80, v5  }
0x10c: {  	s11 =	simm.s32 $0x13240;
	s12 =	simm.s32 $0x1;
	v14 =	vor.u32 $0x40, v5;
	v7 =	vor.u32 $0x800, v2;
	v8 =	vor.u32 $0x1000, v2  }
0x10d: {  	s14 =	simm.s32 $0xF140;
	s15 =	simm.s32 $0x11940;
	v9 =	vor.u32 $0x1800, v2;
	v10 =	vor.u32 $0x2000, v2;
	[tilespmem:s13+$0xF140] =	vst v15;
	s13 =	simm.s32 $0x15A40;
	v15 =	vand.u32 $0x7, v0  }
.LBB2_11:
0x10e: {  	s16 =	smul.u32 $0x500, s10;
	_ =	sdelay $0x1  }
0x10f: {  	s16 =	sshra.s32 s16, $0x2  }
0x110: {  	[tilespmem:s16+$0x11940] =	vst v17  }
0x111: {  	[tilespmem:s16+$0x11950] =	vst v17  }
0x112: {  	[tilespmem:s16+$0x11960] =	vst v17  }
0x113: {  	[tilespmem:s16+$0x11970] =	vst v17  }
0x114: {  	[tilespmem:s16+$0x11980] =	vst v17  }
0x115: {  	[tilespmem:s16+$0x11990] =	vst v17  }
0x116: {  	[tilespmem:s16+$0x119A0] =	vst v17  }
0x117: {  	[tilespmem:s16+$0x119B0] =	vst v17  }
0x118: {  	[tilespmem:s16+$0x119C0] =	vst v17  }
0x119: {  	[tilespmem:s16+$0x119D0] =	vst v17  }
0x11a: {  	[tilespmem:s16+$0x119E0] =	vst v17  }
0x11b: {  	[tilespmem:s16+$0x119F0] =	vst v17  }
0x11c: {  	[tilespmem:s16+$0x11A00] =	vst v17  }
0x11d: {  	[tilespmem:s16+$0x11A10] =	vst v17  }
0x11e: {  	[tilespmem:s16+$0x11A20] =	vst v17  }
0x11f: {  	[tilespmem:s16+$0x11A30] =	vst v17  }
0x120: {  	[tilespmem:s16+$0x11A40] =	vst v17  }
0x121: {  	[tilespmem:s16+$0x11A50] =	vst v17  }
0x122: {  	[tilespmem:s16+$0x11A60] =	vst v17  }
0x123: {  	[tilespmem:s16+$0x11A70] =	vst v17  }
.LBB2_12:
0x124: {  	s10 =	sadd.s32 $0x1, s10  }
0x125: {  	p0 =	sne.s32 s10, $0x8  }
.Ltmp4:
0x126: {  	_ = 	snop;
	(pc) =	sbr.rel @!p0 .LBB2_13-.Ltmp4, $1  }
0x127: {  	_ =	sdelay $0x3  }
.LBB2_7:
0x128: {  	s17 =	smul.u32 $0x50, s10;
	_ =	sdelay $0x1  }
0x129: {  	s16 =	sadd.s32 s7, s17  }
0x12a: {  	p0 =	sgt.u32 s16, $0x270F  }
.Ltmp5:
0x12b: {  	_ = 	snop;
	(pc) =	sbr.rel @p0 .LBB2_11-.Ltmp5, $1  }
0x12c: {  	_ =	sdelay $0x3  }
0x12d: {  	s18 =	simm.s32 $0x0  }
0x12e: {  	v18 =	vmov s18  }
0x12f: {  	v18 =	vand.u32 $0x7F, v18  }
0x130: {  	v18 =	vbroadcast v18, $0x0  }
0x131: {  	s19 =	sshll.u32 s16, $0x4  }
0x132: {  	s19 =	sadd.s32 s9, s19;
	v20 =	vor.u32 v2, v18  }
0x133: {  	[tilespmem:s11], [sflag:$0x1] =	stream.linear.gather [hbm4b:s19+s18], $0x2800, $0x38;
	v21 =	vor.u32 v7, v18;
	[tilespmem:$0x17EC0] =	vst v63  }
0x134: {  	_ =	swait.ge [sflag:s12], $0x2800;
	v22 =	vor.u32 v10, v18  }
0x135: {  	[sflag:s12] =	ssyncset.done $0x0;
	v23 =	vor.u32 v9, v18  }
0x136: {  	v19 =	vor.u32 s18, v3;
	[sflag:s12] =	ssyncadd.s32 $0xFFFFD800  }
0x137: {  	v24 =	vor.u32 s18, v0;
	v18 =	vor.u32 v8, v18;
	v20 =	vld.idx.msk [tilespmem:v20+s11+$0x0], $0xffff  }
0x138: {  	v39 =	vimm.f32 $0.0e+00;
	v41 =	vimm.f32 $0.0e+00;
	v24 =	vand.u32 v1, v24;
	v26 =	vld.idx.msk [tilespmem:v21+s11+$0x0], $0xffff  }
0x139: {  	v45 =	vimm.f32 $0.0e+00;
	v44 =	vimm.f32 $0.0e+00;
	v25 =	vor.u32 s18, v6;
	v30 =	vld.idx.msk [tilespmem:v22+s11+$0x0], $0xffff  }
0x13a: {  	v37 =	vimm.f32 $0.0e+00;
	v33 =	vimm.f32 $0.0e+00;
	v32 =	vimm.f32 $0.0e+00;
	v31 =	vld.idx.msk [tilespmem:v23+s11+$0x0], $0xffff  }
0x13b: {  	v28 =	vimm.f32 $0.0e+00;
	v38 =	vimm.f32 $0.0e+00;
	v19 =	vld.idx.msk [tilespmem:v19+s13+$0x0], $0xffff;
	v23 =	vor.u32 s18, v4  }
0x13c: {  	v40 =	vimm.f32 $0.0e+00;
	v27 =	vimm.f32 $0.0e+00;
	v36 =	vimm.f32 $0.0e+00;
	v43 =	vld.idx.msk [tilespmem:v18+s11+$0x0], $0xffff  }
0x13d: {  	v35 =	vimm.f32 $0.0e+00;
	v34 =	vimm.f32 $0.0e+00;
	v21 =	vld.idx.msk [tilespmem:v24+s13+$0x0], $0xffff;
	v22 =	vshrl.u32 v20, $0x10  }
0x13e: {  	v18 =	vld.idx.msk [tilespmem:v25+s13+$0x0], $0xffff;
	v25 =	vimm.f32 $0.0e+00;
	v24 =	vshrl.u32 v26, $0x10;
	v22 =	vand.u32 $0x1, v22  }
0x13f: {  	v46 =	vshrl.u32 v31, $0x10;
	v20 =	vadd.s32 v22, v20;
	v22 =	vshrl.u32 v30, $0x10  }
0x140: {  	v29 =	vld.idx.msk [tilespmem:v23+s13+$0x0], $0xffff;
	v23 =	vimm.f32 $0.0e+00;
	v20 =	vadd.s32 $0x7FFF, v20;
	v42 =	vand.u32 $0x1, v22  }
0x141: {  	v22 =	vand.u32 $0x1, v24;
	v24 =	vimm.f32 $0.0e+00;
	v48 =	vand.u32 $0xFFFF0000, v20  }
0x142: {  	v20 =	vshrl.u32 v43, $0x10;
	v51 =	vadd.s32 v22, v26;
	v22 =	vimm.f32 $0.0e+00  }
0x143: {  	v26 =	vimm.f32 $0.0e+00;
	v52 =	vmul.f32 v48, v21;
	v49 =	vmul.f32 v48, v19  }
0x144: {  	s19 =	simm.s32 $0x1;
	v50 =	vmul.f32 v48, v18;
	v47 =	vand.u32 $0x1, v20;
	v20 =	vimm.f32 $0.0e+00  }
.LBB2_9:
0x145: {  	p0 =	sne.s32 s19, $0x7F  }
0x146: {  	v39 =	vadd.f32 v52, v39;
	v51 =	vadd.s32 $0x7FFF, v51;
	v30 =	vadd.s32 v42, v30;
	s18 =	sadd.s32 $0x40, s18;
	s20 =	smov.u32 s19;
	s19 =	sadd.s32 $0x1, s19  }
0x147: {  	v42 =	vor.u32 s18, v0;
	v52 =	vor.u32 s18, v3;
	v41 =	vadd.f32 v50, v41  }
0x148: {  	v45 =	vadd.f32 v49, v45;
	v50 =	vor.u32 s18, v6;
	v42 =	vand.u32 v1, v42  }
0x149: {  	v49 =	vand.u32 $0xFFFF0000, v51;
	v30 =	vadd.s32 $0x7FFF, v30;
	v48 =	vmul.f32 v48, v29  }
0x14a: {  	v43 =	vadd.s32 v47, v43;
	v51 =	vmov s20;
	v53 =	vmul.f32 v49, v21  }
0x14b: {  	v47 =	vand.u32 $0x7F, v51;
	v30 =	vand.u32 $0xFFFF0000, v30;
	v44 =	vadd.f32 v48, v44  }
0x14c: {  	v46 =	vand.u32 $0x1, v46;
	v47 =	vbroadcast v47, $0x0;
	v48 =	vmul.f32 v49, v19  }
0x14d: {  	v43 =	vadd.s32 $0x7FFF, v43;
	v31 =	vadd.s32 v46, v31;
	v46 =	vmul.f32 v30, v18  }
0x14e: {  	v55 =	vmul.f32 v30, v29;
	v51 =	vor.u32 v2, v47;
	v54 =	vor.u32 v7, v47  }
0x14f: {  	v56 =	vor.u32 v8, v47;
	v57 =	vor.u32 v9, v47;
	v20 =	vadd.f32 v46, v20  }
0x150: {  	v58 =	vand.u32 $0xFFFF0000, v43;
	v46 =	vor.u32 v10, v47;
	v47 =	vmul.f32 v49, v29  }
0x151: {  	v31 =	vadd.s32 $0x7FFF, v31;
	v43 =	vmul.f32 v58, v21;
	v59 =	vmul.f32 v30, v19  }
0x152: {  	v60 =	vand.u32 $0xFFFF0000, v31;
	v37 =	vadd.f32 v48, v37;
	v48 =	vmul.f32 v58, v19;
	v52 =	vld.idx.msk [tilespmem:v52+s13+$0x0], $0xffff  }
0x153: {  	v31 =	vmul.f32 v60, v21;
	v33 =	vadd.f32 v43, v33;
	v22 =	vadd.f32 v59, v22;
	v51 =	vld.idx.msk [tilespmem:v51+s11+$0x0], $0xffff  }
0x154: {  	v43 =	vmul.f32 v60, v29;
	v32 =	vadd.f32 v48, v32;
	v48 =	vmul.f32 v30, v21;
	v54 =	vld.idx.msk [tilespmem:v54+s11+$0x0], $0xffff  }
0x155: {  	v28 =	vadd.f32 v31, v28;
	v21 =	vmul.f32 v60, v18;
	v30 =	vld.idx.msk [tilespmem:v46+s11+$0x0], $0xffff;
	v46 =	vmul.f32 v58, v18  }
0x156: {  	v38 =	vadd.f32 v47, v38;
	v26 =	vadd.f32 v43, v26;
	v31 =	vld.idx.msk [tilespmem:v57+s11+$0x0], $0xffff;
	v57 =	vmul.f32 v60, v19  }
0x157: {  	v49 =	vmul.f32 v49, v18;
	v47 =	vor.u32 s18, v4;
	v25 =	vadd.f32 v21, v25;
	v43 =	vld.idx.msk [tilespmem:v56+s11+$0x0], $0xffff  }
0x158: {  	v40 =	vadd.f32 v53, v40;
	v29 =	vmul.f32 v58, v29;
	v21 =	vld.idx.msk [tilespmem:v42+s13+$0x0], $0xffff;
	v27 =	vadd.f32 v57, v27  }
0x159: {  	v36 =	vadd.f32 v49, v36;
	v24 =	vadd.f32 v48, v24;
	v19 =	vmovc v52;
	v42 =	vshrl.u32 v51, $0x10;
	v18 =	vld.idx.msk [tilespmem:v50+s13+$0x0], $0xffff  }
0x15a: {  	v23 =	vadd.f32 v55, v23;
	v35 =	vadd.f32 v29, v35;
	v42 =	vand.u32 $0x1, v42  }
.Ltmp6:
0x15b: {  	v34 =	vadd.f32 v46, v34;
	v29 =	vadd.s32 v42, v51;
	v42 =	vshrl.u32 v30, $0x10;
	(pc) =	sbr.rel @p0 .LBB2_9-.Ltmp6, $4  }
0x15c: {  	v50 =	vshrl.u32 v54, $0x10;
	v46 =	vadd.s32 $0x7FFF, v29;
	v42 =	vand.u32 $0x1, v42  }
0x15d: {  	v48 =	vand.u32 $0xFFFF0000, v46;
	v46 =	vshrl.u32 v31, $0x10;
	v29 =	vld.idx.msk [tilespmem:v47+s13+$0x0], $0xffff;
	v47 =	vshrl.u32 v43, $0x10  }
0x15e: {  	v51 =	vand.u32 $0x1, v50;
	v52 =	vmul.f32 v48, v21;
	v49 =	vmul.f32 v48, v19  }
0x15f: {  	v51 =	vadd.s32 v51, v54;
	v50 =	vmul.f32 v48, v18;
	v47 =	vand.u32 $0x1, v47  }
0x160: {  	v53 =	vor.u32 s16, v0;
	_ =	sdelay $0x4  }
0x161: {  	v54 =	vmov s17;
	v53 =	vld.idx.msk [tilespmem:v53+s14+$0x0], $0xffff  }
0x162: {  	v54 =	vshll.u32 v54, $0x2  }
0x163: {  	v39 =	vadd.f32 v52, v39;
	v45 =	vadd.f32 v49, v45;
	v55 =	vor.u32 v5, v54  }
0x164: {  	v61 =	vadd.s32 s16, v3;
	v48 =	vmul.f32 v48, v29;
	v49 =	vor.u32 $0x1, v55  }
0x165: {  	v52 =	vand.u32 $0x7FF8, v61;
	v60 =	vor.u32 $0x2, v55  }
0x166: {  	v56 =	vor.u32 $0x3, v55;
	v44 =	vadd.f32 v48, v44;
	v39 =	vmul.f32 v53, v39  }
0x167: {  	v41 =	vadd.f32 v50, v41;
	v62 =	vor.u32 v15, v52;
	v45 =	vmul.f32 v53, v45  }
0x168: {  	v63 =	vmul.f32 v53, v44;
	[tilespmem:v55+s15+$0x0] =	vst.idx.msk $0xffff, v39  }
0x169: {  	v41 =	vmul.f32 v53, v41;
	[tilespmem:v49+s15+$0x0] =	vst.idx.msk $0xffff, v45  }
0x16a: {  	[tilespmem:v60+s15+$0x0] =	vst.idx.msk $0xffff, v63  }
0x16b: {  	v52 =	vadd.s32 $0x7FFF, v51;
	[tilespmem:v56+s15+$0x0] =	vst.idx.msk $0xffff, v41  }
0x16c: {  	v53 =	vand.u32 $0xFFFF0000, v52;
	v56 =	vld.idx.msk [tilespmem:v62+s14+$0x0], $0xffff  }
0x16d: {  	v59 =	vadd.s32 v14, v54;
	v57 =	vmul.f32 v53, v21  }
0x16e: {  	v61 =	vor.u32 $0x2, v59;
	v58 =	vmul.f32 v53, v29;
	v55 =	vmul.f32 v53, v19  }
0x16f: {  	v39 =	vmul.f32 v53, v18;
	v40 =	vadd.f32 v57, v40;
	v60 =	vor.u32 $0x1, v59  }
0x170: {  	v38 =	vadd.f32 v58, v38;
	v37 =	vadd.f32 v55, v37;
	v62 =	vadd.s32 s16, v4  }
0x171: {  	v63 =	vor.u32 $0x3, v59;
	v49 =	vand.u32 $0x7FF8, v62;
	v40 =	vmul.f32 v56, v40  }
0x172: {  	v36 =	vadd.f32 v39, v36;
	v49 =	vor.u32 v15, v49;
	v37 =	vmul.f32 v56, v37  }
0x173: {  	v38 =	vmul.f32 v56, v38;
	[tilespmem:v59+s15+$0x0] =	vst.idx.msk $0xffff, v40  }
0x174: {  	v36 =	vmul.f32 v56, v36;
	[tilespmem:v60+s15+$0x0] =	vst.idx.msk $0xffff, v37  }
0x175: {  	v51 =	vadd.s32 v47, v43;
	[tilespmem:v61+s15+$0x0] =	vst.idx.msk $0xffff, v38  }
0x176: {  	v52 =	vadd.s32 $0x7FFF, v51;
	[tilespmem:v63+s15+$0x0] =	vst.idx.msk $0xffff, v36  }
0x177: {  	v37 =	vand.u32 $0xFFFF0000, v52;
	v38 =	vld.idx.msk [tilespmem:v49+s14+$0x0], $0xffff  }
0x178: {  	v57 =	vadd.s32 v13, v54;
	v53 =	vmul.f32 v37, v21  }
0x179: {  	v58 =	vor.u32 $0x1, v57;
	v59 =	vor.u32 $0x2, v57;
	v55 =	vmul.f32 v37, v19  }
0x17a: {  	v60 =	vadd.s32 s16, v6;
	v56 =	vmul.f32 v37, v29;
	v33 =	vadd.f32 v53, v33  }
0x17b: {  	v37 =	vmul.f32 v37, v18;
	v61 =	vor.u32 $0x3, v57;
	v32 =	vadd.f32 v55, v32  }
0x17c: {  	v41 =	vand.u32 $0x7FF8, v60;
	v35 =	vadd.f32 v56, v35;
	v33 =	vmul.f32 v38, v33  }
0x17d: {  	v62 =	vor.u32 v15, v41;
	v34 =	vadd.f32 v37, v34;
	v32 =	vmul.f32 v38, v32  }
0x17e: {  	v40 =	vmul.f32 v38, v35;
	[tilespmem:v57+s15+$0x0] =	vst.idx.msk $0xffff, v33  }
0x17f: {  	v63 =	vand.u32 $0x1, v46;
	v41 =	vmul.f32 v38, v34;
	[tilespmem:v58+s15+$0x0] =	vst.idx.msk $0xffff, v32  }
0x180: {  	v31 =	vadd.s32 v63, v31;
	[tilespmem:v59+s15+$0x0] =	vst.idx.msk $0xffff, v40  }
0x181: {  	v31 =	vadd.s32 $0x7FFF, v31;
	[tilespmem:v61+s15+$0x0] =	vst.idx.msk $0xffff, v41  }
0x182: {  	v31 =	vand.u32 $0xFFFF0000, v31;
	v33 =	vld.idx.msk [tilespmem:v62+s14+$0x0], $0xffff  }
0x183: {  	v46 =	vadd.s32 v12, v54;
	v43 =	vmul.f32 v31, v21  }
0x184: {  	v47 =	vor.u32 $0x1, v46;
	v48 =	vor.u32 $0x2, v46;
	v45 =	vmul.f32 v31, v19  }
0x185: {  	v49 =	vadd.s32 s16, v16;
	v44 =	vmul.f32 v31, v29;
	v28 =	vadd.f32 v43, v28  }
0x186: {  	v50 =	vor.u32 $0x3, v46;
	v31 =	vmul.f32 v31, v18;
	v27 =	vadd.f32 v45, v27  }
0x187: {  	v36 =	vand.u32 $0x7FF8, v49;
	v26 =	vadd.f32 v44, v26;
	v28 =	vmul.f32 v33, v28  }
0x188: {  	v51 =	vor.u32 v15, v36;
	v25 =	vadd.f32 v31, v25;
	v27 =	vmul.f32 v33, v27  }
0x189: {  	v26 =	vmul.f32 v33, v26;
	[tilespmem:v46+s15+$0x0] =	vst.idx.msk $0xffff, v28  }
0x18a: {  	v25 =	vmul.f32 v33, v25;
	[tilespmem:v47+s15+$0x0] =	vst.idx.msk $0xffff, v27  }
0x18b: {  	v52 =	vadd.s32 v42, v30;
	[tilespmem:v48+s15+$0x0] =	vst.idx.msk $0xffff, v26  }
0x18c: {  	v53 =	vadd.s32 $0x7FFF, v52;
	[tilespmem:v50+s15+$0x0] =	vst.idx.msk $0xffff, v25  }
0x18d: {  	v55 =	vand.u32 $0xFFFF0000, v53;
	v56 =	vld.idx.msk [tilespmem:v51+s14+$0x0], $0xffff  }
0x18e: {  	v57 =	vmul.f32 v55, v21  }
0x18f: {  	v19 =	vmul.f32 v55, v19;
	v58 =	vadd.s32 v11, v54  }
0x190: {  	v59 =	vmul.f32 v55, v29;
	v21 =	vadd.f32 v57, v24;
	v60 =	vor.u32 $0x1, v58  }
0x191: {  	v18 =	vmul.f32 v55, v18;
	v19 =	vadd.f32 v19, v22;
	v61 =	vor.u32 $0x2, v58  }
0x192: {  	v23 =	vadd.f32 v59, v23;
	v62 =	vor.u32 $0x3, v58;
	v21 =	vmul.f32 v56, v21  }
.Ltmp7:
0x193: {  	v18 =	vadd.f32 v18, v20;
	v19 =	vmul.f32 v56, v19;
	(pc) =	sbr.rel .LBB2_12-.Ltmp7, $4  }
0x194: {  	v63 =	vmul.f32 v56, v23;
	[tilespmem:v58+s15+$0x0] =	vst.idx.msk $0xffff, v21  }
0x195: {  	v18 =	vmul.f32 v56, v18;
	[tilespmem:v60+s15+$0x0] =	vst.idx.msk $0xffff, v19  }
0x196: {  	[tilespmem:v61+s15+$0x0] =	vst.idx.msk $0xffff, v63  }
0x197: {  	[tilespmem:v62+s15+$0x0] =	vst.idx.msk $0xffff, v18  }
.LBB2_13:
0x198: {  	s9 =	smul.u32 $0xA00, s1;
	_ =	sdelay $0x1  }
0x199: {  	s13 =	simm.s32 $0x11940;
	s12 =	simm.s32 $0x1;
	s11 =	sadd.s32 s9, s4  }
0x19a: {  	[spmem:s11] =	stream.linear.scatter [tilespmem:s13], [sflag:$0x1], $0xA00, $0x38;
	[tilespmem:$0x17EC0] =	vst v63  }
0x19b: {  	_ =	swait.ge [sflag:s12], $0xA00  }
0x19c: {  	[sflag:s12] =	ssyncset.done $0x0  }
0x19d: {  	s10 =	sadd.s32 s9, s5;
	[sflag:s12] =	ssyncadd.s32 $0xFFFFF600  }
0x19e: {  	[spmem:s10] =	stream.linear.scatter [tilespmem:s13], [sflag:$0x1], $0xA00, $0x38;
	[tilespmem:$0x17EC0] =	vst v63  }
0x19f: {  	s14 =	simm.s32 $0x1680;
	s15 =	simm.s32 $0x2620;
	_ =	swait.ge [sflag:s12], $0xA00  }
0x1a0: {  	s16 =	simm.s32 $0x3E80;
	s17 =	simm.s32 $0x35C0;
	[sflag:s12] =	ssyncset.done $0x0  }
0x1a1: {  	s18 =	simm.s32 $0xB2C0;
	s19 =	simm.s32 $0x7440;
	[sflag:s12] =	ssyncadd.s32 $0xFFFFF600  }
0x1a2: {  	s20 =	simm.s32 $0x0;
	s13 =	simm.s32 $0x0;
	[bflag:$0x0] =	sbarrier.arrive $0xFFFF  }
.LBB2_14:
0x1a3: {  	s21 =	smul.u32 $0xFA0, s20;
	_ =	sdelay $0x1  }
0x1a4: {  	s21 =	sadd.s32 s8, s21  }
0x1a5: {  	s21 =	sshrl.u32 s21, $0x3  }
0x1a6: {  	s21 =	sadd.s32 s6, s21  }
0x1a7: {  	[tilespmem:s14], [sflag:$0x1] =	stream.linear.gather [hbm4b:s21+s13], $0xFA0, $0x38;
	[tilespmem:$0x17EC0] =	vst v63  }
0x1a8: {  	_ =	swait.ge [sflag:s12], $0xFA0  }
0x1a9: {  	[sflag:s12] =	ssyncset.done $0x0  }
0x1aa: {  	s21 =	sadd.s32 $0x9C40, s21;
	[sflag:s12] =	ssyncadd.s32 $0xFFFFF060  }
0x1ab: {  	[tilespmem:s15], [sflag:$0x1] =	stream.linear.gather [hbm4b:s21+s13], $0xFA0, $0x38;
	[tilespmem:$0x17EC0] =	vst v63  }
0x1ac: {  	_ =	swait.ge [sflag:s12], $0xFA0  }
0x1ad: {  	[sflag:s12] =	ssyncset.done $0x0  }
0x1ae: {  	s22 =	simm.s32 $0x0;
	[sflag:s12] =	ssyncadd.s32 $0xFFFFF060  }
0x1af: {  	v0 =	vld [tilespmem:s22+$0x2620]  }
0x1b0: {  	v2 =	vld [tilespmem:s22+$0x1680];
	_ =	sdelay $0x3  }
0x1b1: {  	v1 =	vshll.u32 v0, $0x2  }
0x1b2: {  	v0 =	vshll.u32 v2, $0x2;
	[tilespmem:s22+$0x7440] =	vst v1;
	v2 =	vor.u32 $0x1, v1;
	v6 =	vor.u32 $0x3, v1  }
0x1b3: {  	s23 =	simm.s32 $0x80;
	s21 =	simm.s32 $0x10;
	v5 =	vor.u32 $0x1, v0;
	v4 =	vor.u32 $0x2, v0;
	v3 =	vor.u32 $0x3, v0;
	[tilespmem:s22+$0xA320] =	vst v6  }
.LBB2_15:
0x1b4: {  	p0 =	sne.s32 s23, $0x3E40;
	v6 =	vld [tilespmem:s21+$0x2620];
	[tilespmem:s22+$0x4560] =	vst v5;
	v1 =	vor.u32 $0x2, v1  }
0x1b5: {  	v5 =	vld [tilespmem:s21+$0x1680];
	[tilespmem:s22+$0x5500] =	vst v4  }
0x1b6: {  	[tilespmem:s22+$0x64A0] =	vst v3  }
.Ltmp8:
0x1b7: {  	[tilespmem:s22+$0x83E0] =	vst v2;
	(pc) =	sbr.rel @p0 .LBB2_15-.Ltmp8, $4  }
0x1b8: {  	[tilespmem:s22+$0x9380] =	vst v1  }
0x1b9: {  	v1 =	vshll.u32 v6, $0x2;
	[tilespmem:s22+$0x35C0] =	vst v0;
	s22 =	smov.u32 s21  }
0x1ba: {  	v0 =	vshll.u32 v5, $0x2;
	[tilespmem:s22+$0x7440] =	vst v1;
	v2 =	vor.u32 $0x1, v1;
	v6 =	vor.u32 $0x3, v1  }
0x1bb: {  	s21 =	sshra.s32 s23, $0x2;
	s23 =	sadd.s32 $0x40, s23;
	v5 =	vor.u32 $0x1, v0;
	v4 =	vor.u32 $0x2, v0;
	v3 =	vor.u32 $0x3, v0;
	[tilespmem:s22+$0xA320] =	vst v6  }
0x1bc: {  	v6 =	vld [tilespmem:s21+$0x2620];
	[tilespmem:s22+$0x4560] =	vst v5  }
0x1bd: {  	v5 =	vld [tilespmem:s21+$0x1680];
	[tilespmem:s22+$0x5500] =	vst v4  }
0x1be: {  	[tilespmem:s22+$0x64A0] =	vst v3  }
0x1bf: {  	v1 =	vor.u32 $0x2, v1;
	[tilespmem:s22+$0x83E0] =	vst v2  }
0x1c0: {  	[tilespmem:s22+$0x9380] =	vst v1  }
0x1c1: {  	[tilespmem:s22+$0x35C0] =	vst v0;
	v57 =	vshll.u32 v6, $0x2  }
0x1c2: {  	[tilespmem:s21+$0x7440] =	vst v57;
	v59 =	vor.u32 $0x3, v57  }
0x1c3: {  	v63 =	vor.u32 $0x1, v57;
	[tilespmem:s21+$0xA320] =	vst v59  }
0x1c4: {  	v1 =	vor.u32 $0x2, v57;
	[tilespmem:s21+$0x83E0] =	vst v63  }
0x1c5: {  	v58 =	vshll.u32 v5, $0x2;
	[tilespmem:s21+$0x9380] =	vst v1  }
0x1c6: {  	v60 =	vor.u32 $0x1, v58;
	[tilespmem:s21+$0x35C0] =	vst v58  }
0x1c7: {  	v61 =	vor.u32 $0x2, v58;
	[tilespmem:s21+$0x4560] =	vst v60  }
0x1c8: {  	v62 =	vor.u32 $0x3, v58;
	[tilespmem:s21+$0x5500] =	vst v61  }
0x1c9: {  	[tilespmem:s21+$0x64A0] =	vst v62  }
0x1ca: {  	[tilespmem:s18], [sflag:$0x1] =	stream.indirect.gather [spmem:s4], $0x1, s17, s16, $0xb8;
	[tilespmem:$0x17EC0] =	vst v63  }
0x1cb: {  	s20 =	sadd.s32 $0x1, s20;
	_ =	swait.ge [sflag:s12], $0x3E80  }
0x1cc: {  	p0 =	sne.s32 s20, $0x5;
	[sflag:s12] =	ssyncset.done $0x0  }
.Ltmp9:
0x1cd: {  	[sflag:s12] =	ssyncadd.s32 $0xFFFFC180;
	(pc) =	sbr.rel @p0 .LBB2_14-.Ltmp9, $4  }
0x1ce: {  	[spmem:s5] =	stream.indirect.scatter.add.f32 [tilespmem:s18], [sflag:$0x1], $0x1, s19, s16, $0xb8;
	[tilespmem:$0x17EC0] =	vst v63  }
0x1cf: {  	_ =	swait.ge [sflag:s12], $0x3E80  }
0x1d0: {  	[sflag:s12] =	ssyncset.done $0x0  }
0x1d1: {  	[sflag:s12] =	ssyncadd.s32 $0xFFFFC180  }
0x1d2: {  	v1 =	vlaneseq.u32  }
0x1d3: {  	v0 =	vshrl.u32 v1, $0x2  }
0x1d4: {  	[bflag:$0x0] =	sbarrier.arrive $0xFFFF;
	s12 =	simm.s32 $0x12340;
	s30 =	simm.s32 $0x1;
	v2 =	vor.u32 s7, v0  }
0x1d5: {  	[tilespmem:s12], [sflag:$0x1] =	stream.linear.gather [spmem:s10], $0xA00, $0x38;
	[tilespmem:$0x17EC0] =	vst v63  }
0x1d6: {  	_ =	swait.ge [sflag:s30], $0xA00  }
0x1d7: {  	v3 =	vand.u32 $0x3, v1;
	[sflag:s30] =	ssyncset.done $0x0  }
0x1d8: {  	s12 =	simm.s32 $0xF140;
	[sflag:s30] =	ssyncadd.s32 $0xFFFFF600  }
0x1d9: {  	s13 =	simm.s32 $0x0;
	v11 =	vld.idx.msk [tilespmem:v2+s12+$0x0], $0xffff  }
0x1da: {  	v2 =	vld [tilespmem:s13+$0x12340]  }
0x1db: {  	s14 =	simm.s32 $0x17E90  }
0x1dc: {  	v1 =	vld.idx.msk [tilespmem:v3+s14+$0x0], $0xffff;
	_ =	sdelay $0x2  }
0x1dd: {  	v2 =	vmul.f32 v11, v2;
	_ =	sdelay $0x1  }
0x1de: {  	v2 =	vadd.f32 v2, v1;
	_ =	sdelay $0x1  }
0x1df: {  	v2 =	vmax.f32 v2, $-1.500000000e+01  }
0x1e0: {  	v2 =	vmin.f32 v2, $1.500000000e+01  }
0x1e1: {  	v2 =	vadd.f32 v2, v2;
	_ =	sdelay $0x1  }
0x1e2: {  	v2 =	vmul.f32 $1.442695020e+00, v2;
	_ =	sdelay $0x1  }
0x1e3: {  	(erf) = vpow2.f32 v2;
	_ =	sdelay $0x8  }
0x1e4: {  	v2 =	vpop (erf)  }
0x1e5: {  	v2 =	vadd.f32 $1.000000000e+00, v2;
	_ =	sdelay $0x1  }
0x1e6: {  	(erf) = vrcp.f32 v2;
	_ =	sdelay $0x8  }
0x1e7: {  	v2 =	vpop (erf)  }
0x1e8: {  	v4 =	vor.u32 $0x8, v3;
	v2 =	vadd.f32 v2, v2;
	_ =	sdelay $0x1  }
0x1e9: {  	v5 =	vor.u32 $0x10, v3;
	v6 =	vsub.f32 $1.000000000e+00, v2  }
0x1ea: {  	s31 =	simm.s32 $0x17E40  }
0x1eb: {  	v7 =	vor.u32 $0x18, v3;
	v9 =	vld.idx.msk [tilespmem:v3+s31+$0x0], $0xffff;
	v2 =	vmul.u32 $0x4, v0;
	v8 =	vshrl.u32 v6, $0x10  }
0x1ec: {  	v10 =	vld.idx.msk [tilespmem:v4+s31+$0x0], $0xffff;
	v8 =	vand.u32 $0x1, v8  }
0x1ed: {  	v3 =	vor.u32 $0x1, v2;
	v4 =	vadd.s32 v8, v6  }
0x1ee: {  	v8 =	vld.idx.msk [tilespmem:v5+s31+$0x0], $0xffff;
	v5 =	vadd.s32 $0x7FFF, v4  }
0x1ef: {  	v4 =	vor.u32 $0x2, v2;
	v5 =	vand.u32 $0xFFFF0000, v5  }
0x1f0: {  	s14 =	simm.s32 $0x17EB0;
	v12 =	vld.idx.msk [tilespmem:v7+s31+$0x0], $0xffff;
	[tilespmem:$0x17EB0] =	vst v5  }
0x1f1: {  	v7 =	vshrl.u32 v10, $0x10;
	v6 =	vshrl.u32 v9, $0x10;
	v5 =	vor.u32 $0x3, v2;
	v13 =	vld.idx.msk [tilespmem:v2+s14+$0x0], $0xffff  }
0x1f2: {  	v7 =	vand.u32 $0x1, v7;
	v6 =	vand.u32 $0x1, v6;
	v14 =	vld.idx.msk [tilespmem:v3+s14+$0x0], $0xffff  }
0x1f3: {  	v7 =	vadd.s32 v7, v10;
	v6 =	vadd.s32 v6, v9;
	v9 =	vshrl.u32 v8, $0x10  }
0x1f4: {  	v7 =	vadd.s32 $0x7FFF, v7;
	v9 =	vand.u32 $0x1, v9;
	v10 =	vld.idx.msk [tilespmem:v4+s14+$0x0], $0xffff  }
0x1f5: {  	v7 =	vand.u32 $0xFFFF0000, v7;
	v6 =	vadd.s32 $0x7FFF, v6;
	v8 =	vadd.s32 v9, v8  }
0x1f6: {  	v6 =	vand.u32 $0xFFFF0000, v6;
	v9 =	vshrl.u32 v12, $0x10;
	v8 =	vadd.s32 $0x7FFF, v8;
	v15 =	vld.idx.msk [tilespmem:v5+s14+$0x0], $0xffff  }
0x1f7: {  	v9 =	vand.u32 $0x1, v9;
	v13 =	vmul.f32 v6, v13;
	v14 =	vmul.f32 v7, v14  }
0x1f8: {  	v9 =	vadd.s32 v9, v12;
	v8 =	vand.u32 $0xFFFF0000, v8  }
0x1f9: {  	v9 =	vadd.s32 $0x7FFF, v9;
	v10 =	vmul.f32 v8, v10;
	v62 =	vadd.f32 v14, v13  }
0x1fa: {  	v9 =	vand.u32 $0xFFFF0000, v9  }
0x1fb: {  	v63 =	vmul.f32 v9, v15;
	v10 =	vadd.f32 v10, v62  }
0x1fc: {  	s15 =	sadd.s32 $0x4, s7  }
0x1fd: {  	v12 =	vadd.f32 v63, v10;
	v10 =	vor.u32 s15, v0;
	_ =	sdelay $0x1  }
0x1fe: {  	s16 =	simm.s32 $0x40;
	s17 =	simm.s32 $0x80;
	v11 =	vmul.f32 v12, v11  }
.LBB2_18:
0x1ff: {  	p0 =	sne.s32 s17, $0x27C0;
	s18 =	smov.u32 s17;
	s17 =	sadd.s32 $0x40, s17  }
0x200: {  	[tilespmem:s13+$0x11940] =	vst v11  }
0x201: {  	s13 =	sshra.s32 s16, $0x2;
	s16 =	smov.u32 s18;
	v11 =	vld.idx.msk [tilespmem:v10+s12+$0x0], $0xffff  }
0x202: {  	v10 =	vld [tilespmem:s13+$0x12340];
	_ =	sdelay $0x4  }
0x203: {  	v10 =	vmul.f32 v11, v10;
	_ =	sdelay $0x1  }
0x204: {  	v10 =	vadd.f32 v10, v1;
	_ =	sdelay $0x1  }
0x205: {  	v10 =	vmax.f32 v10, $-1.500000000e+01  }
0x206: {  	v10 =	vmin.f32 v10, $1.500000000e+01  }
0x207: {  	v10 =	vadd.f32 v10, v10;
	_ =	sdelay $0x1  }
0x208: {  	v10 =	vmul.f32 $1.442695020e+00, v10;
	_ =	sdelay $0x1  }
0x209: {  	(erf) = vpow2.f32 v10;
	_ =	sdelay $0x8  }
0x20a: {  	v10 =	vpop (erf)  }
0x20b: {  	v10 =	vadd.f32 $1.000000000e+00, v10;
	_ =	sdelay $0x1  }
0x20c: {  	(erf) = vrcp.f32 v10;
	_ =	sdelay $0x8  }
0x20d: {  	v10 =	vpop (erf)  }
0x20e: {  	v10 =	vadd.f32 v10, v10;
	_ =	sdelay $0x1  }
0x20f: {  	v10 =	vsub.f32 $1.000000000e+00, v10;
	_ =	sdelay $0x1  }
0x210: {  	v12 =	vshrl.u32 v10, $0x10  }
0x211: {  	v12 =	vand.u32 $0x1, v12  }
0x212: {  	v10 =	vadd.s32 v12, v10  }
0x213: {  	v10 =	vadd.s32 $0x7FFF, v10  }
0x214: {  	v10 =	vand.u32 $0xFFFF0000, v10  }
0x215: {  	[tilespmem:$0x17EB0] =	vst v10  }
0x216: {  	v10 =	vld.idx.msk [tilespmem:v2+s14+$0x0], $0xffff  }
0x217: {  	v12 =	vld.idx.msk [tilespmem:v3+s14+$0x0], $0xffff  }
0x218: {  	v13 =	vld.idx.msk [tilespmem:v4+s14+$0x0], $0xffff;
	_ =	sdelay $0x1  }
0x219: {  	v14 =	vld.idx.msk [tilespmem:v5+s14+$0x0], $0xffff;
	_ =	sdelay $0x1  }
0x21a: {  	v10 =	vmul.f32 v6, v10  }
0x21b: {  	v12 =	vmul.f32 v7, v12  }
0x21c: {  	v13 =	vmul.f32 v8, v13  }
0x21d: {  	v10 =	vadd.f32 v12, v10  }
0x21e: {  	v12 =	vmul.f32 v9, v14  }
.Ltmp10:
0x21f: {  	v13 =	vadd.f32 v13, v10;
	(pc) =	sbr.rel @p0 .LBB2_18-.Ltmp10, $3  }
0x220: {  	s15 =	sadd.s32 $0x4, s15  }
0x221: {  	v10 =	vor.u32 s15, v0;
	v12 =	vadd.f32 v12, v13;
	_ =	sdelay $0x1  }
0x222: {  	v11 =	vmul.f32 v12, v11  }
0x223: {  	_ =	sdelay $0x2  }
0x224: {  	[tilespmem:s13+$0x11940] =	vst v11  }
0x225: {  	s30 =	sshra.s32 s16, $0x2;
	v0 =	vld.idx.msk [tilespmem:v10+s12+$0x0], $0xffff  }
0x226: {  	v58 =	vld [tilespmem:s30+$0x12340];
	_ =	sdelay $0x4  }
0x227: {  	v10 =	vmul.f32 v0, v58;
	_ =	sdelay $0x1  }
0x228: {  	v1 =	vadd.f32 v10, v1;
	_ =	sdelay $0x1  }
0x229: {  	v1 =	vmax.f32 v1, $-1.500000000e+01  }
0x22a: {  	v1 =	vmin.f32 v1, $1.500000000e+01  }
0x22b: {  	v1 =	vadd.f32 v1, v1;
	_ =	sdelay $0x1  }
0x22c: {  	v1 =	vmul.f32 $1.442695020e+00, v1;
	_ =	sdelay $0x1  }
0x22d: {  	(erf) = vpow2.f32 v1;
	_ =	sdelay $0x8  }
0x22e: {  	v1 =	vpop (erf)  }
0x22f: {  	v1 =	vadd.f32 $1.000000000e+00, v1;
	_ =	sdelay $0x1  }
0x230: {  	(erf) = vrcp.f32 v1;
	_ =	sdelay $0x8  }
0x231: {  	v1 =	vpop (erf)  }
0x232: {  	v1 =	vadd.f32 v1, v1;
	_ =	sdelay $0x1  }
0x233: {  	v1 =	vsub.f32 $1.000000000e+00, v1;
	_ =	sdelay $0x1  }
0x234: {  	v59 =	vshrl.u32 v1, $0x10  }
0x235: {  	v10 =	vand.u32 $0x1, v59  }
0x236: {  	v1 =	vadd.s32 v10, v1  }
0x237: {  	v1 =	vadd.s32 $0x7FFF, v1  }
0x238: {  	v1 =	vand.u32 $0xFFFF0000, v1  }
0x239: {  	[tilespmem:$0x17EB0] =	vst v1  }
0x23a: {  	v1 =	vld.idx.msk [tilespmem:v2+s14+$0x0], $0xffff  }
0x23b: {  	v60 =	vld.idx.msk [tilespmem:v3+s14+$0x0], $0xffff;
	_ =	sdelay $0x1  }
0x23c: {  	v61 =	vld.idx.msk [tilespmem:v4+s14+$0x0], $0xffff;
	_ =	sdelay $0x1  }
0x23d: {  	v62 =	vld.idx.msk [tilespmem:v5+s14+$0x0], $0xffff  }
0x23e: {  	v1 =	vmul.f32 v6, v1;
	v2 =	vmul.f32 v7, v60;
	_ =	sdelay $0x1  }
0x23f: {  	v3 =	vmul.f32 v8, v61;
	v1 =	vadd.f32 v2, v1;
	_ =	sdelay $0x1  }
0x240: {  	v63 =	vmul.f32 v9, v62;
	v1 =	vadd.f32 v3, v1;
	_ =	sdelay $0x1  }
0x241: {  	v1 =	vadd.f32 v63, v1;
	_ =	sdelay $0x1  }
0x242: {  	v0 =	vmul.f32 v1, v0;
	_ =	sdelay $0x1  }
0x243: {  	s31 =	simm.s32 $0x11940;
	s12 =	simm.s32 $0x1;
	[tilespmem:s30+$0x11940] =	vst v0  }
0x244: {  	[spmem:s10] =	stream.linear.scatter [tilespmem:s31], [sflag:$0x1], $0xA00, $0x38;
	[tilespmem:$0x17EC0] =	vst v63  }
0x245: {  	_ =	swait.ge [sflag:s12], $0xA00  }
0x246: {  	[sflag:s12] =	ssyncset.done $0x0  }
0x247: {  	[sflag:s12] =	ssyncadd.s32 $0xFFFFF600  }
0x248: {  	[spmem:s11] =	stream.linear.scatter [tilespmem:s31], [sflag:$0x1], $0xA00, $0x38;
	[tilespmem:$0x17EC0] =	vst v63  }
0x249: {  	s15 =	simm.s32 $0x2620;
	s16 =	simm.s32 $0x3E80;
	_ =	swait.ge [sflag:s12], $0xA00  }
0x24a: {  	s17 =	simm.s32 $0x35C0;
	s18 =	simm.s32 $0xB2C0;
	[sflag:s12] =	ssyncset.done $0x0  }
0x24b: {  	s19 =	simm.s32 $0x7440;
	s20 =	simm.s32 $0x0;
	[sflag:s12] =	ssyncadd.s32 $0xFFFFF600  }
0x24c: {  	s13 =	simm.s32 $0x0;
	s14 =	simm.s32 $0x1680;
	[bflag:$0x0] =	sbarrier.arrive $0xFFFF  }
.LBB2_20:
0x24d: {  	s21 =	smul.u32 $0xFA0, s20;
	_ =	sdelay $0x1  }
0x24e: {  	s21 =	sadd.s32 s8, s21  }
0x24f: {  	s21 =	sshrl.u32 s21, $0x3  }
0x250: {  	s21 =	sadd.s32 s6, s21  }
0x251: {  	[tilespmem:s14], [sflag:$0x1] =	stream.linear.gather [hbm4b:s21+s13], $0xFA0, $0x38;
	[tilespmem:$0x17EC0] =	vst v63  }
0x252: {  	_ =	swait.ge [sflag:s12], $0xFA0  }
0x253: {  	[sflag:s12] =	ssyncset.done $0x0  }
0x254: {  	s21 =	sadd.s32 $0x9C40, s21;
	[sflag:s12] =	ssyncadd.s32 $0xFFFFF060  }
0x255: {  	[tilespmem:s15], [sflag:$0x1] =	stream.linear.gather [hbm4b:s21+s13], $0xFA0, $0x38;
	[tilespmem:$0x17EC0] =	vst v63  }
0x256: {  	_ =	swait.ge [sflag:s12], $0xFA0  }
0x257: {  	[sflag:s12] =	ssyncset.done $0x0  }
0x258: {  	s22 =	simm.s32 $0x0;
	[sflag:s12] =	ssyncadd.s32 $0xFFFFF060  }
0x259: {  	v0 =	vld [tilespmem:s22+$0x2620]  }
0x25a: {  	v2 =	vld [tilespmem:s22+$0x1680];
	_ =	sdelay $0x3  }
0x25b: {  	v1 =	vshll.u32 v0, $0x2  }
0x25c: {  	v0 =	vshll.u32 v2, $0x2;
	[tilespmem:s22+$0x7440] =	vst v1;
	v2 =	vor.u32 $0x1, v1;
	v6 =	vor.u32 $0x3, v1  }
0x25d: {  	s23 =	simm.s32 $0x80;
	s21 =	simm.s32 $0x10;
	v5 =	vor.u32 $0x1, v0;
	v4 =	vor.u32 $0x2, v0;
	v3 =	vor.u32 $0x3, v0;
	[tilespmem:s22+$0xA320] =	vst v6  }
.LBB2_21:
0x25e: {  	p0 =	sne.s32 s23, $0x3E40;
	v6 =	vld [tilespmem:s21+$0x2620];
	[tilespmem:s22+$0x4560] =	vst v5;
	v1 =	vor.u32 $0x2, v1  }
0x25f: {  	v5 =	vld [tilespmem:s21+$0x1680];
	[tilespmem:s22+$0x5500] =	vst v4  }
0x260: {  	[tilespmem:s22+$0x64A0] =	vst v3  }
.Ltmp11:
0x261: {  	[tilespmem:s22+$0x83E0] =	vst v2;
	(pc) =	sbr.rel @p0 .LBB2_21-.Ltmp11, $4  }
0x262: {  	[tilespmem:s22+$0x9380] =	vst v1  }
0x263: {  	v1 =	vshll.u32 v6, $0x2;
	[tilespmem:s22+$0x35C0] =	vst v0;
	s22 =	smov.u32 s21  }
0x264: {  	v0 =	vshll.u32 v5, $0x2;
	[tilespmem:s22+$0x7440] =	vst v1;
	v2 =	vor.u32 $0x1, v1;
	v6 =	vor.u32 $0x3, v1  }
0x265: {  	s21 =	sshra.s32 s23, $0x2;
	s23 =	sadd.s32 $0x40, s23;
	v5 =	vor.u32 $0x1, v0;
	v4 =	vor.u32 $0x2, v0;
	v3 =	vor.u32 $0x3, v0;
	[tilespmem:s22+$0xA320] =	vst v6  }
0x266: {  	v6 =	vld [tilespmem:s21+$0x2620];
	[tilespmem:s22+$0x4560] =	vst v5  }
0x267: {  	v5 =	vld [tilespmem:s21+$0x1680];
	[tilespmem:s22+$0x5500] =	vst v4  }
0x268: {  	[tilespmem:s22+$0x64A0] =	vst v3  }
0x269: {  	v1 =	vor.u32 $0x2, v1;
	[tilespmem:s22+$0x83E0] =	vst v2  }
0x26a: {  	[tilespmem:s22+$0x9380] =	vst v1  }
0x26b: {  	[tilespmem:s22+$0x35C0] =	vst v0;
	v57 =	vshll.u32 v6, $0x2  }
0x26c: {  	[tilespmem:s21+$0x7440] =	vst v57;
	v59 =	vor.u32 $0x3, v57  }
0x26d: {  	v63 =	vor.u32 $0x1, v57;
	[tilespmem:s21+$0xA320] =	vst v59  }
0x26e: {  	v1 =	vor.u32 $0x2, v57;
	[tilespmem:s21+$0x83E0] =	vst v63  }
0x26f: {  	v58 =	vshll.u32 v5, $0x2;
	[tilespmem:s21+$0x9380] =	vst v1  }
0x270: {  	v60 =	vor.u32 $0x1, v58;
	[tilespmem:s21+$0x35C0] =	vst v58  }
0x271: {  	v61 =	vor.u32 $0x2, v58;
	[tilespmem:s21+$0x4560] =	vst v60  }
0x272: {  	v62 =	vor.u32 $0x3, v58;
	[tilespmem:s21+$0x5500] =	vst v61  }
0x273: {  	[tilespmem:s21+$0x64A0] =	vst v62  }
0x274: {  	[tilespmem:s18], [sflag:$0x1] =	stream.indirect.gather [spmem:s4], $0x1, s17, s16, $0xb8;
	[tilespmem:$0x17EC0] =	vst v63  }
0x275: {  	s20 =	sadd.s32 $0x1, s20;
	_ =	swait.ge [sflag:s12], $0x3E80  }
0x276: {  	p0 =	sne.s32 s20, $0x5;
	[sflag:s12] =	ssyncset.done $0x0  }
.Ltmp12:
0x277: {  	[sflag:s12] =	ssyncadd.s32 $0xFFFFC180;
	(pc) =	sbr.rel @p0 .LBB2_20-.Ltmp12, $4  }
0x278: {  	[spmem:s5] =	stream.indirect.scatter.add.f32 [tilespmem:s18], [sflag:$0x1], $0x1, s19, s16, $0xb8;
	[tilespmem:$0x17EC0] =	vst v63  }
0x279: {  	_ =	swait.ge [sflag:s12], $0x3E80  }
0x27a: {  	[sflag:s12] =	ssyncset.done $0x0  }
0x27b: {  	[sflag:s12] =	ssyncadd.s32 $0xFFFFC180  }
0x27c: {  	v2 =	vlaneseq.u32  }
0x27d: {  	[bflag:$0x0] =	sbarrier.arrive $0xFFFF;
	s12 =	simm.s32 $0x12340;
	s30 =	simm.s32 $0x1;
	v0 =	vshrl.u32 v2, $0x2  }
0x27e: {  	[tilespmem:s12], [sflag:$0x1] =	stream.linear.gather [spmem:s10], $0xA00, $0x38;
	v1 =	vor.u32 s7, v0;
	[tilespmem:$0x17EC0] =	vst v63  }
0x27f: {  	_ =	swait.ge [sflag:s30], $0xA00  }
0x280: {  	v3 =	vand.u32 $0x3, v2;
	[sflag:s30] =	ssyncset.done $0x0  }
0x281: {  	s13 =	simm.s32 $0x0;
	[sflag:s30] =	ssyncadd.s32 $0xFFFFF600  }
0x282: {  	s12 =	simm.s32 $0xF140;
	v4 =	vld [tilespmem:s13+$0x12340]  }
0x283: {  	v11 =	vld.idx.msk [tilespmem:v1+s12+$0x0], $0xffff  }
0x284: {  	s14 =	simm.s32 $0x17E98  }
0x285: {  	v1 =	vld.idx.msk [tilespmem:v3+s14+$0x0], $0xffff;
	_ =	sdelay $0x2  }
0x286: {  	v3 =	vmul.f32 v11, v4;
	_ =	sdelay $0x1  }
0x287: {  	v3 =	vadd.f32 v3, v1;
	_ =	sdelay $0x1  }
0x288: {  	v3 =	vmax.f32 v3, $-1.500000000e+01  }
0x289: {  	v3 =	vmin.f32 v3, $1.500000000e+01  }
0x28a: {  	v3 =	vadd.f32 v3, v3;
	_ =	sdelay $0x1  }
0x28b: {  	v3 =	vmul.f32 $1.442695020e+00, v3;
	_ =	sdelay $0x1  }
0x28c: {  	(erf) = vpow2.f32 v3;
	_ =	sdelay $0x8  }
0x28d: {  	v3 =	vpop (erf)  }
0x28e: {  	v3 =	vadd.f32 $1.000000000e+00, v3;
	_ =	sdelay $0x1  }
0x28f: {  	(erf) = vrcp.f32 v3;
	_ =	sdelay $0x7  }
0x290: {  	v2 =	vand.u32 $0x1, v2  }
0x291: {  	v3 =	vor.u32 $0x8, v2;
	v4 =	vpop (erf)  }
0x292: {  	v5 =	vor.u32 $0x10, v2;
	v4 =	vadd.f32 v4, v4  }
0x293: {  	v6 =	vor.u32 $0x18, v2  }
0x294: {  	v7 =	vimm.f32 $0.0e+00;
	s31 =	simm.s32 $0x17E60;
	v4 =	vsub.f32 $1.000000000e+00, v4  }
0x295: {  	vm0 =	vcmask $0x700;
	vm1 =	vcmask $0x1710;
	vm2 =	vcmask $0x2720;
	v8 =	vld.idx.msk [tilespmem:v2+s31+$0x0], $0xffff  }
0x296: {  	v7 =	vsel vm0, $0x3F800000, v7;
	v2 =	vmul.u32 $0x4, v0;
	v9 =	vld.idx.msk [tilespmem:v3+s31+$0x0], $0xffff;
	v3 =	vshrl.u32 v4, $0x10  }
0x297: {  	vm3 =	vcmask $0x3730;
	v7 =	vsel vm1, $0x3F800000, v7;
	v5 =	vld.idx.msk [tilespmem:v5+s31+$0x0], $0xffff;
	v10 =	vand.u32 $0x1, v3  }
0x298: {  	v7 =	vsel vm2, $0x3F800000, v7;
	v6 =	vld.idx.msk [tilespmem:v6+s31+$0x0], $0xffff;
	v3 =	vor.u32 $0x1, v2;
	v4 =	vadd.s32 v10, v4  }
0x299: {  	v7 =	vsel vm3, $0x3F800000, v7;
	v10 =	vadd.s32 $0x7FFF, v4  }
0x29a: {  	v8 =	vmul.f32 v7, v8;
	v4 =	vor.u32 $0x2, v2;
	v10 =	vand.u32 $0xFFFF0000, v10  }
0x29b: {  	s14 =	simm.s32 $0x17EB0;
	v9 =	vmul.f32 v7, v9;
	[tilespmem:$0x17EB0] =	vst v10  }
0x29c: {  	v12 =	vshrl.u32 v8, $0x10;
	v10 =	vmul.f32 v7, v5;
	v5 =	vor.u32 $0x3, v2;
	v13 =	vld.idx.msk [tilespmem:v2+s14+$0x0], $0xffff  }
0x29d: {  	v14 =	vmul.f32 v7, v6;
	v6 =	vand.u32 $0x1, v12;
	v7 =	vshrl.u32 v9, $0x10;
	v62 =	vld.idx.msk [tilespmem:v3+s14+$0x0], $0xffff  }
0x29e: {  	v6 =	vadd.s32 v6, v8;
	v7 =	vand.u32 $0x1, v7;
	v8 =	vshrl.u32 v10, $0x10  }
0x29f: {  	v6 =	vadd.s32 $0x7FFF, v6;
	v7 =	vadd.s32 v7, v9;
	v8 =	vand.u32 $0x1, v8;
	v9 =	vld.idx.msk [tilespmem:v4+s14+$0x0], $0xffff  }
0x2a0: {  	v6 =	vand.u32 $0xFFFF0000, v6;
	v7 =	vadd.s32 $0x7FFF, v7;
	v8 =	vadd.s32 v8, v10  }
0x2a1: {  	v7 =	vand.u32 $0xFFFF0000, v7;
	v10 =	vshrl.u32 v14, $0x10;
	v8 =	vadd.s32 $0x7FFF, v8;
	v15 =	vld.idx.msk [tilespmem:v5+s14+$0x0], $0xffff  }
0x2a2: {  	v10 =	vand.u32 $0x1, v10;
	v13 =	vmul.f32 v6, v13;
	v12 =	vmul.f32 v7, v62  }
0x2a3: {  	v10 =	vadd.s32 v10, v14;
	v8 =	vand.u32 $0xFFFF0000, v8  }
0x2a4: {  	v10 =	vadd.s32 $0x7FFF, v10;
	v63 =	vmul.f32 v8, v9;
	v12 =	vadd.f32 v12, v13  }
0x2a5: {  	v9 =	vand.u32 $0xFFFF0000, v10  }
0x2a6: {  	v10 =	vmul.f32 v9, v15;
	v12 =	vadd.f32 v63, v12  }
0x2a7: {  	s15 =	sadd.s32 $0x4, s7  }
0x2a8: {  	v12 =	vadd.f32 v10, v12;
	v10 =	vor.u32 s15, v0;
	_ =	sdelay $0x1  }
0x2a9: {  	s16 =	simm.s32 $0x40;
	s17 =	simm.s32 $0x80;
	v11 =	vmul.f32 v12, v11  }
.LBB2_24:
0x2aa: {  	p0 =	sne.s32 s17, $0x27C0;
	s18 =	smov.u32 s17;
	s17 =	sadd.s32 $0x40, s17  }
0x2ab: {  	[tilespmem:s13+$0x11940] =	vst v11  }
0x2ac: {  	s13 =	sshra.s32 s16, $0x2;
	s16 =	smov.u32 s18;
	v11 =	vld.idx.msk [tilespmem:v10+s12+$0x0], $0xffff  }
0x2ad: {  	v10 =	vld [tilespmem:s13+$0x12340];
	_ =	sdelay $0x4  }
0x2ae: {  	v10 =	vmul.f32 v11, v10;
	_ =	sdelay $0x1  }
0x2af: {  	v10 =	vadd.f32 v10, v1;
	_ =	sdelay $0x1  }
0x2b0: {  	v10 =	vmax.f32 v10, $-1.500000000e+01  }
0x2b1: {  	v10 =	vmin.f32 v10, $1.500000000e+01  }
0x2b2: {  	v10 =	vadd.f32 v10, v10;
	_ =	sdelay $0x1  }
0x2b3: {  	v10 =	vmul.f32 $1.442695020e+00, v10;
	_ =	sdelay $0x1  }
0x2b4: {  	(erf) = vpow2.f32 v10;
	_ =	sdelay $0x8  }
0x2b5: {  	v10 =	vpop (erf)  }
0x2b6: {  	v10 =	vadd.f32 $1.000000000e+00, v10;
	_ =	sdelay $0x1  }
0x2b7: {  	(erf) = vrcp.f32 v10;
	_ =	sdelay $0x8  }
0x2b8: {  	v10 =	vpop (erf)  }
0x2b9: {  	v10 =	vadd.f32 v10, v10;
	_ =	sdelay $0x1  }
0x2ba: {  	v10 =	vsub.f32 $1.000000000e+00, v10;
	_ =	sdelay $0x1  }
0x2bb: {  	v12 =	vshrl.u32 v10, $0x10  }
0x2bc: {  	v12 =	vand.u32 $0x1, v12  }
0x2bd: {  	v10 =	vadd.s32 v12, v10  }
0x2be: {  	v10 =	vadd.s32 $0x7FFF, v10  }
0x2bf: {  	v10 =	vand.u32 $0xFFFF0000, v10  }
0x2c0: {  	[tilespmem:$0x17EB0] =	vst v10  }
0x2c1: {  	v10 =	vld.idx.msk [tilespmem:v2+s14+$0x0], $0xffff  }
0x2c2: {  	v12 =	vld.idx.msk [tilespmem:v3+s14+$0x0], $0xffff  }
0x2c3: {  	v13 =	vld.idx.msk [tilespmem:v4+s14+$0x0], $0xffff;
	_ =	sdelay $0x1  }
0x2c4: {  	v14 =	vld.idx.msk [tilespmem:v5+s14+$0x0], $0xffff;
	_ =	sdelay $0x1  }
0x2c5: {  	v10 =	vmul.f32 v6, v10  }
0x2c6: {  	v12 =	vmul.f32 v7, v12  }
0x2c7: {  	v13 =	vmul.f32 v8, v13  }
0x2c8: {  	v10 =	vadd.f32 v12, v10  }
0x2c9: {  	v12 =	vmul.f32 v9, v14  }
.Ltmp13:
0x2ca: {  	v13 =	vadd.f32 v13, v10;
	(pc) =	sbr.rel @p0 .LBB2_24-.Ltmp13, $3  }
0x2cb: {  	s15 =	sadd.s32 $0x4, s15  }
0x2cc: {  	v10 =	vor.u32 s15, v0;
	v12 =	vadd.f32 v12, v13;
	_ =	sdelay $0x1  }
0x2cd: {  	v11 =	vmul.f32 v12, v11  }
0x2ce: {  	_ =	sdelay $0x2  }
0x2cf: {  	[tilespmem:s13+$0x11940] =	vst v11  }
0x2d0: {  	s30 =	sshra.s32 s16, $0x2;
	v0 =	vld.idx.msk [tilespmem:v10+s12+$0x0], $0xffff  }
0x2d1: {  	v58 =	vld [tilespmem:s30+$0x12340];
	_ =	sdelay $0x4  }
0x2d2: {  	v10 =	vmul.f32 v0, v58;
	_ =	sdelay $0x1  }
0x2d3: {  	v1 =	vadd.f32 v10, v1;
	_ =	sdelay $0x1  }
0x2d4: {  	v1 =	vmax.f32 v1, $-1.500000000e+01  }
0x2d5: {  	v1 =	vmin.f32 v1, $1.500000000e+01  }
0x2d6: {  	v1 =	vadd.f32 v1, v1;
	_ =	sdelay $0x1  }
0x2d7: {  	v1 =	vmul.f32 $1.442695020e+00, v1;
	_ =	sdelay $0x1  }
0x2d8: {  	(erf) = vpow2.f32 v1;
	_ =	sdelay $0x8  }
0x2d9: {  	v1 =	vpop (erf)  }
0x2da: {  	v1 =	vadd.f32 $1.000000000e+00, v1;
	_ =	sdelay $0x1  }
0x2db: {  	(erf) = vrcp.f32 v1;
	_ =	sdelay $0x8  }
0x2dc: {  	v1 =	vpop (erf)  }
0x2dd: {  	v1 =	vadd.f32 v1, v1;
	_ =	sdelay $0x1  }
0x2de: {  	v1 =	vsub.f32 $1.000000000e+00, v1;
	_ =	sdelay $0x1  }
0x2df: {  	v59 =	vshrl.u32 v1, $0x10  }
0x2e0: {  	v10 =	vand.u32 $0x1, v59  }
0x2e1: {  	v1 =	vadd.s32 v10, v1  }
0x2e2: {  	v1 =	vadd.s32 $0x7FFF, v1  }
0x2e3: {  	v1 =	vand.u32 $0xFFFF0000, v1  }
0x2e4: {  	[tilespmem:$0x17EB0] =	vst v1  }
0x2e5: {  	v1 =	vld.idx.msk [tilespmem:v2+s14+$0x0], $0xffff  }
0x2e6: {  	v60 =	vld.idx.msk [tilespmem:v3+s14+$0x0], $0xffff;
	_ =	sdelay $0x1  }
0x2e7: {  	v61 =	vld.idx.msk [tilespmem:v4+s14+$0x0], $0xffff;
	_ =	sdelay $0x1  }
0x2e8: {  	v62 =	vld.idx.msk [tilespmem:v5+s14+$0x0], $0xffff  }
0x2e9: {  	v1 =	vmul.f32 v6, v1;
	v2 =	vmul.f32 v7, v60;
	_ =	sdelay $0x1  }
0x2ea: {  	v3 =	vmul.f32 v8, v61;
	v1 =	vadd.f32 v2, v1;
	_ =	sdelay $0x1  }
0x2eb: {  	v63 =	vmul.f32 v9, v62;
	v1 =	vadd.f32 v3, v1;
	_ =	sdelay $0x1  }
0x2ec: {  	v1 =	vadd.f32 v63, v1;
	_ =	sdelay $0x1  }
0x2ed: {  	v0 =	vmul.f32 v1, v0;
	_ =	sdelay $0x1  }
0x2ee: {  	s31 =	simm.s32 $0x11940;
	s12 =	simm.s32 $0x1;
	[tilespmem:s30+$0x11940] =	vst v0  }
0x2ef: {  	[spmem:s10] =	stream.linear.scatter [tilespmem:s31], [sflag:$0x1], $0xA00, $0x38;
	[tilespmem:$0x17EC0] =	vst v63  }
0x2f0: {  	_ =	swait.ge [sflag:s12], $0xA00  }
0x2f1: {  	[sflag:s12] =	ssyncset.done $0x0  }
0x2f2: {  	[sflag:s12] =	ssyncadd.s32 $0xFFFFF600  }
0x2f3: {  	[spmem:s11] =	stream.linear.scatter [tilespmem:s31], [sflag:$0x1], $0xA00, $0x38;
	[tilespmem:$0x17EC0] =	vst v63  }
0x2f4: {  	s15 =	simm.s32 $0x3E80;
	s16 =	simm.s32 $0x35C0;
	_ =	swait.ge [sflag:s12], $0xA00  }
0x2f5: {  	s17 =	simm.s32 $0xB2C0;
	s18 =	simm.s32 $0x7440;
	[sflag:s12] =	ssyncset.done $0x0  }
0x2f6: {  	s19 =	simm.s32 $0x0;
	s13 =	simm.s32 $0x1680;
	[sflag:s12] =	ssyncadd.s32 $0xFFFFF600  }
0x2f7: {  	s14 =	simm.s32 $0x2620;
	s11 =	simm.s32 $0x0;
	[bflag:$0x0] =	sbarrier.arrive $0xFFFF  }
.LBB2_26:
0x2f8: {  	s20 =	smul.u32 $0xFA0, s19;
	_ =	sdelay $0x1  }
0x2f9: {  	s20 =	sadd.s32 s8, s20  }
0x2fa: {  	s20 =	sshrl.u32 s20, $0x3  }
0x2fb: {  	s20 =	sadd.s32 s6, s20  }
0x2fc: {  	[tilespmem:s13], [sflag:$0x1] =	stream.linear.gather [hbm4b:s20+s11], $0xFA0, $0x38;
	[tilespmem:$0x17EC0] =	vst v63  }
0x2fd: {  	_ =	swait.ge [sflag:s12], $0xFA0  }
0x2fe: {  	[sflag:s12] =	ssyncset.done $0x0  }
0x2ff: {  	s20 =	sadd.s32 $0x9C40, s20;
	[sflag:s12] =	ssyncadd.s32 $0xFFFFF060  }
0x300: {  	[tilespmem:s14], [sflag:$0x1] =	stream.linear.gather [hbm4b:s20+s11], $0xFA0, $0x38;
	[tilespmem:$0x17EC0] =	vst v63  }
0x301: {  	_ =	swait.ge [sflag:s12], $0xFA0  }
0x302: {  	[sflag:s12] =	ssyncset.done $0x0  }
0x303: {  	s21 =	simm.s32 $0x0;
	[sflag:s12] =	ssyncadd.s32 $0xFFFFF060  }
0x304: {  	v0 =	vld [tilespmem:s21+$0x2620]  }
0x305: {  	v2 =	vld [tilespmem:s21+$0x1680];
	_ =	sdelay $0x3  }
0x306: {  	v1 =	vshll.u32 v0, $0x2  }
0x307: {  	v0 =	vshll.u32 v2, $0x2;
	[tilespmem:s21+$0x7440] =	vst v1;
	v2 =	vor.u32 $0x1, v1;
	v6 =	vor.u32 $0x3, v1  }
0x308: {  	s22 =	simm.s32 $0x80;
	s20 =	simm.s32 $0x10;
	v5 =	vor.u32 $0x1, v0;
	v4 =	vor.u32 $0x2, v0;
	v3 =	vor.u32 $0x3, v0;
	[tilespmem:s21+$0xA320] =	vst v6  }
.LBB2_27:
0x309: {  	p0 =	sne.s32 s22, $0x3E40;
	v6 =	vld [tilespmem:s20+$0x2620];
	[tilespmem:s21+$0x4560] =	vst v5;
	v1 =	vor.u32 $0x2, v1  }
0x30a: {  	v5 =	vld [tilespmem:s20+$0x1680];
	[tilespmem:s21+$0x5500] =	vst v4  }
0x30b: {  	[tilespmem:s21+$0x64A0] =	vst v3  }
.Ltmp14:
0x30c: {  	[tilespmem:s21+$0x83E0] =	vst v2;
	(pc) =	sbr.rel @p0 .LBB2_27-.Ltmp14, $4  }
0x30d: {  	[tilespmem:s21+$0x9380] =	vst v1  }
0x30e: {  	v1 =	vshll.u32 v6, $0x2;
	[tilespmem:s21+$0x35C0] =	vst v0;
	s21 =	smov.u32 s20  }
0x30f: {  	v0 =	vshll.u32 v5, $0x2;
	[tilespmem:s21+$0x7440] =	vst v1;
	v2 =	vor.u32 $0x1, v1;
	v6 =	vor.u32 $0x3, v1  }
0x310: {  	s20 =	sshra.s32 s22, $0x2;
	s22 =	sadd.s32 $0x40, s22;
	v5 =	vor.u32 $0x1, v0;
	v4 =	vor.u32 $0x2, v0;
	v3 =	vor.u32 $0x3, v0;
	[tilespmem:s21+$0xA320] =	vst v6  }
0x311: {  	v6 =	vld [tilespmem:s20+$0x2620];
	[tilespmem:s21+$0x4560] =	vst v5  }
0x312: {  	v5 =	vld [tilespmem:s20+$0x1680];
	[tilespmem:s21+$0x5500] =	vst v4  }
0x313: {  	[tilespmem:s21+$0x64A0] =	vst v3  }
0x314: {  	v1 =	vor.u32 $0x2, v1;
	[tilespmem:s21+$0x83E0] =	vst v2  }
0x315: {  	[tilespmem:s21+$0x9380] =	vst v1  }
0x316: {  	[tilespmem:s21+$0x35C0] =	vst v0;
	v57 =	vshll.u32 v6, $0x2  }
0x317: {  	[tilespmem:s20+$0x7440] =	vst v57;
	v59 =	vor.u32 $0x3, v57  }
0x318: {  	v63 =	vor.u32 $0x1, v57;
	[tilespmem:s20+$0xA320] =	vst v59  }
0x319: {  	v1 =	vor.u32 $0x2, v57;
	[tilespmem:s20+$0x83E0] =	vst v63  }
0x31a: {  	v58 =	vshll.u32 v5, $0x2;
	[tilespmem:s20+$0x9380] =	vst v1  }
0x31b: {  	v60 =	vor.u32 $0x1, v58;
	[tilespmem:s20+$0x35C0] =	vst v58  }
0x31c: {  	v61 =	vor.u32 $0x2, v58;
	[tilespmem:s20+$0x4560] =	vst v60  }
0x31d: {  	v62 =	vor.u32 $0x3, v58;
	[tilespmem:s20+$0x5500] =	vst v61  }
0x31e: {  	[tilespmem:s20+$0x64A0] =	vst v62  }
0x31f: {  	[tilespmem:s17], [sflag:$0x1] =	stream.indirect.gather [spmem:s4], $0x1, s16, s15, $0xb8;
	[tilespmem:$0x17EC0] =	vst v63  }
0x320: {  	s19 =	sadd.s32 $0x1, s19;
	_ =	swait.ge [sflag:s12], $0x3E80  }
0x321: {  	p0 =	sne.s32 s19, $0x5;
	[sflag:s12] =	ssyncset.done $0x0  }
.Ltmp15:
0x322: {  	[sflag:s12] =	ssyncadd.s32 $0xFFFFC180;
	(pc) =	sbr.rel @p0 .LBB2_26-.Ltmp15, $4  }
0x323: {  	[spmem:s5] =	stream.indirect.scatter.add.f32 [tilespmem:s17], [sflag:$0x1], $0x1, s18, s15, $0xb8;
	[tilespmem:$0x17EC0] =	vst v63  }
0x324: {  	_ =	swait.ge [sflag:s12], $0x3E80  }
0x325: {  	[sflag:s12] =	ssyncset.done $0x0  }
0x326: {  	[sflag:s12] =	ssyncadd.s32 $0xFFFFC180  }
0x327: {  	[bflag:$0x0] =	sbarrier.arrive $0xFFFF  }
0x328: {  	s4 =	simm.s32 $0x12340;
	v2 =	vlaneseq.u32;
	s5 =	sadd.s32 $0x0, s7;
	s6 =	simm.s32 $0x1  }
0x329: {  	[tilespmem:s4], [sflag:$0x1] =	stream.linear.gather [spmem:s10], $0xA00, $0x38;
	v0 =	vand.u32 $0x1, v2;
	v1 =	vshrl.u32 v2, $0x2;
	[tilespmem:$0x17EC0] =	vst v63  }
0x32a: {  	v3 =	vor.u32 s5, v1;
	_ =	swait.ge [sflag:s6], $0xA00  }
0x32b: {  	[sflag:s6] =	ssyncset.done $0x0  }
0x32c: {  	[sflag:s6] =	ssyncadd.s32 $0xFFFFF600  }
0x32d: {  	s29 =	simm.s32 $0x17EA0;
	v6 =	vld [tilespmem:s4+$0x0]  }
0x32e: {  	s5 =	simm.s32 $0xF140;
	v4 =	vld.idx.msk [tilespmem:v0+s29+$0x0], $0xffff  }
0x32f: {  	v5 =	vimm.f32 $0.0e+00;
	v3 =	vld.idx.msk [tilespmem:v3+s5+$0x0], $0xffff  }
0x330: {  	v5 =	vsel vm0, $0x3F800000, v5  }
0x331: {  	v5 =	vsel vm1, $0x3F800000, v5  }
0x332: {  	v5 =	vsel vm2, $0x3F800000, v5  }
0x333: {  	v5 =	vsel vm3, $0x3F800000, v5  }
0x334: {  	v2 =	vand.u32 $0x3, v2;
	v4 =	vmul.f32 v5, v4;
	v3 =	vmul.f32 v3, v6  }
0x335: {  	v5 =	vor.u32 $0x8, v2  }
0x336: {  	v9 =	vadd.f32 v3, v4;
	_ =	sdelay $0x1  }
0x337: {  	s30 =	simm.s32 $0x17E80;
	v3 =	vmul.u32 $0x4, v1;
	v6 =	vshrl.u32 v9, $0x10  }
0x338: {  	v7 =	vld.idx.msk [tilespmem:v2+s30+$0x0], $0xffff;
	v6 =	vand.u32 $0x1, v6  }
0x339: {  	v8 =	vld.idx.msk [tilespmem:v5+s30+$0x0], $0xffff;
	v5 =	vor.u32 $0x1, v3;
	v6 =	vadd.s32 v6, v9  }
0x33a: {  	v6 =	vadd.s32 $0x7FFF, v6  }
0x33b: {  	s31 =	simm.s32 $0x17EA8;
	v6 =	vand.u32 $0xFFFF0000, v6  }
0x33c: {  	s6 =	simm.s32 $0x17EB0;
	v2 =	vld.idx.msk [tilespmem:v2+s31+$0x0], $0xffff;
	[tilespmem:$0x17EB0] =	vst v6  }
0x33d: {  	v10 =	vld.idx.msk [tilespmem:v3+s6+$0x0], $0xffff  }
0x33e: {  	v6 =	vshrl.u32 v7, $0x10;
	v11 =	vshrl.u32 v8, $0x10;
	v12 =	vld.idx.msk [tilespmem:v5+s6+$0x0], $0xffff  }
0x33f: {  	v6 =	vand.u32 $0x1, v6;
	v11 =	vand.u32 $0x1, v11  }
0x340: {  	v6 =	vadd.s32 v6, v7;
	v7 =	vadd.s32 v11, v8  }
0x341: {  	v6 =	vadd.s32 $0x7FFF, v6;
	v8 =	vadd.s32 $0x7FFF, v7  }
0x342: {  	v7 =	vand.u32 $0xFFFF0000, v6;
	v6 =	vand.u32 $0xFFFF0000, v8  }
0x343: {  	s8 =	simm.s32 $0x0;
	v10 =	vmul.f32 v7, v10;
	v11 =	vmul.f32 v6, v12  }
0x344: {  	vm0 =	vmor vm0, vm1;
	v8 =	vmul.u32 $0x2, v1;
	v12 =	vmov s8  }
0x345: {  	vm0 =	vmor vm0, vm2;
	v13 =	vadd.f32 v11, v10;
	v10 =	vshll.u32 v12, $0x1  }
0x346: {  	vm0 =	vmor vm0, vm3;
	v10 =	vor.u32 v8, v10  }
0x347: {  	s13 =	sadd.s32 $0x4, s7;
	v10 =	vor.u32 v0, v10  }
0x348: {  	s11 =	simm.s32 $0x4;
	v11 =	vor.u32 s13, v1  }
0x349: {  	s12 =	simm.s32 $0x8;
	s10 =	simm.s32 $0x12D40;
	s8 =	simm.s32 $0x11940;
	v12 =	vadd.f32 v13, v2  }
.LBB2_30:
0x34a: {  	s4 =	sadd.s32 $0x10, s4  }
0x34b: {  	s13 =	smov.u32 s12;
	s14 =	sadd.s32 $0x4, s12;
	[tilespmem:s8+$0x0] =	vst v12;
	s8 =	sadd.s32 $0x10, s8  }
0x34c: {  	p0 =	sne.s32 s12, $0x27C;
	[tilespmem:v10+s10+$0x0] =	vst.idx.msk vm0, v9  }
0x34d: {  	v9 =	vld.idx.msk [tilespmem:v11+s5+$0x0], $0xffff  }
0x34e: {  	v10 =	vld [tilespmem:s4+$0x0];
	_ =	sdelay $0x4  }
0x34f: {  	v9 =	vmul.f32 v9, v10;
	_ =	sdelay $0x1  }
0x350: {  	v9 =	vadd.f32 v9, v4;
	_ =	sdelay $0x1  }
0x351: {  	v10 =	vshrl.u32 v9, $0x10  }
0x352: {  	v10 =	vand.u32 $0x1, v10  }
0x353: {  	v10 =	vadd.s32 v10, v9  }
0x354: {  	v10 =	vadd.s32 $0x7FFF, v10  }
0x355: {  	v10 =	vand.u32 $0xFFFF0000, v10  }
0x356: {  	[tilespmem:$0x17EB0] =	vst v10  }
0x357: {  	v10 =	vld.idx.msk [tilespmem:v3+s6+$0x0], $0xffff  }
0x358: {  	v11 =	vld.idx.msk [tilespmem:v5+s6+$0x0], $0xffff;
	_ =	sdelay $0x3  }
0x359: {  	v12 =	vmov s11;
	s11 =	smov.u32 s13  }
0x35a: {  	v13 =	vmul.f32 v7, v10;
	v10 =	vshll.u32 v12, $0x1  }
.Ltmp16:
0x35b: {  	v11 =	vmul.f32 v6, v11;
	v10 =	vor.u32 v8, v10;
	(pc) =	sbr.rel @p0 .LBB2_30-.Ltmp16, $4  }
0x35c: {  	v10 =	vor.u32 v0, v10  }
0x35d: {  	s12 =	sadd.s32 s11, s7;
	v12 =	vadd.f32 v11, v13  }
0x35e: {  	v11 =	vor.u32 s12, v1  }
0x35f: {  	s12 =	smov.u32 s14;
	v12 =	vadd.f32 v12, v2  }
0x360: {  	_ =	sdelay $0x3  }
0x361: {  	[tilespmem:s8+$0x0] =	vst v12  }
0x362: {  	[tilespmem:v10+s10+$0x0] =	vst.idx.msk vm0, v9  }
0x363: {  	s4 =	sadd.s32 $0x10, s4;
	v1 =	vld.idx.msk [tilespmem:v11+s5+$0x0], $0xffff  }
0x364: {  	v9 =	vld [tilespmem:s4+$0x0];
	_ =	sdelay $0x4  }
0x365: {  	v1 =	vmul.f32 v1, v9;
	_ =	sdelay $0x1  }
0x366: {  	v1 =	vadd.f32 v1, v4;
	_ =	sdelay $0x1  }
0x367: {  	v4 =	vshrl.u32 v1, $0x10  }
0x368: {  	v4 =	vand.u32 $0x1, v4  }
0x369: {  	v4 =	vadd.s32 v4, v1  }
0x36a: {  	v4 =	vadd.s32 $0x7FFF, v4  }
0x36b: {  	v4 =	vand.u32 $0xFFFF0000, v4  }
0x36c: {  	[tilespmem:$0x17EB0] =	vst v4  }
0x36d: {  	v3 =	vld.idx.msk [tilespmem:v3+s6+$0x0], $0xffff  }
0x36e: {  	v4 =	vld.idx.msk [tilespmem:v5+s6+$0x0], $0xffff;
	_ =	sdelay $0x3  }
0x36f: {  	v63 =	vmov s11  }
0x370: {  	v5 =	vshll.u32 v63, $0x1;
	v3 =	vmul.f32 v7, v3;
	v4 =	vmul.f32 v6, v4  }
0x371: {  	v5 =	vor.u32 v8, v5  }
0x372: {  	v0 =	vor.u32 v0, v5;
	v3 =	vadd.f32 v4, v3;
	_ =	sdelay $0x1  }
0x373: {  	v2 =	vadd.f32 v3, v2  }
0x374: {  	s24 =	sadd.s32 $0x10, s8  }
0x375: {  	s25 =	sshrl.u32 s9, $0x3;
	s26 =	simm.s32 $0x0;
	[tilespmem:s24+$0x0] =	vst v2  }
0x376: {  	s28 =	simm.s32 $0x11940;
	s29 =	simm.s32 $0x1;
	s3 =	sadd.s32 s3, s25;
	[tilespmem:v0+s10+$0x0] =	vst.idx.msk vm0, v1  }
0x377: {  	[hbm4b:s3+s26] =	stream.linear.scatter [tilespmem:s28], [sflag:$0x1], $0xA00, $0x38;
	[tilespmem:$0x17EC0] =	vst v63  }
0x378: {  	s30 =	smul.u32 $0xA0, s1;
	_ =	swait.ge [sflag:s29], $0xA00  }
0x379: {  	[sflag:s29] =	ssyncset.done $0x0  }
0x37a: {  	s31 =	simm.s32 $0x12D40;
	s2 =	sadd.s32 s2, s30;
	[sflag:s29] =	ssyncadd.s32 $0xFFFFF600  }
0x37b: {  	[hbm4b:s2+s26] =	stream.linear.scatter [tilespmem:s31], [sflag:$0x1], $0x500, $0x38;
	[tilespmem:$0x17EC0] =	vst v63  }
0x37c: {  	_ =	swait.ge [sflag:s29], $0x500  }
0x37d: {  	[sflag:s29] =	ssyncset.done $0x0  }
0x37e: {  	[sflag:s29] =	ssyncadd.s32 $0xFFFFFB00  }
0x37f: {  	_ =	sfence.sel $0x180000  }
0x380: {  	[bflag:$0x0] =	sbarrier.arrive $0xFFFF  }
0x381: {  	p0 =	sne.s32 s1, $0x0;
	_ =	strace $0x90000047  }
0x382: {  	s0 =	sadd.s32 @!p0 $0x100000, s0;
	[bflag:$0x2] =	sbarrier.arrive $0xFFFF  }
0x383: {  	[sflag:s0] =	ssyncadd.tile.s32 @!p0 $0x1;
	_ =	shalt  }
.Lfunc_end2:
_tile_overlayer_lowered:
.L_overlay_start_2:
0x384: {  	(tag) =	ssettag $0x2  }
0x385: {  	s0 =	rddreg [dreg:$0x0];
	s2 =	stileid.u32  }
0x386: {  	s1 =	rddreg [dreg:$0x1];
	p0 =	sne.s32 s2, $0x0  }
0x387: {  	s3 =	rddreg [dreg:$0x2];
	[bflag:$0x3] =	sbarrier.arrive $0xFFFF;
	s2 =	simm.s32 @!p0 $0x1C01  }
0x388: {  	[timem:s3], [sflag:s2] =	dma.local @!p0 [hbm:s0], s1  }
0x389: {  	s0 =	simm.s32 @!p0 $0x1  }
0x38a: {  	_ =	swait.ge @!p0 [sflag:s0], s1  }
0x38b: {  	s1 =	ssub.s32 @!p0 $0x0, s1;
	[sflag:s0] =	ssyncset.done @!p0 $0x0  }
0x38c: {  	[sflag:s0] =	ssyncadd.s32 @!p0 s1  }
0x38d: {  	[bflag:$0x3] =	sbarrier.arrive $0xFFFF  }
0x38e: {  	_ =	shalt  }

</sc_bundles>
